<compile_context>
chip_gen: v7x
topology: tpu7x:2x2x1
jax: 0.10.2.dev20260603
libtpu: 0.0.44.dev20260713+nightly
codegen_flags: <defaults>
</compile_context>

<pallas_src>
import functools

import jax
import jax.numpy as jnp
from jax import lax
from jax.experimental import pallas as pl
from jax.experimental.pallas import tpu as pltpu
from jax.experimental.pallas import tpu_sc as plsc

B = 4
S = 8192
D = 768
L = 16
NC = 2
NS = 16
NW = NC * NS
ROWS_PER_W = S // NW
CHUNK = 16
N_CHUNKS = ROWS_PER_W // CHUNK
CGROUPS = D // L


def _pe_add(x_hbm, enc_hbm, out_hbm, *scr):
    enc_v = [scr[0], scr[1]]
    xv = [[scr[2 + 2 * b], scr[2 + 2 * b + 1]] for b in range(B)]
    esem = [scr[10], scr[11]]
    isem = [[scr[12 + 2 * b], scr[12 + 2 * b + 1]] for b in range(B)]
    osem = [[scr[20 + 2 * b], scr[20 + 2 * b + 1]] for b in range(B)]
    wid = lax.axis_index("s") * NC + lax.axis_index("c")
    base = wid * ROWS_PER_W

    def start_enc(ci, p):
        pltpu.async_copy(
            enc_hbm.at[pl.ds(base + ci * CHUNK, CHUNK)], enc_v[p], esem[p])

    def wait_enc(p):
        pltpu.make_async_copy(
            enc_hbm.at[pl.ds(0, CHUNK)], enc_v[p], esem[p]).wait()

    def start_in(ci, b, p):
        pltpu.async_copy(
            x_hbm.at[b, pl.ds(base + ci * CHUNK, CHUNK)], xv[b][p],
            isem[b][p])

    def wait_in(b, p):
        pltpu.make_async_copy(
            x_hbm.at[b, pl.ds(0, CHUNK)], xv[b][p], isem[b][p]).wait()

    def wait_out(b, p):
        pltpu.make_async_copy(
            xv[b][p], out_hbm.at[b, pl.ds(0, CHUNK)], osem[b][p]).wait()

    def add_chunk(buf, ev):
        @plsc.parallel_loop(0, 8 * CHUNK, 1, unroll=1)
        def _(i):
            r = i // 8
            h = (i % 8) * (D // 8)
            for c in range(CGROUPS // 8):
                sl = pl.ds(h + c * L, L)
                plsc.addupdate(buf.at[r, sl], ev[r, sl])

    def phase(ci, p):
        s0 = base + ci * CHUNK
        ci_next = jnp.minimum(ci + 1, N_CHUNKS - 1)
        start_enc(ci_next, 1 - p)
        for b in range(B):
            @pl.when(ci > 0)
            def _():
                wait_out(b, 1 - p)

            start_in(ci_next, b, 1 - p)
        wait_enc(p)
        for b in range(B):
            wait_in(b, p)
            add_chunk(xv[b][p], enc_v[p])
            pltpu.async_copy(
                xv[b][p], out_hbm.at[b, pl.ds(s0, CHUNK)], osem[b][p])

    start_enc(0, 0)
    for b in range(B):
        start_in(0, b, 0)

    def pair_body(ci2, carry):
        phase(2 * ci2, 0)
        phase(2 * ci2 + 1, 1)
        return carry

    lax.fori_loop(0, N_CHUNKS // 2, pair_body, 0)
    wait_enc(0)
    for b in range(B):
        wait_out(b, 1)
        wait_in(b, 0)


@jax.jit
def kernel(x, encoding):
    mesh = plsc.VectorSubcoreMesh(core_axis_name="c", subcore_axis_name="s")
    scratch = [pltpu.VMEM((CHUNK, D), jnp.float32)] * 2
    scratch += [pltpu.VMEM((CHUNK, D), jnp.float32)] * 8
    scratch += [pltpu.SemaphoreType.DMA] * 18
    f = functools.partial(
        pl.kernel,
        mesh=mesh,
        out_type=jax.ShapeDtypeStruct((B, S, D), jnp.float32),
        scratch_types=scratch,
    )(_pe_add)
    return f(x, encoding)

# --- scband reference (transcript-rebuilt; emitter-appended) ---
"""Pipeline reference for scband-positional-encoding-8564164789044 (READ-ONLY COPY).

The authoritative reference and input builder live on the scoring server;
editing this copy changes nothing except your own understanding.
"""

import jax, jax.numpy as jnp
import numpy as np

D_MODEL = 768
MAX_LEN = 8192
BATCH = 4
SEQ_LEN = 8192


def setup_inputs(seed: int = 0) -> dict:
    key = jax.random.key(seed)
    kx, kw = jax.random.split(key)
    x = jax.random.normal(kx, (BATCH, SEQ_LEN, D_MODEL), dtype=jnp.float32)
    # nn.Embedding default init: N(0, 1)
    encoding = jax.random.normal(kw, (MAX_LEN, D_MODEL), dtype=jnp.float32)
    return {"x": x, "encoding": encoding}


def reference(x, encoding):
    batch_size, seq_len, _ = x.shape
    positions = jnp.arange(seq_len, dtype=jnp.int32)  # [S]
    positions = jnp.broadcast_to(positions[None, :], (batch_size, seq_len))  # [B, S]
    pos_emb = jnp.take(encoding, positions, axis=0)  # [B, S, D] gather
    return x + pos_emb

if __name__ == "__main__":
    import jax
    _d = setup_inputs()
    print(jax.jit(kernel)(*tuple(_d.values())))

</pallas_src>

<mosaic_0001>
#map = affine_map<(d0, d1) -> (0, 0, 0)>
#map1 = affine_map<(d0, d1) -> (0, 0)>
module attributes {stable_mosaic.version = 14 : i64} {
  func.func @_pe_add(%arg0: i32, %arg1: i32, %arg2: memref<4x8192x768xf32, #tpu.memory_space<hbm>>, %arg3: memref<8192x768xf32, #tpu.memory_space<hbm>>, %arg4: memref<4x8192x768xf32, #tpu.memory_space<hbm>>, %arg5: memref<16x768xf32, #tpu.memory_space<vmem>>, %arg6: memref<16x768xf32, #tpu.memory_space<vmem>>, %arg7: memref<16x768xf32, #tpu.memory_space<vmem>>, %arg8: memref<16x768xf32, #tpu.memory_space<vmem>>, %arg9: memref<16x768xf32, #tpu.memory_space<vmem>>, %arg10: memref<16x768xf32, #tpu.memory_space<vmem>>, %arg11: memref<16x768xf32, #tpu.memory_space<vmem>>, %arg12: memref<16x768xf32, #tpu.memory_space<vmem>>, %arg13: memref<16x768xf32, #tpu.memory_space<vmem>>, %arg14: memref<16x768xf32, #tpu.memory_space<vmem>>, %arg15: memref<!tpu.dma_semaphore, #tpu.memory_space<semaphore_mem>>, %arg16: memref<!tpu.dma_semaphore, #tpu.memory_space<semaphore_mem>>, %arg17: memref<!tpu.dma_semaphore, #tpu.memory_space<semaphore_mem>>, %arg18: memref<!tpu.dma_semaphore, #tpu.memory_space<semaphore_mem>>, %arg19: memref<!tpu.dma_semaphore, #tpu.memory_space<semaphore_mem>>, %arg20: memref<!tpu.dma_semaphore, #tpu.memory_space<semaphore_mem>>, %arg21: memref<!tpu.dma_semaphore, #tpu.memory_space<semaphore_mem>>, %arg22: memref<!tpu.dma_semaphore, #tpu.memory_space<semaphore_mem>>, %arg23: memref<!tpu.dma_semaphore, #tpu.memory_space<semaphore_mem>>, %arg24: memref<!tpu.dma_semaphore, #tpu.memory_space<semaphore_mem>>, %arg25: memref<!tpu.dma_semaphore, #tpu.memory_space<semaphore_mem>>, %arg26: memref<!tpu.dma_semaphore, #tpu.memory_space<semaphore_mem>>, %arg27: memref<!tpu.dma_semaphore, #tpu.memory_space<semaphore_mem>>, %arg28: memref<!tpu.dma_semaphore, #tpu.memory_space<semaphore_mem>>, %arg29: memref<!tpu.dma_semaphore, #tpu.memory_space<semaphore_mem>>, %arg30: memref<!tpu.dma_semaphore, #tpu.memory_space<semaphore_mem>>, %arg31: memref<!tpu.dma_semaphore, #tpu.memory_space<semaphore_mem>>, %arg32: memref<!tpu.dma_semaphore, #tpu.memory_space<semaphore_mem>>) attributes {dimension_semantics = [#tpu.dimension_semantics<core_parallel>, #tpu.dimension_semantics<subcore_parallel>], iteration_bounds = array<i64: 2, 16>, scalar_prefetch = 0 : i64, scratch_operands = 28 : i64, tpu.core_type = #tpu.core_type<sc_vector_subcore>, window_params = [{transform_indices = #map}, {transform_indices = #map1}, {transform_indices = #map}]} {
    %mul3A = arith.constant 2 : i32
    %mul3A_0 = arith.muli %arg1, %mul3A : i32
    %add3A = arith.addi %mul3A_0, %arg0 : i32
    %mul3A_1 = arith.constant 256 : i32
    %mul3A_2 = arith.muli %add3A, %mul3A_1 : i32
    %add3A_3 = arith.constant 0 : i32
    %add3A_4 = arith.addi %mul3A_2, %add3A_3 : i32
    %dma_start3A = arith.constant 0 : i32
    %dma_start3A_5 = tpu.memref_slice %arg3[%add3A_4, %dma_start3A] : memref<8192x768xf32, #tpu.memory_space<hbm>> -> memref<16x768xf32, #tpu.memory_space<hbm>>
    %dma_start3A_6 = arith.constant 0 : i32
    %dma_start3A_7 = tpu.memref_slice %arg3[%add3A_4, %dma_start3A_6] : memref<8192x768xf32, #tpu.memory_space<hbm>> -> memref<16x768xf32, #tpu.memory_space<hbm>>
    tpu.enqueue_dma source(%dma_start3A_7 : memref<16x768xf32, #tpu.memory_space<hbm>>) target(%arg5 : memref<16x768xf32, #tpu.memory_space<vmem>>) target_semaphore(%arg15 : memref<!tpu.dma_semaphore, #tpu.memory_space<semaphore_mem>>)
    %add3A_8 = arith.constant 0 : i32
    %add3A_9 = arith.addi %mul3A_2, %add3A_8 : i32
    %dma_start3A_10 = arith.constant 0 : i32
    %dma_start3A_11 = arith.constant 0 : i32
    %dma_start3A_12 = tpu.memref_slice %arg2[%dma_start3A_10, %add3A_9, %dma_start3A_11] : memref<4x8192x768xf32, #tpu.memory_space<hbm>> -> memref<1x16x768xf32, #tpu.memory_space<hbm>>
    %dma_start3A_13 = tpu.memref_squeeze %dma_start3A_12 : memref<1x16x768xf32, #tpu.memory_space<hbm>> -> memref<16x768xf32, #tpu.memory_space<hbm>>
    %dma_start3A_14 = arith.constant 0 : i32
    %dma_start3A_15 = tpu.memref_slice %arg2[%dma_start3A_10, %add3A_9, %dma_start3A_14] : memref<4x8192x768xf32, #tpu.memory_space<hbm>> -> memref<1x16x768xf32, #tpu.memory_space<hbm>>
    %dma_start3A_16 = tpu.memref_squeeze %dma_start3A_15 : memref<1x16x768xf32, #tpu.memory_space<hbm>> -> memref<16x768xf32, #tpu.memory_space<hbm>>
    tpu.enqueue_dma source(%dma_start3A_16 : memref<16x768xf32, #tpu.memory_space<hbm>>) target(%arg7 : memref<16x768xf32, #tpu.memory_space<vmem>>) target_semaphore(%arg17 : memref<!tpu.dma_semaphore, #tpu.memory_space<semaphore_mem>>)
    %add3A_17 = arith.constant 0 : i32
    %add3A_18 = arith.addi %mul3A_2, %add3A_17 : i32
    %dma_start3A_19 = arith.constant 1 : i32
    %dma_start3A_20 = arith.constant 0 : i32
    %dma_start3A_21 = tpu.memref_slice %arg2[%dma_start3A_19, %add3A_18, %dma_start3A_20] : memref<4x8192x768xf32, #tpu.memory_space<hbm>> -> memref<1x16x768xf32, #tpu.memory_space<hbm>>
    %dma_start3A_22 = tpu.memref_squeeze %dma_start3A_21 : memref<1x16x768xf32, #tpu.memory_space<hbm>> -> memref<16x768xf32, #tpu.memory_space<hbm>>
    %dma_start3A_23 = arith.constant 0 : i32
    %dma_start3A_24 = tpu.memref_slice %arg2[%dma_start3A_19, %add3A_18, %dma_start3A_23] : memref<4x8192x768xf32, #tpu.memory_space<hbm>> -> memref<1x16x768xf32, #tpu.memory_space<hbm>>
    %dma_start3A_25 = tpu.memref_squeeze %dma_start3A_24 : memref<1x16x768xf32, #tpu.memory_space<hbm>> -> memref<16x768xf32, #tpu.memory_space<hbm>>
    tpu.enqueue_dma source(%dma_start3A_25 : memref<16x768xf32, #tpu.memory_space<hbm>>) target(%arg9 : memref<16x768xf32, #tpu.memory_space<vmem>>) target_semaphore(%arg19 : memref<!tpu.dma_semaphore, #tpu.memory_space<semaphore_mem>>)
    %add3A_26 = arith.constant 0 : i32
    %add3A_27 = arith.addi %mul3A_2, %add3A_26 : i32
    %dma_start3A_28 = arith.constant 2 : i32
    %dma_start3A_29 = arith.constant 0 : i32
    %dma_start3A_30 = tpu.memref_slice %arg2[%dma_start3A_28, %add3A_27, %dma_start3A_29] : memref<4x8192x768xf32, #tpu.memory_space<hbm>> -> memref<1x16x768xf32, #tpu.memory_space<hbm>>
    %dma_start3A_31 = tpu.memref_squeeze %dma_start3A_30 : memref<1x16x768xf32, #tpu.memory_space<hbm>> -> memref<16x768xf32, #tpu.memory_space<hbm>>
    %dma_start3A_32 = arith.constant 0 : i32
    %dma_start3A_33 = tpu.memref_slice %arg2[%dma_start3A_28, %add3A_27, %dma_start3A_32] : memref<4x8192x768xf32, #tpu.memory_space<hbm>> -> memref<1x16x768xf32, #tpu.memory_space<hbm>>
    %dma_start3A_34 = tpu.memref_squeeze %dma_start3A_33 : memref<1x16x768xf32, #tpu.memory_space<hbm>> -> memref<16x768xf32, #tpu.memory_space<hbm>>
    tpu.enqueue_dma source(%dma_start3A_34 : memref<16x768xf32, #tpu.memory_space<hbm>>) target(%arg11 : memref<16x768xf32, #tpu.memory_space<vmem>>) target_semaphore(%arg21 : memref<!tpu.dma_semaphore, #tpu.memory_space<semaphore_mem>>)
    %add3A_35 = arith.constant 0 : i32
    %add3A_36 = arith.addi %mul3A_2, %add3A_35 : i32
    %dma_start3A_37 = arith.constant 3 : i32
    %dma_start3A_38 = arith.constant 0 : i32
    %dma_start3A_39 = tpu.memref_slice %arg2[%dma_start3A_37, %add3A_36, %dma_start3A_38] : memref<4x8192x768xf32, #tpu.memory_space<hbm>> -> memref<1x16x768xf32, #tpu.memory_space<hbm>>
    %dma_start3A_40 = tpu.memref_squeeze %dma_start3A_39 : memref<1x16x768xf32, #tpu.memory_space<hbm>> -> memref<16x768xf32, #tpu.memory_space<hbm>>
    %dma_start3A_41 = arith.constant 0 : i32
    %dma_start3A_42 = tpu.memref_slice %arg2[%dma_start3A_37, %add3A_36, %dma_start3A_41] : memref<4x8192x768xf32, #tpu.memory_space<hbm>> -> memref<1x16x768xf32, #tpu.memory_space<hbm>>
    %dma_start3A_43 = tpu.memref_squeeze %dma_start3A_42 : memref<1x16x768xf32, #tpu.memory_space<hbm>> -> memref<16x768xf32, #tpu.memory_space<hbm>>
    tpu.enqueue_dma source(%dma_start3A_43 : memref<16x768xf32, #tpu.memory_space<hbm>>) target(%arg13 : memref<16x768xf32, #tpu.memory_space<vmem>>) target_semaphore(%arg23 : memref<!tpu.dma_semaphore, #tpu.memory_space<semaphore_mem>>)
    %scan3A = arith.constant 0 : i32
    %scan3A_44 = arith.constant 0 : i32
    %scan3A_45 = arith.constant 8 : i32
    %scan3A_46 = arith.addi %scan3A_44, %scan3A_45 : i32
    %scan3A_47 = arith.constant 1 : i32
    scf.for %scan3A_126 = %scan3A_44 to %scan3A_46 step %scan3A_47  : i32 {
      %mul3A_127 = arith.constant 2 : i32
      %mul3A_128 = arith.muli %mul3A_127, %scan3A_126 : i32
      %mul3A_129 = arith.constant 16 : i32
      %mul3A_130 = arith.muli %mul3A_128, %mul3A_129 : i32
      %add3A_131 = arith.addi %mul3A_2, %mul3A_130 : i32
      %add3A_132 = arith.constant 1 : i32
      %add3A_133 = arith.addi %mul3A_128, %add3A_132 : i32
      %min3A = arith.constant 15 : i32
      %min3A_134 = arith.minsi %add3A_133, %min3A : i32
      %mul3A_135 = arith.constant 16 : i32
      %mul3A_136 = arith.muli %min3A_134, %mul3A_135 : i32
      %add3A_137 = arith.addi %mul3A_2, %mul3A_136 : i32
      %dma_start3A_138 = arith.constant 0 : i32
      %dma_start3A_139 = tpu.memref_slice %arg3[%add3A_137, %dma_start3A_138] : memref<8192x768xf32, #tpu.memory_space<hbm>> -> memref<16x768xf32, #tpu.memory_space<hbm>>
      %dma_start3A_140 = arith.constant 0 : i32
      %dma_start3A_141 = tpu.memref_slice %arg3[%add3A_137, %dma_start3A_140] : memref<8192x768xf32, #tpu.memory_space<hbm>> -> memref<16x768xf32, #tpu.memory_space<hbm>>
      tpu.enqueue_dma source(%dma_start3A_141 : memref<16x768xf32, #tpu.memory_space<hbm>>) target(%arg6 : memref<16x768xf32, #tpu.memory_space<vmem>>) target_semaphore(%arg16 : memref<!tpu.dma_semaphore, #tpu.memory_space<semaphore_mem>>)
      %gt3A = arith.constant 0 : i32
      %gt3A_142 = arith.cmpi sgt, %mul3A_128, %gt3A : i32
      %convert_element_type3A = arith.extui %gt3A_142 : i1 to i32
      %cond3A = arith.constant 0 : i32
      %cond3A_143 = arith.cmpi ne, %convert_element_type3A, %cond3A : i32
      scf.if %cond3A_143 {
        %dma_wait3A_440 = arith.constant 0 : i32
        %dma_wait3A_441 = arith.constant 0 : i32
        %dma_wait3A_442 = arith.constant 0 : i32
        %dma_wait3A_443 = tpu.memref_slice %arg4[%dma_wait3A_440, %dma_wait3A_441, %dma_wait3A_442] : memref<4x8192x768xf32, #tpu.memory_space<hbm>> -> memref<1x16x768xf32, #tpu.memory_space<hbm>>
        %dma_wait3A_444 = tpu.memref_squeeze %dma_wait3A_443 : memref<1x16x768xf32, #tpu.memory_space<hbm>> -> memref<16x768xf32, #tpu.memory_space<hbm>>
        %dma_wait3A_445 = arith.constant 0 : i32
        %dma_wait3A_446 = arith.constant 0 : i32
        %dma_wait3A_447 = tpu.memref_slice %arg4[%dma_wait3A_440, %dma_wait3A_445, %dma_wait3A_446] : memref<4x8192x768xf32, #tpu.memory_space<hbm>> -> memref<1x16x768xf32, #tpu.memory_space<hbm>>
        %dma_wait3A_448 = tpu.memref_squeeze %dma_wait3A_447 : memref<1x16x768xf32, #tpu.memory_space<hbm>> -> memref<16x768xf32, #tpu.memory_space<hbm>>
        tpu.wait_dma2 semaphore(%arg26 : memref<!tpu.dma_semaphore, #tpu.memory_space<semaphore_mem>>) src(%arg8 : memref<16x768xf32, #tpu.memory_space<vmem>>) dst(%dma_wait3A_448 : memref<16x768xf32, #tpu.memory_space<hbm>>)
      } else {
      }
      %mul3A_144 = arith.constant 16 : i32
      %mul3A_145 = arith.muli %min3A_134, %mul3A_144 : i32
      %add3A_146 = arith.addi %mul3A_2, %mul3A_145 : i32
      %dma_start3A_147 = arith.constant 0 : i32
      %dma_start3A_148 = arith.constant 0 : i32
      %dma_start3A_149 = tpu.memref_slice %arg2[%dma_start3A_147, %add3A_146, %dma_start3A_148] : memref<4x8192x768xf32, #tpu.memory_space<hbm>> -> memref<1x16x768xf32, #tpu.memory_space<hbm>>
      %dma_start3A_150 = tpu.memref_squeeze %dma_start3A_149 : memref<1x16x768xf32, #tpu.memory_space<hbm>> -> memref<16x768xf32, #tpu.memory_space<hbm>>
      %dma_start3A_151 = arith.constant 0 : i32
      %dma_start3A_152 = tpu.memref_slice %arg2[%dma_start3A_147, %add3A_146, %dma_start3A_151] : memref<4x8192x768xf32, #tpu.memory_space<hbm>> -> memref<1x16x768xf32, #tpu.memory_space<hbm>>
      %dma_start3A_153 = tpu.memref_squeeze %dma_start3A_152 : memref<1x16x768xf32, #tpu.memory_space<hbm>> -> memref<16x768xf32, #tpu.memory_space<hbm>>
      tpu.enqueue_dma source(%dma_start3A_153 : memref<16x768xf32, #tpu.memory_space<hbm>>) target(%arg8 : memref<16x768xf32, #tpu.memory_space<vmem>>) target_semaphore(%arg18 : memref<!tpu.dma_semaphore, #tpu.memory_space<semaphore_mem>>)
      %gt3A_154 = arith.constant 0 : i32
      %gt3A_155 = arith.cmpi sgt, %mul3A_128, %gt3A_154 : i32
      %convert_element_type3A_156 = arith.extui %gt3A_155 : i1 to i32
      %cond3A_157 = arith.constant 0 : i32
      %cond3A_158 = arith.cmpi ne, %convert_element_type3A_156, %cond3A_157 : i32
      scf.if %cond3A_158 {
        %dma_wait3A_440 = arith.constant 1 : i32
        %dma_wait3A_441 = arith.constant 0 : i32
        %dma_wait3A_442 = arith.constant 0 : i32
        %dma_wait3A_443 = tpu.memref_slice %arg4[%dma_wait3A_440, %dma_wait3A_441, %dma_wait3A_442] : memref<4x8192x768xf32, #tpu.memory_space<hbm>> -> memref<1x16x768xf32, #tpu.memory_space<hbm>>
        %dma_wait3A_444 = tpu.memref_squeeze %dma_wait3A_443 : memref<1x16x768xf32, #tpu.memory_space<hbm>> -> memref<16x768xf32, #tpu.memory_space<hbm>>
        %dma_wait3A_445 = arith.constant 0 : i32
        %dma_wait3A_446 = arith.constant 0 : i32
        %dma_wait3A_447 = tpu.memref_slice %arg4[%dma_wait3A_440, %dma_wait3A_445, %dma_wait3A_446] : memref<4x8192x768xf32, #tpu.memory_space<hbm>> -> memref<1x16x768xf32, #tpu.memory_space<hbm>>
        %dma_wait3A_448 = tpu.memref_squeeze %dma_wait3A_447 : memref<1x16x768xf32, #tpu.memory_space<hbm>> -> memref<16x768xf32, #tpu.memory_space<hbm>>
        tpu.wait_dma2 semaphore(%arg28 : memref<!tpu.dma_semaphore, #tpu.memory_space<semaphore_mem>>) src(%arg10 : memref<16x768xf32, #tpu.memory_space<vmem>>) dst(%dma_wait3A_448 : memref<16x768xf32, #tpu.memory_space<hbm>>)
      } else {
      }
      %mul3A_159 = arith.constant 16 : i32
      %mul3A_160 = arith.muli %min3A_134, %mul3A_159 : i32
      %add3A_161 = arith.addi %mul3A_2, %mul3A_160 : i32
      %dma_start3A_162 = arith.constant 1 : i32
      %dma_start3A_163 = arith.constant 0 : i32
      %dma_start3A_164 = tpu.memref_slice %arg2[%dma_start3A_162, %add3A_161, %dma_start3A_163] : memref<4x8192x768xf32, #tpu.memory_space<hbm>> -> memref<1x16x768xf32, #tpu.memory_space<hbm>>
      %dma_start3A_165 = tpu.memref_squeeze %dma_start3A_164 : memref<1x16x768xf32, #tpu.memory_space<hbm>> -> memref<16x768xf32, #tpu.memory_space<hbm>>
      %dma_start3A_166 = arith.constant 0 : i32
      %dma_start3A_167 = tpu.memref_slice %arg2[%dma_start3A_162, %add3A_161, %dma_start3A_166] : memref<4x8192x768xf32, #tpu.memory_space<hbm>> -> memref<1x16x768xf32, #tpu.memory_space<hbm>>
      %dma_start3A_168 = tpu.memref_squeeze %dma_start3A_167 : memref<1x16x768xf32, #tpu.memory_space<hbm>> -> memref<16x768xf32, #tpu.memory_space<hbm>>
      tpu.enqueue_dma source(%dma_start3A_168 : memref<16x768xf32, #tpu.memory_space<hbm>>) target(%arg10 : memref<16x768xf32, #tpu.memory_space<vmem>>) target_semaphore(%arg20 : memref<!tpu.dma_semaphore, #tpu.memory_space<semaphore_mem>>)
      %gt3A_169 = arith.constant 0 : i32
      %gt3A_170 = arith.cmpi sgt, %mul3A_128, %gt3A_169 : i32
      %convert_element_type3A_171 = arith.extui %gt3A_170 : i1 to i32
      %cond3A_172 = arith.constant 0 : i32
      %cond3A_173 = arith.cmpi ne, %convert_element_type3A_171, %cond3A_172 : i32
      scf.if %cond3A_173 {
        %dma_wait3A_440 = arith.constant 2 : i32
        %dma_wait3A_441 = arith.constant 0 : i32
        %dma_wait3A_442 = arith.constant 0 : i32
        %dma_wait3A_443 = tpu.memref_slice %arg4[%dma_wait3A_440, %dma_wait3A_441, %dma_wait3A_442] : memref<4x8192x768xf32, #tpu.memory_space<hbm>> -> memref<1x16x768xf32, #tpu.memory_space<hbm>>
        %dma_wait3A_444 = tpu.memref_squeeze %dma_wait3A_443 : memref<1x16x768xf32, #tpu.memory_space<hbm>> -> memref<16x768xf32, #tpu.memory_space<hbm>>
        %dma_wait3A_445 = arith.constant 0 : i32
        %dma_wait3A_446 = arith.constant 0 : i32
        %dma_wait3A_447 = tpu.memref_slice %arg4[%dma_wait3A_440, %dma_wait3A_445, %dma_wait3A_446] : memref<4x8192x768xf32, #tpu.memory_space<hbm>> -> memref<1x16x768xf32, #tpu.memory_space<hbm>>
        %dma_wait3A_448 = tpu.memref_squeeze %dma_wait3A_447 : memref<1x16x768xf32, #tpu.memory_space<hbm>> -> memref<16x768xf32, #tpu.memory_space<hbm>>
        tpu.wait_dma2 semaphore(%arg30 : memref<!tpu.dma_semaphore, #tpu.memory_space<semaphore_mem>>) src(%arg12 : memref<16x768xf32, #tpu.memory_space<vmem>>) dst(%dma_wait3A_448 : memref<16x768xf32, #tpu.memory_space<hbm>>)
      } else {
      }
      %mul3A_174 = arith.constant 16 : i32
      %mul3A_175 = arith.muli %min3A_134, %mul3A_174 : i32
      %add3A_176 = arith.addi %mul3A_2, %mul3A_175 : i32
      %dma_start3A_177 = arith.constant 2 : i32
      %dma_start3A_178 = arith.constant 0 : i32
      %dma_start3A_179 = tpu.memref_slice %arg2[%dma_start3A_177, %add3A_176, %dma_start3A_178] : memref<4x8192x768xf32, #tpu.memory_space<hbm>> -> memref<1x16x768xf32, #tpu.memory_space<hbm>>
      %dma_start3A_180 = tpu.memref_squeeze %dma_start3A_179 : memref<1x16x768xf32, #tpu.memory_space<hbm>> -> memref<16x768xf32, #tpu.memory_space<hbm>>
      %dma_start3A_181 = arith.constant 0 : i32
      %dma_start3A_182 = tpu.memref_slice %arg2[%dma_start3A_177, %add3A_176, %dma_start3A_181] : memref<4x8192x768xf32, #tpu.memory_space<hbm>> -> memref<1x16x768xf32, #tpu.memory_space<hbm>>
      %dma_start3A_183 = tpu.memref_squeeze %dma_start3A_182 : memref<1x16x768xf32, #tpu.memory_space<hbm>> -> memref<16x768xf32, #tpu.memory_space<hbm>>
      tpu.enqueue_dma source(%dma_start3A_183 : memref<16x768xf32, #tpu.memory_space<hbm>>) target(%arg12 : memref<16x768xf32, #tpu.memory_space<vmem>>) target_semaphore(%arg22 : memref<!tpu.dma_semaphore, #tpu.memory_space<semaphore_mem>>)
      %gt3A_184 = arith.constant 0 : i32
      %gt3A_185 = arith.cmpi sgt, %mul3A_128, %gt3A_184 : i32
      %convert_element_type3A_186 = arith.extui %gt3A_185 : i1 to i32
      %cond3A_187 = arith.constant 0 : i32
      %cond3A_188 = arith.cmpi ne, %convert_element_type3A_186, %cond3A_187 : i32
      scf.if %cond3A_188 {
        %dma_wait3A_440 = arith.constant 3 : i32
        %dma_wait3A_441 = arith.constant 0 : i32
        %dma_wait3A_442 = arith.constant 0 : i32
        %dma_wait3A_443 = tpu.memref_slice %arg4[%dma_wait3A_440, %dma_wait3A_441, %dma_wait3A_442] : memref<4x8192x768xf32, #tpu.memory_space<hbm>> -> memref<1x16x768xf32, #tpu.memory_space<hbm>>
        %dma_wait3A_444 = tpu.memref_squeeze %dma_wait3A_443 : memref<1x16x768xf32, #tpu.memory_space<hbm>> -> memref<16x768xf32, #tpu.memory_space<hbm>>
        %dma_wait3A_445 = arith.constant 0 : i32
        %dma_wait3A_446 = arith.constant 0 : i32
        %dma_wait3A_447 = tpu.memref_slice %arg4[%dma_wait3A_440, %dma_wait3A_445, %dma_wait3A_446] : memref<4x8192x768xf32, #tpu.memory_space<hbm>> -> memref<1x16x768xf32, #tpu.memory_space<hbm>>
        %dma_wait3A_448 = tpu.memref_squeeze %dma_wait3A_447 : memref<1x16x768xf32, #tpu.memory_space<hbm>> -> memref<16x768xf32, #tpu.memory_space<hbm>>
        tpu.wait_dma2 semaphore(%arg32 : memref<!tpu.dma_semaphore, #tpu.memory_space<semaphore_mem>>) src(%arg14 : memref<16x768xf32, #tpu.memory_space<vmem>>) dst(%dma_wait3A_448 : memref<16x768xf32, #tpu.memory_space<hbm>>)
      } else {
      }
      %mul3A_189 = arith.constant 16 : i32
      %mul3A_190 = arith.muli %min3A_134, %mul3A_189 : i32
      %add3A_191 = arith.addi %mul3A_2, %mul3A_190 : i32
      %dma_start3A_192 = arith.constant 3 : i32
      %dma_start3A_193 = arith.constant 0 : i32
      %dma_start3A_194 = tpu.memref_slice %arg2[%dma_start3A_192, %add3A_191, %dma_start3A_193] : memref<4x8192x768xf32, #tpu.memory_space<hbm>> -> memref<1x16x768xf32, #tpu.memory_space<hbm>>
      %dma_start3A_195 = tpu.memref_squeeze %dma_start3A_194 : memref<1x16x768xf32, #tpu.memory_space<hbm>> -> memref<16x768xf32, #tpu.memory_space<hbm>>
      %dma_start3A_196 = arith.constant 0 : i32
      %dma_start3A_197 = tpu.memref_slice %arg2[%dma_start3A_192, %add3A_191, %dma_start3A_196] : memref<4x8192x768xf32, #tpu.memory_space<hbm>> -> memref<1x16x768xf32, #tpu.memory_space<hbm>>
      %dma_start3A_198 = tpu.memref_squeeze %dma_start3A_197 : memref<1x16x768xf32, #tpu.memory_space<hbm>> -> memref<16x768xf32, #tpu.memory_space<hbm>>
      tpu.enqueue_dma source(%dma_start3A_198 : memref<16x768xf32, #tpu.memory_space<hbm>>) target(%arg14 : memref<16x768xf32, #tpu.memory_space<vmem>>) target_semaphore(%arg24 : memref<!tpu.dma_semaphore, #tpu.memory_space<semaphore_mem>>)
      %dma_wait3A_199 = arith.constant 0 : i32
      %dma_wait3A_200 = arith.constant 0 : i32
      %dma_wait3A_201 = tpu.memref_slice %arg3[%dma_wait3A_199, %dma_wait3A_200] : memref<8192x768xf32, #tpu.memory_space<hbm>> -> memref<16x768xf32, #tpu.memory_space<hbm>>
      %dma_wait3A_202 = arith.constant 0 : i32
      %dma_wait3A_203 = arith.constant 0 : i32
      %dma_wait3A_204 = tpu.memref_slice %arg3[%dma_wait3A_202, %dma_wait3A_203] : memref<8192x768xf32, #tpu.memory_space<hbm>> -> memref<16x768xf32, #tpu.memory_space<hbm>>
      tpu.wait_dma2 semaphore(%arg15 : memref<!tpu.dma_semaphore, #tpu.memory_space<semaphore_mem>>) src(%dma_wait3A_204 : memref<16x768xf32, #tpu.memory_space<hbm>>) dst(%arg5 : memref<16x768xf32, #tpu.memory_space<vmem>>)
      %dma_wait3A_205 = arith.constant 0 : i32
      %dma_wait3A_206 = arith.constant 0 : i32
      %dma_wait3A_207 = arith.constant 0 : i32
      %dma_wait3A_208 = tpu.memref_slice %arg2[%dma_wait3A_205, %dma_wait3A_206, %dma_wait3A_207] : memref<4x8192x768xf32, #tpu.memory_space<hbm>> -> memref<1x16x768xf32, #tpu.memory_space<hbm>>
      %dma_wait3A_209 = tpu.memref_squeeze %dma_wait3A_208 : memref<1x16x768xf32, #tpu.memory_space<hbm>> -> memref<16x768xf32, #tpu.memory_space<hbm>>
      %dma_wait3A_210 = arith.constant 0 : i32
      %dma_wait3A_211 = arith.constant 0 : i32
      %dma_wait3A_212 = tpu.memref_slice %arg2[%dma_wait3A_205, %dma_wait3A_210, %dma_wait3A_211] : memref<4x8192x768xf32, #tpu.memory_space<hbm>> -> memref<1x16x768xf32, #tpu.memory_space<hbm>>
      %dma_wait3A_213 = tpu.memref_squeeze %dma_wait3A_212 : memref<1x16x768xf32, #tpu.memory_space<hbm>> -> memref<16x768xf32, #tpu.memory_space<hbm>>
      tpu.wait_dma2 semaphore(%arg17 : memref<!tpu.dma_semaphore, #tpu.memory_space<semaphore_mem>>) src(%dma_wait3A_213 : memref<16x768xf32, #tpu.memory_space<hbm>>) dst(%arg7 : memref<16x768xf32, #tpu.memory_space<vmem>>)
      %parallel_loop3A = arith.constant 0 : i32
      %parallel_loop3A_214 = arith.constant 128 : i32
      %parallel_loop3A_215 = arith.constant 1 : i32
      scf.for %parallel_loop3A_440 = %parallel_loop3A to %parallel_loop3A_214 step %parallel_loop3A_215  : i32 {
        %parallel_loop3A_441 = arith.constant 8 : i32
        %parallel_loop3A_442 = arith.divsi %parallel_loop3A_440, %parallel_loop3A_441 : i32
        %parallel_loop3A_443 = arith.constant 0 : i32
        %parallel_loop3A_444 = arith.cmpi sgt, %parallel_loop3A_440, %parallel_loop3A_443 : i32
        %parallel_loop3A_445 = arith.extui %parallel_loop3A_444 : i1 to i32
        %parallel_loop3A_446 = arith.constant 0 : i32
        %parallel_loop3A_447 = arith.cmpi slt, %parallel_loop3A_440, %parallel_loop3A_446 : i32
        %parallel_loop3A_448 = arith.extui %parallel_loop3A_447 : i1 to i32
        %parallel_loop3A_449 = arith.subi %parallel_loop3A_445, %parallel_loop3A_448 : i32
        %parallel_loop3A_450 = arith.constant 0 : i32
        %parallel_loop3A_451 = arith.cmpi sgt, %parallel_loop3A_441, %parallel_loop3A_450 : i32
        %parallel_loop3A_452 = arith.extui %parallel_loop3A_451 : i1 to i32
        %parallel_loop3A_453 = arith.constant 0 : i32
        %parallel_loop3A_454 = arith.cmpi slt, %parallel_loop3A_441, %parallel_loop3A_453 : i32
        %parallel_loop3A_455 = arith.extui %parallel_loop3A_454 : i1 to i32
        %parallel_loop3A_456 = arith.subi %parallel_loop3A_452, %parallel_loop3A_455 : i32
        %parallel_loop3A_457 = arith.cmpi ne, %parallel_loop3A_449, %parallel_loop3A_456 : i32
        %parallel_loop3A_458 = arith.remsi %parallel_loop3A_440, %parallel_loop3A_441 : i32
        %parallel_loop3A_459 = arith.constant 0 : i32
        %parallel_loop3A_460 = arith.cmpi ne, %parallel_loop3A_458, %parallel_loop3A_459 : i32
        %parallel_loop3A_461 = arith.andi %parallel_loop3A_457, %parallel_loop3A_460 : i1
        %parallel_loop3A_462 = arith.constant 1 : i32
        %parallel_loop3A_463 = arith.subi %parallel_loop3A_442, %parallel_loop3A_462 : i32
        %parallel_loop3A_464 = arith.select %parallel_loop3A_461, %parallel_loop3A_463, %parallel_loop3A_442 : i32
        %parallel_loop3A_465 = arith.constant 8 : i32
        %parallel_loop3A_466 = arith.constant 0 : i32
        %parallel_loop3A_467 = arith.cmpi eq, %parallel_loop3A_465, %parallel_loop3A_466 : i32
        %parallel_loop3A_468 = arith.constant 1 : i32
        %parallel_loop3A_469 = arith.select %parallel_loop3A_467, %parallel_loop3A_468, %parallel_loop3A_465 : i32
        %parallel_loop3A_470 = arith.remsi %parallel_loop3A_440, %parallel_loop3A_469 : i32
        %parallel_loop3A_471 = arith.constant 0 : i32
        %parallel_loop3A_472 = arith.cmpi ne, %parallel_loop3A_470, %parallel_loop3A_471 : i32
        %parallel_loop3A_473 = arith.constant 0 : i32
        %parallel_loop3A_474 = arith.cmpi slt, %parallel_loop3A_470, %parallel_loop3A_473 : i32
        %parallel_loop3A_475 = arith.constant 0 : i32
        %parallel_loop3A_476 = arith.cmpi slt, %parallel_loop3A_469, %parallel_loop3A_475 : i32
        %parallel_loop3A_477 = arith.xori %parallel_loop3A_474, %parallel_loop3A_476 : i1
        %parallel_loop3A_478 = arith.andi %parallel_loop3A_477, %parallel_loop3A_472 : i1
        %parallel_loop3A_479 = arith.addi %parallel_loop3A_470, %parallel_loop3A_469 : i32
        %parallel_loop3A_480 = arith.select %parallel_loop3A_478, %parallel_loop3A_479, %parallel_loop3A_470 : i32
        %parallel_loop3A_481 = arith.constant 96 : i32
        %parallel_loop3A_482 = arith.muli %parallel_loop3A_480, %parallel_loop3A_481 : i32
        %parallel_loop3A_483 = arith.constant 0 : i32
        %parallel_loop3A_484 = arith.addi %parallel_loop3A_482, %parallel_loop3A_483 : i32
        %parallel_loop3A_485 = arith.index_cast %parallel_loop3A_464 : i32 to index
        %parallel_loop3A_486 = arith.index_cast %parallel_loop3A_484 : i32 to index
        %parallel_loop3A_487 = tpu.vector_load %arg5[%parallel_loop3A_485, %parallel_loop3A_486] {strides = array<i32>} : memref<16x768xf32, #tpu.memory_space<vmem>>, vector<1x16xf32>,
        %parallel_loop3A_488 = vector.shape_cast %parallel_loop3A_487 : vector<1x16xf32> to vector<16xf32>
        %parallel_loop3A_489 = arith.index_cast %parallel_loop3A_464 : i32 to index
        %parallel_loop3A_490 = arith.index_cast %parallel_loop3A_484 : i32 to index
        %parallel_loop3A_491 = tpu.vector_load %arg7[%parallel_loop3A_489, %parallel_loop3A_490] {strides = array<i32>} : memref<16x768xf32, #tpu.memory_space<vmem>>, vector<1x16xf32>,
        %parallel_loop3A_492 = vector.shape_cast %parallel_loop3A_491 : vector<1x16xf32> to vector<16xf32>
        %parallel_loop3A_493 = vector.shape_cast %parallel_loop3A_488 : vector<16xf32> to vector<1x16xf32>
        tpu.vector_store %arg7[%parallel_loop3A_489, %parallel_loop3A_490], %parallel_loop3A_493 {add = true, strides = array<i32>} : memref<16x768xf32, #tpu.memory_space<vmem>>, vector<1x16xf32>,
        %parallel_loop3A_494 = arith.constant 16 : i32
        %parallel_loop3A_495 = arith.addi %parallel_loop3A_482, %parallel_loop3A_494 : i32
        %parallel_loop3A_496 = arith.index_cast %parallel_loop3A_464 : i32 to index
        %parallel_loop3A_497 = arith.index_cast %parallel_loop3A_495 : i32 to index
        %parallel_loop3A_498 = tpu.vector_load %arg5[%parallel_loop3A_496, %parallel_loop3A_497] {strides = array<i32>} : memref<16x768xf32, #tpu.memory_space<vmem>>, vector<1x16xf32>,
        %parallel_loop3A_499 = vector.shape_cast %parallel_loop3A_498 : vector<1x16xf32> to vector<16xf32>
        %parallel_loop3A_500 = arith.index_cast %parallel_loop3A_464 : i32 to index
        %parallel_loop3A_501 = arith.index_cast %parallel_loop3A_495 : i32 to index
        %parallel_loop3A_502 = tpu.vector_load %arg7[%parallel_loop3A_500, %parallel_loop3A_501] {strides = array<i32>} : memref<16x768xf32, #tpu.memory_space<vmem>>, vector<1x16xf32>,
        %parallel_loop3A_503 = vector.shape_cast %parallel_loop3A_502 : vector<1x16xf32> to vector<16xf32>
        %parallel_loop3A_504 = vector.shape_cast %parallel_loop3A_499 : vector<16xf32> to vector<1x16xf32>
        tpu.vector_store %arg7[%parallel_loop3A_500, %parallel_loop3A_501], %parallel_loop3A_504 {add = true, strides = array<i32>} : memref<16x768xf32, #tpu.memory_space<vmem>>, vector<1x16xf32>,
        %parallel_loop3A_505 = arith.constant 32 : i32
        %parallel_loop3A_506 = arith.addi %parallel_loop3A_482, %parallel_loop3A_505 : i32
        %parallel_loop3A_507 = arith.index_cast %parallel_loop3A_464 : i32 to index
        %parallel_loop3A_508 = arith.index_cast %parallel_loop3A_506 : i32 to index
        %parallel_loop3A_509 = tpu.vector_load %arg5[%parallel_loop3A_507, %parallel_loop3A_508] {strides = array<i32>} : memref<16x768xf32, #tpu.memory_space<vmem>>, vector<1x16xf32>,
        %parallel_loop3A_510 = vector.shape_cast %parallel_loop3A_509 : vector<1x16xf32> to vector<16xf32>
        %parallel_loop3A_511 = arith.index_cast %parallel_loop3A_464 : i32 to index
        %parallel_loop3A_512 = arith.index_cast %parallel_loop3A_506 : i32 to index
        %parallel_loop3A_513 = tpu.vector_load %arg7[%parallel_loop3A_511, %parallel_loop3A_512] {strides = array<i32>} : memref<16x768xf32, #tpu.memory_space<vmem>>, vector<1x16xf32>,
        %parallel_loop3A_514 = vector.shape_cast %parallel_loop3A_513 : vector<1x16xf32> to vector<16xf32>
        %parallel_loop3A_515 = vector.shape_cast %parallel_loop3A_510 : vector<16xf32> to vector<1x16xf32>
        tpu.vector_store %arg7[%parallel_loop3A_511, %parallel_loop3A_512], %parallel_loop3A_515 {add = true, strides = array<i32>} : memref<16x768xf32, #tpu.memory_space<vmem>>, vector<1x16xf32>,
        %parallel_loop3A_516 = arith.constant 48 : i32
        %parallel_loop3A_517 = arith.addi %parallel_loop3A_482, %parallel_loop3A_516 : i32
        %parallel_loop3A_518 = arith.index_cast %parallel_loop3A_464 : i32 to index
        %parallel_loop3A_519 = arith.index_cast %parallel_loop3A_517 : i32 to index
        %parallel_loop3A_520 = tpu.vector_load %arg5[%parallel_loop3A_518, %parallel_loop3A_519] {strides = array<i32>} : memref<16x768xf32, #tpu.memory_space<vmem>>, vector<1x16xf32>,
        %parallel_loop3A_521 = vector.shape_cast %parallel_loop3A_520 : vector<1x16xf32> to vector<16xf32>
        %parallel_loop3A_522 = arith.index_cast %parallel_loop3A_464 : i32 to index
        %parallel_loop3A_523 = arith.index_cast %parallel_loop3A_517 : i32 to index
        %parallel_loop3A_524 = tpu.vector_load %arg7[%parallel_loop3A_522, %parallel_loop3A_523] {strides = array<i32>} : memref<16x768xf32, #tpu.memory_space<vmem>>, vector<1x16xf32>,
        %parallel_loop3A_525 = vector.shape_cast %parallel_loop3A_524 : vector<1x16xf32> to vector<16xf32>
        %parallel_loop3A_526 = vector.shape_cast %parallel_loop3A_521 : vector<16xf32> to vector<1x16xf32>
        tpu.vector_store %arg7[%parallel_loop3A_522, %parallel_loop3A_523], %parallel_loop3A_526 {add = true, strides = array<i32>} : memref<16x768xf32, #tpu.memory_space<vmem>>, vector<1x16xf32>,
        %parallel_loop3A_527 = arith.constant 64 : i32
        %parallel_loop3A_528 = arith.addi %parallel_loop3A_482, %parallel_loop3A_527 : i32
        %parallel_loop3A_529 = arith.index_cast %parallel_loop3A_464 : i32 to index
        %parallel_loop3A_530 = arith.index_cast %parallel_loop3A_528 : i32 to index
        %parallel_loop3A_531 = tpu.vector_load %arg5[%parallel_loop3A_529, %parallel_loop3A_530] {strides = array<i32>} : memref<16x768xf32, #tpu.memory_space<vmem>>, vector<1x16xf32>,
        %parallel_loop3A_532 = vector.shape_cast %parallel_loop3A_531 : vector<1x16xf32> to vector<16xf32>
        %parallel_loop3A_533 = arith.index_cast %parallel_loop3A_464 : i32 to index
        %parallel_loop3A_534 = arith.index_cast %parallel_loop3A_528 : i32 to index
        %parallel_loop3A_535 = tpu.vector_load %arg7[%parallel_loop3A_533, %parallel_loop3A_534] {strides = array<i32>} : memref<16x768xf32, #tpu.memory_space<vmem>>, vector<1x16xf32>,
        %parallel_loop3A_536 = vector.shape_cast %parallel_loop3A_535 : vector<1x16xf32> to vector<16xf32>
        %parallel_loop3A_537 = vector.shape_cast %parallel_loop3A_532 : vector<16xf32> to vector<1x16xf32>
        tpu.vector_store %arg7[%parallel_loop3A_533, %parallel_loop3A_534], %parallel_loop3A_537 {add = true, strides = array<i32>} : memref<16x768xf32, #tpu.memory_space<vmem>>, vector<1x16xf32>,
        %parallel_loop3A_538 = arith.constant 80 : i32
        %parallel_loop3A_539 = arith.addi %parallel_loop3A_482, %parallel_loop3A_538 : i32
        %parallel_loop3A_540 = arith.index_cast %parallel_loop3A_464 : i32 to index
        %parallel_loop3A_541 = arith.index_cast %parallel_loop3A_539 : i32 to index
        %parallel_loop3A_542 = tpu.vector_load %arg5[%parallel_loop3A_540, %parallel_loop3A_541] {strides = array<i32>} : memref<16x768xf32, #tpu.memory_space<vmem>>, vector<1x16xf32>,
        %parallel_loop3A_543 = vector.shape_cast %parallel_loop3A_542 : vector<1x16xf32> to vector<16xf32>
        %parallel_loop3A_544 = arith.index_cast %parallel_loop3A_464 : i32 to index
        %parallel_loop3A_545 = arith.index_cast %parallel_loop3A_539 : i32 to index
        %parallel_loop3A_546 = tpu.vector_load %arg7[%parallel_loop3A_544, %parallel_loop3A_545] {strides = array<i32>} : memref<16x768xf32, #tpu.memory_space<vmem>>, vector<1x16xf32>,
        %parallel_loop3A_547 = vector.shape_cast %parallel_loop3A_546 : vector<1x16xf32> to vector<16xf32>
        %parallel_loop3A_548 = vector.shape_cast %parallel_loop3A_543 : vector<16xf32> to vector<1x16xf32>
        tpu.vector_store %arg7[%parallel_loop3A_544, %parallel_loop3A_545], %parallel_loop3A_548 {add = true, strides = array<i32>} : memref<16x768xf32, #tpu.memory_space<vmem>>, vector<1x16xf32>,
      } {sc.loop_unroll_factor = 1 : i64, sc.parallel_access}
      %dma_start3A_216 = arith.constant 0 : i32
      %dma_start3A_217 = arith.constant 0 : i32
      %dma_start3A_218 = tpu.memref_slice %arg4[%dma_start3A_216, %add3A_131, %dma_start3A_217] : memref<4x8192x768xf32, #tpu.memory_space<hbm>> -> memref<1x16x768xf32, #tpu.memory_space<hbm>>
      %dma_start3A_219 = tpu.memref_squeeze %dma_start3A_218 : memref<1x16x768xf32, #tpu.memory_space<hbm>> -> memref<16x768xf32, #tpu.memory_space<hbm>>
      %dma_start3A_220 = arith.constant 0 : i32
      %dma_start3A_221 = tpu.memref_slice %arg4[%dma_start3A_216, %add3A_131, %dma_start3A_220] : memref<4x8192x768xf32, #tpu.memory_space<hbm>> -> memref<1x16x768xf32, #tpu.memory_space<hbm>>
      %dma_start3A_222 = tpu.memref_squeeze %dma_start3A_221 : memref<1x16x768xf32, #tpu.memory_space<hbm>> -> memref<16x768xf32, #tpu.memory_space<hbm>>
      tpu.enqueue_dma source(%arg7 : memref<16x768xf32, #tpu.memory_space<vmem>>) target(%dma_start3A_222 : memref<16x768xf32, #tpu.memory_space<hbm>>) target_semaphore(%arg25 : memref<!tpu.dma_semaphore, #tpu.memory_space<semaphore_mem>>)
      %dma_wait3A_223 = arith.constant 1 : i32
      %dma_wait3A_224 = arith.constant 0 : i32
      %dma_wait3A_225 = arith.constant 0 : i32
      %dma_wait3A_226 = tpu.memref_slice %arg2[%dma_wait3A_223, %dma_wait3A_224, %dma_wait3A_225] : memref<4x8192x768xf32, #tpu.memory_space<hbm>> -> memref<1x16x768xf32, #tpu.memory_space<hbm>>
      %dma_wait3A_227 = tpu.memref_squeeze %dma_wait3A_226 : memref<1x16x768xf32, #tpu.memory_space<hbm>> -> memref<16x768xf32, #tpu.memory_space<hbm>>
      %dma_wait3A_228 = arith.constant 0 : i32
      %dma_wait3A_229 = arith.constant 0 : i32
      %dma_wait3A_230 = tpu.memref_slice %arg2[%dma_wait3A_223, %dma_wait3A_228, %dma_wait3A_229] : memref<4x8192x768xf32, #tpu.memory_space<hbm>> -> memref<1x16x768xf32, #tpu.memory_space<hbm>>
      %dma_wait3A_231 = tpu.memref_squeeze %dma_wait3A_230 : memref<1x16x768xf32, #tpu.memory_space<hbm>> -> memref<16x768xf32, #tpu.memory_space<hbm>>
      tpu.wait_dma2 semaphore(%arg19 : memref<!tpu.dma_semaphore, #tpu.memory_space<semaphore_mem>>) src(%dma_wait3A_231 : memref<16x768xf32, #tpu.memory_space<hbm>>) dst(%arg9 : memref<16x768xf32, #tpu.memory_space<vmem>>)
      %parallel_loop3A_232 = arith.constant 0 : i32
      %parallel_loop3A_233 = arith.constant 128 : i32
      %parallel_loop3A_234 = arith.constant 1 : i32
      scf.for %parallel_loop3A_440 = %parallel_loop3A_232 to %parallel_loop3A_233 step %parallel_loop3A_234  : i32 {
        %parallel_loop3A_441 = arith.constant 8 : i32
        %parallel_loop3A_442 = arith.divsi %parallel_loop3A_440, %parallel_loop3A_441 : i32
        %parallel_loop3A_443 = arith.constant 0 : i32
        %parallel_loop3A_444 = arith.cmpi sgt, %parallel_loop3A_440, %parallel_loop3A_443 : i32
        %parallel_loop3A_445 = arith.extui %parallel_loop3A_444 : i1 to i32
        %parallel_loop3A_446 = arith.constant 0 : i32
        %parallel_loop3A_447 = arith.cmpi slt, %parallel_loop3A_440, %parallel_loop3A_446 : i32
        %parallel_loop3A_448 = arith.extui %parallel_loop3A_447 : i1 to i32
        %parallel_loop3A_449 = arith.subi %parallel_loop3A_445, %parallel_loop3A_448 : i32
        %parallel_loop3A_450 = arith.constant 0 : i32
        %parallel_loop3A_451 = arith.cmpi sgt, %parallel_loop3A_441, %parallel_loop3A_450 : i32
        %parallel_loop3A_452 = arith.extui %parallel_loop3A_451 : i1 to i32
        %parallel_loop3A_453 = arith.constant 0 : i32
        %parallel_loop3A_454 = arith.cmpi slt, %parallel_loop3A_441, %parallel_loop3A_453 : i32
        %parallel_loop3A_455 = arith.extui %parallel_loop3A_454 : i1 to i32
        %parallel_loop3A_456 = arith.subi %parallel_loop3A_452, %parallel_loop3A_455 : i32
        %parallel_loop3A_457 = arith.cmpi ne, %parallel_loop3A_449, %parallel_loop3A_456 : i32
        %parallel_loop3A_458 = arith.remsi %parallel_loop3A_440, %parallel_loop3A_441 : i32
        %parallel_loop3A_459 = arith.constant 0 : i32
        %parallel_loop3A_460 = arith.cmpi ne, %parallel_loop3A_458, %parallel_loop3A_459 : i32
        %parallel_loop3A_461 = arith.andi %parallel_loop3A_457, %parallel_loop3A_460 : i1
        %parallel_loop3A_462 = arith.constant 1 : i32
        %parallel_loop3A_463 = arith.subi %parallel_loop3A_442, %parallel_loop3A_462 : i32
        %parallel_loop3A_464 = arith.select %parallel_loop3A_461, %parallel_loop3A_463, %parallel_loop3A_442 : i32
        %parallel_loop3A_465 = arith.constant 8 : i32
        %parallel_loop3A_466 = arith.constant 0 : i32
        %parallel_loop3A_467 = arith.cmpi eq, %parallel_loop3A_465, %parallel_loop3A_466 : i32
        %parallel_loop3A_468 = arith.constant 1 : i32
        %parallel_loop3A_469 = arith.select %parallel_loop3A_467, %parallel_loop3A_468, %parallel_loop3A_465 : i32
        %parallel_loop3A_470 = arith.remsi %parallel_loop3A_440, %parallel_loop3A_469 : i32
        %parallel_loop3A_471 = arith.constant 0 : i32
        %parallel_loop3A_472 = arith.cmpi ne, %parallel_loop3A_470, %parallel_loop3A_471 : i32
        %parallel_loop3A_473 = arith.constant 0 : i32
        %parallel_loop3A_474 = arith.cmpi slt, %parallel_loop3A_470, %parallel_loop3A_473 : i32
        %parallel_loop3A_475 = arith.constant 0 : i32
        %parallel_loop3A_476 = arith.cmpi slt, %parallel_loop3A_469, %parallel_loop3A_475 : i32
        %parallel_loop3A_477 = arith.xori %parallel_loop3A_474, %parallel_loop3A_476 : i1
        %parallel_loop3A_478 = arith.andi %parallel_loop3A_477, %parallel_loop3A_472 : i1
        %parallel_loop3A_479 = arith.addi %parallel_loop3A_470, %parallel_loop3A_469 : i32
        %parallel_loop3A_480 = arith.select %parallel_loop3A_478, %parallel_loop3A_479, %parallel_loop3A_470 : i32
        %parallel_loop3A_481 = arith.constant 96 : i32
        %parallel_loop3A_482 = arith.muli %parallel_loop3A_480, %parallel_loop3A_481 : i32
        %parallel_loop3A_483 = arith.constant 0 : i32
        %parallel_loop3A_484 = arith.addi %parallel_loop3A_482, %parallel_loop3A_483 : i32
        %parallel_loop3A_485 = arith.index_cast %parallel_loop3A_464 : i32 to index
        %parallel_loop3A_486 = arith.index_cast %parallel_loop3A_484 : i32 to index
        %parallel_loop3A_487 = tpu.vector_load %arg5[%parallel_loop3A_485, %parallel_loop3A_486] {strides = array<i32>} : memref<16x768xf32, #tpu.memory_space<vmem>>, vector<1x16xf32>,
        %parallel_loop3A_488 = vector.shape_cast %parallel_loop3A_487 : vector<1x16xf32> to vector<16xf32>
        %parallel_loop3A_489 = arith.index_cast %parallel_loop3A_464 : i32 to index
        %parallel_loop3A_490 = arith.index_cast %parallel_loop3A_484 : i32 to index
        %parallel_loop3A_491 = tpu.vector_load %arg9[%parallel_loop3A_489, %parallel_loop3A_490] {strides = array<i32>} : memref<16x768xf32, #tpu.memory_space<vmem>>, vector<1x16xf32>,
        %parallel_loop3A_492 = vector.shape_cast %parallel_loop3A_491 : vector<1x16xf32> to vector<16xf32>
        %parallel_loop3A_493 = vector.shape_cast %parallel_loop3A_488 : vector<16xf32> to vector<1x16xf32>
        tpu.vector_store %arg9[%parallel_loop3A_489, %parallel_loop3A_490], %parallel_loop3A_493 {add = true, strides = array<i32>} : memref<16x768xf32, #tpu.memory_space<vmem>>, vector<1x16xf32>,
        %parallel_loop3A_494 = arith.constant 16 : i32
        %parallel_loop3A_495 = arith.addi %parallel_loop3A_482, %parallel_loop3A_494 : i32
        %parallel_loop3A_496 = arith.index_cast %parallel_loop3A_464 : i32 to index
        %parallel_loop3A_497 = arith.index_cast %parallel_loop3A_495 : i32 to index
        %parallel_loop3A_498 = tpu.vector_load %arg5[%parallel_loop3A_496, %parallel_loop3A_497] {strides = array<i32>} : memref<16x768xf32, #tpu.memory_space<vmem>>, vector<1x16xf32>,
        %parallel_loop3A_499 = vector.shape_cast %parallel_loop3A_498 : vector<1x16xf32> to vector<16xf32>
        %parallel_loop3A_500 = arith.index_cast %parallel_loop3A_464 : i32 to index
        %parallel_loop3A_501 = arith.index_cast %parallel_loop3A_495 : i32 to index
        %parallel_loop3A_502 = tpu.vector_load %arg9[%parallel_loop3A_500, %parallel_loop3A_501] {strides = array<i32>} : memref<16x768xf32, #tpu.memory_space<vmem>>, vector<1x16xf32>,
        %parallel_loop3A_503 = vector.shape_cast %parallel_loop3A_502 : vector<1x16xf32> to vector<16xf32>
        %parallel_loop3A_504 = vector.shape_cast %parallel_loop3A_499 : vector<16xf32> to vector<1x16xf32>
        tpu.vector_store %arg9[%parallel_loop3A_500, %parallel_loop3A_501], %parallel_loop3A_504 {add = true, strides = array<i32>} : memref<16x768xf32, #tpu.memory_space<vmem>>, vector<1x16xf32>,
        %parallel_loop3A_505 = arith.constant 32 : i32
        %parallel_loop3A_506 = arith.addi %parallel_loop3A_482, %parallel_loop3A_505 : i32
        %parallel_loop3A_507 = arith.index_cast %parallel_loop3A_464 : i32 to index
        %parallel_loop3A_508 = arith.index_cast %parallel_loop3A_506 : i32 to index
        %parallel_loop3A_509 = tpu.vector_load %arg5[%parallel_loop3A_507, %parallel_loop3A_508] {strides = array<i32>} : memref<16x768xf32, #tpu.memory_space<vmem>>, vector<1x16xf32>,
        %parallel_loop3A_510 = vector.shape_cast %parallel_loop3A_509 : vector<1x16xf32> to vector<16xf32>
        %parallel_loop3A_511 = arith.index_cast %parallel_loop3A_464 : i32 to index
        %parallel_loop3A_512 = arith.index_cast %parallel_loop3A_506 : i32 to index
        %parallel_loop3A_513 = tpu.vector_load %arg9[%parallel_loop3A_511, %parallel_loop3A_512] {strides = array<i32>} : memref<16x768xf32, #tpu.memory_space<vmem>>, vector<1x16xf32>,
        %parallel_loop3A_514 = vector.shape_cast %parallel_loop3A_513 : vector<1x16xf32> to vector<16xf32>
        %parallel_loop3A_515 = vector.shape_cast %parallel_loop3A_510 : vector<16xf32> to vector<1x16xf32>
        tpu.vector_store %arg9[%parallel_loop3A_511, %parallel_loop3A_512], %parallel_loop3A_515 {add = true, strides = array<i32>} : memref<16x768xf32, #tpu.memory_space<vmem>>, vector<1x16xf32>,
        %parallel_loop3A_516 = arith.constant 48 : i32
        %parallel_loop3A_517 = arith.addi %parallel_loop3A_482, %parallel_loop3A_516 : i32
        %parallel_loop3A_518 = arith.index_cast %parallel_loop3A_464 : i32 to index
        %parallel_loop3A_519 = arith.index_cast %parallel_loop3A_517 : i32 to index
        %parallel_loop3A_520 = tpu.vector_load %arg5[%parallel_loop3A_518, %parallel_loop3A_519] {strides = array<i32>} : memref<16x768xf32, #tpu.memory_space<vmem>>, vector<1x16xf32>,
        %parallel_loop3A_521 = vector.shape_cast %parallel_loop3A_520 : vector<1x16xf32> to vector<16xf32>
        %parallel_loop3A_522 = arith.index_cast %parallel_loop3A_464 : i32 to index
        %parallel_loop3A_523 = arith.index_cast %parallel_loop3A_517 : i32 to index
        %parallel_loop3A_524 = tpu.vector_load %arg9[%parallel_loop3A_522, %parallel_loop3A_523] {strides = array<i32>} : memref<16x768xf32, #tpu.memory_space<vmem>>, vector<1x16xf32>,
        %parallel_loop3A_525 = vector.shape_cast %parallel_loop3A_524 : vector<1x16xf32> to vector<16xf32>
        %parallel_loop3A_526 = vector.shape_cast %parallel_loop3A_521 : vector<16xf32> to vector<1x16xf32>
        tpu.vector_store %arg9[%parallel_loop3A_522, %parallel_loop3A_523], %parallel_loop3A_526 {add = true, strides = array<i32>} : memref<16x768xf32, #tpu.memory_space<vmem>>, vector<1x16xf32>,
        %parallel_loop3A_527 = arith.constant 64 : i32
        %parallel_loop3A_528 = arith.addi %parallel_loop3A_482, %parallel_loop3A_527 : i32
        %parallel_loop3A_529 = arith.index_cast %parallel_loop3A_464 : i32 to index
        %parallel_loop3A_530 = arith.index_cast %parallel_loop3A_528 : i32 to index
        %parallel_loop3A_531 = tpu.vector_load %arg5[%parallel_loop3A_529, %parallel_loop3A_530] {strides = array<i32>} : memref<16x768xf32, #tpu.memory_space<vmem>>, vector<1x16xf32>,
        %parallel_loop3A_532 = vector.shape_cast %parallel_loop3A_531 : vector<1x16xf32> to vector<16xf32>
        %parallel_loop3A_533 = arith.index_cast %parallel_loop3A_464 : i32 to index
        %parallel_loop3A_534 = arith.index_cast %parallel_loop3A_528 : i32 to index
        %parallel_loop3A_535 = tpu.vector_load %arg9[%parallel_loop3A_533, %parallel_loop3A_534] {strides = array<i32>} : memref<16x768xf32, #tpu.memory_space<vmem>>, vector<1x16xf32>,
        %parallel_loop3A_536 = vector.shape_cast %parallel_loop3A_535 : vector<1x16xf32> to vector<16xf32>
        %parallel_loop3A_537 = vector.shape_cast %parallel_loop3A_532 : vector<16xf32> to vector<1x16xf32>
        tpu.vector_store %arg9[%parallel_loop3A_533, %parallel_loop3A_534], %parallel_loop3A_537 {add = true, strides = array<i32>} : memref<16x768xf32, #tpu.memory_space<vmem>>, vector<1x16xf32>,
        %parallel_loop3A_538 = arith.constant 80 : i32
        %parallel_loop3A_539 = arith.addi %parallel_loop3A_482, %parallel_loop3A_538 : i32
        %parallel_loop3A_540 = arith.index_cast %parallel_loop3A_464 : i32 to index
        %parallel_loop3A_541 = arith.index_cast %parallel_loop3A_539 : i32 to index
        %parallel_loop3A_542 = tpu.vector_load %arg5[%parallel_loop3A_540, %parallel_loop3A_541] {strides = array<i32>} : memref<16x768xf32, #tpu.memory_space<vmem>>, vector<1x16xf32>,
        %parallel_loop3A_543 = vector.shape_cast %parallel_loop3A_542 : vector<1x16xf32> to vector<16xf32>
        %parallel_loop3A_544 = arith.index_cast %parallel_loop3A_464 : i32 to index
        %parallel_loop3A_545 = arith.index_cast %parallel_loop3A_539 : i32 to index
        %parallel_loop3A_546 = tpu.vector_load %arg9[%parallel_loop3A_544, %parallel_loop3A_545] {strides = array<i32>} : memref<16x768xf32, #tpu.memory_space<vmem>>, vector<1x16xf32>,
        %parallel_loop3A_547 = vector.shape_cast %parallel_loop3A_546 : vector<1x16xf32> to vector<16xf32>
        %parallel_loop3A_548 = vector.shape_cast %parallel_loop3A_543 : vector<16xf32> to vector<1x16xf32>
        tpu.vector_store %arg9[%parallel_loop3A_544, %parallel_loop3A_545], %parallel_loop3A_548 {add = true, strides = array<i32>} : memref<16x768xf32, #tpu.memory_space<vmem>>, vector<1x16xf32>,
      } {sc.loop_unroll_factor = 1 : i64, sc.parallel_access}
      %dma_start3A_235 = arith.constant 1 : i32
      %dma_start3A_236 = arith.constant 0 : i32
      %dma_start3A_237 = tpu.memref_slice %arg4[%dma_start3A_235, %add3A_131, %dma_start3A_236] : memref<4x8192x768xf32, #tpu.memory_space<hbm>> -> memref<1x16x768xf32, #tpu.memory_space<hbm>>
      %dma_start3A_238 = tpu.memref_squeeze %dma_start3A_237 : memref<1x16x768xf32, #tpu.memory_space<hbm>> -> memref<16x768xf32, #tpu.memory_space<hbm>>
      %dma_start3A_239 = arith.constant 0 : i32
      %dma_start3A_240 = tpu.memref_slice %arg4[%dma_start3A_235, %add3A_131, %dma_start3A_239] : memref<4x8192x768xf32, #tpu.memory_space<hbm>> -> memref<1x16x768xf32, #tpu.memory_space<hbm>>
      %dma_start3A_241 = tpu.memref_squeeze %dma_start3A_240 : memref<1x16x768xf32, #tpu.memory_space<hbm>> -> memref<16x768xf32, #tpu.memory_space<hbm>>
      tpu.enqueue_dma source(%arg9 : memref<16x768xf32, #tpu.memory_space<vmem>>) target(%dma_start3A_241 : memref<16x768xf32, #tpu.memory_space<hbm>>) target_semaphore(%arg27 : memref<!tpu.dma_semaphore, #tpu.memory_space<semaphore_mem>>)
      %dma_wait3A_242 = arith.constant 2 : i32
      %dma_wait3A_243 = arith.constant 0 : i32
      %dma_wait3A_244 = arith.constant 0 : i32
      %dma_wait3A_245 = tpu.memref_slice %arg2[%dma_wait3A_242, %dma_wait3A_243, %dma_wait3A_244] : memref<4x8192x768xf32, #tpu.memory_space<hbm>> -> memref<1x16x768xf32, #tpu.memory_space<hbm>>
      %dma_wait3A_246 = tpu.memref_squeeze %dma_wait3A_245 : memref<1x16x768xf32, #tpu.memory_space<hbm>> -> memref<16x768xf32, #tpu.memory_space<hbm>>
      %dma_wait3A_247 = arith.constant 0 : i32
      %dma_wait3A_248 = arith.constant 0 : i32
      %dma_wait3A_249 = tpu.memref_slice %arg2[%dma_wait3A_242, %dma_wait3A_247, %dma_wait3A_248] : memref<4x8192x768xf32, #tpu.memory_space<hbm>> -> memref<1x16x768xf32, #tpu.memory_space<hbm>>
      %dma_wait3A_250 = tpu.memref_squeeze %dma_wait3A_249 : memref<1x16x768xf32, #tpu.memory_space<hbm>> -> memref<16x768xf32, #tpu.memory_space<hbm>>
      tpu.wait_dma2 semaphore(%arg21 : memref<!tpu.dma_semaphore, #tpu.memory_space<semaphore_mem>>) src(%dma_wait3A_250 : memref<16x768xf32, #tpu.memory_space<hbm>>) dst(%arg11 : memref<16x768xf32, #tpu.memory_space<vmem>>)
      %parallel_loop3A_251 = arith.constant 0 : i32
      %parallel_loop3A_252 = arith.constant 128 : i32
      %parallel_loop3A_253 = arith.constant 1 : i32
      scf.for %parallel_loop3A_440 = %parallel_loop3A_251 to %parallel_loop3A_252 step %parallel_loop3A_253  : i32 {
        %parallel_loop3A_441 = arith.constant 8 : i32
        %parallel_loop3A_442 = arith.divsi %parallel_loop3A_440, %parallel_loop3A_441 : i32
        %parallel_loop3A_443 = arith.constant 0 : i32
        %parallel_loop3A_444 = arith.cmpi sgt, %parallel_loop3A_440, %parallel_loop3A_443 : i32
        %parallel_loop3A_445 = arith.extui %parallel_loop3A_444 : i1 to i32
        %parallel_loop3A_446 = arith.constant 0 : i32
        %parallel_loop3A_447 = arith.cmpi slt, %parallel_loop3A_440, %parallel_loop3A_446 : i32
        %parallel_loop3A_448 = arith.extui %parallel_loop3A_447 : i1 to i32
        %parallel_loop3A_449 = arith.subi %parallel_loop3A_445, %parallel_loop3A_448 : i32
        %parallel_loop3A_450 = arith.constant 0 : i32
        %parallel_loop3A_451 = arith.cmpi sgt, %parallel_loop3A_441, %parallel_loop3A_450 : i32
        %parallel_loop3A_452 = arith.extui %parallel_loop3A_451 : i1 to i32
        %parallel_loop3A_453 = arith.constant 0 : i32
        %parallel_loop3A_454 = arith.cmpi slt, %parallel_loop3A_441, %parallel_loop3A_453 : i32
        %parallel_loop3A_455 = arith.extui %parallel_loop3A_454 : i1 to i32
        %parallel_loop3A_456 = arith.subi %parallel_loop3A_452, %parallel_loop3A_455 : i32
        %parallel_loop3A_457 = arith.cmpi ne, %parallel_loop3A_449, %parallel_loop3A_456 : i32
        %parallel_loop3A_458 = arith.remsi %parallel_loop3A_440, %parallel_loop3A_441 : i32
        %parallel_loop3A_459 = arith.constant 0 : i32
        %parallel_loop3A_460 = arith.cmpi ne, %parallel_loop3A_458, %parallel_loop3A_459 : i32
        %parallel_loop3A_461 = arith.andi %parallel_loop3A_457, %parallel_loop3A_460 : i1
        %parallel_loop3A_462 = arith.constant 1 : i32
        %parallel_loop3A_463 = arith.subi %parallel_loop3A_442, %parallel_loop3A_462 : i32
        %parallel_loop3A_464 = arith.select %parallel_loop3A_461, %parallel_loop3A_463, %parallel_loop3A_442 : i32
        %parallel_loop3A_465 = arith.constant 8 : i32
        %parallel_loop3A_466 = arith.constant 0 : i32
        %parallel_loop3A_467 = arith.cmpi eq, %parallel_loop3A_465, %parallel_loop3A_466 : i32
        %parallel_loop3A_468 = arith.constant 1 : i32
        %parallel_loop3A_469 = arith.select %parallel_loop3A_467, %parallel_loop3A_468, %parallel_loop3A_465 : i32
        %parallel_loop3A_470 = arith.remsi %parallel_loop3A_440, %parallel_loop3A_469 : i32
        %parallel_loop3A_471 = arith.constant 0 : i32
        %parallel_loop3A_472 = arith.cmpi ne, %parallel_loop3A_470, %parallel_loop3A_471 : i32
        %parallel_loop3A_473 = arith.constant 0 : i32
        %parallel_loop3A_474 = arith.cmpi slt, %parallel_loop3A_470, %parallel_loop3A_473 : i32
        %parallel_loop3A_475 = arith.constant 0 : i32
        %parallel_loop3A_476 = arith.cmpi slt, %parallel_loop3A_469, %parallel_loop3A_475 : i32
        %parallel_loop3A_477 = arith.xori %parallel_loop3A_474, %parallel_loop3A_476 : i1
        %parallel_loop3A_478 = arith.andi %parallel_loop3A_477, %parallel_loop3A_472 : i1
        %parallel_loop3A_479 = arith.addi %parallel_loop3A_470, %parallel_loop3A_469 : i32
        %parallel_loop3A_480 = arith.select %parallel_loop3A_478, %parallel_loop3A_479, %parallel_loop3A_470 : i32
        %parallel_loop3A_481 = arith.constant 96 : i32
        %parallel_loop3A_482 = arith.muli %parallel_loop3A_480, %parallel_loop3A_481 : i32
        %parallel_loop3A_483 = arith.constant 0 : i32
        %parallel_loop3A_484 = arith.addi %parallel_loop3A_482, %parallel_loop3A_483 : i32
        %parallel_loop3A_485 = arith.index_cast %parallel_loop3A_464 : i32 to index
        %parallel_loop3A_486 = arith.index_cast %parallel_loop3A_484 : i32 to index
        %parallel_loop3A_487 = tpu.vector_load %arg5[%parallel_loop3A_485, %parallel_loop3A_486] {strides = array<i32>} : memref<16x768xf32, #tpu.memory_space<vmem>>, vector<1x16xf32>,
        %parallel_loop3A_488 = vector.shape_cast %parallel_loop3A_487 : vector<1x16xf32> to vector<16xf32>
        %parallel_loop3A_489 = arith.index_cast %parallel_loop3A_464 : i32 to index
        %parallel_loop3A_490 = arith.index_cast %parallel_loop3A_484 : i32 to index
        %parallel_loop3A_491 = tpu.vector_load %arg11[%parallel_loop3A_489, %parallel_loop3A_490] {strides = array<i32>} : memref<16x768xf32, #tpu.memory_space<vmem>>, vector<1x16xf32>,
        %parallel_loop3A_492 = vector.shape_cast %parallel_loop3A_491 : vector<1x16xf32> to vector<16xf32>
        %parallel_loop3A_493 = vector.shape_cast %parallel_loop3A_488 : vector<16xf32> to vector<1x16xf32>
        tpu.vector_store %arg11[%parallel_loop3A_489, %parallel_loop3A_490], %parallel_loop3A_493 {add = true, strides = array<i32>} : memref<16x768xf32, #tpu.memory_space<vmem>>, vector<1x16xf32>,
        %parallel_loop3A_494 = arith.constant 16 : i32
        %parallel_loop3A_495 = arith.addi %parallel_loop3A_482, %parallel_loop3A_494 : i32
        %parallel_loop3A_496 = arith.index_cast %parallel_loop3A_464 : i32 to index
        %parallel_loop3A_497 = arith.index_cast %parallel_loop3A_495 : i32 to index
        %parallel_loop3A_498 = tpu.vector_load %arg5[%parallel_loop3A_496, %parallel_loop3A_497] {strides = array<i32>} : memref<16x768xf32, #tpu.memory_space<vmem>>, vector<1x16xf32>,
        %parallel_loop3A_499 = vector.shape_cast %parallel_loop3A_498 : vector<1x16xf32> to vector<16xf32>
        %parallel_loop3A_500 = arith.index_cast %parallel_loop3A_464 : i32 to index
        %parallel_loop3A_501 = arith.index_cast %parallel_loop3A_495 : i32 to index
        %parallel_loop3A_502 = tpu.vector_load %arg11[%parallel_loop3A_500, %parallel_loop3A_501] {strides = array<i32>} : memref<16x768xf32, #tpu.memory_space<vmem>>, vector<1x16xf32>,
        %parallel_loop3A_503 = vector.shape_cast %parallel_loop3A_502 : vector<1x16xf32> to vector<16xf32>
        %parallel_loop3A_504 = vector.shape_cast %parallel_loop3A_499 : vector<16xf32> to vector<1x16xf32>
        tpu.vector_store %arg11[%parallel_loop3A_500, %parallel_loop3A_501], %parallel_loop3A_504 {add = true, strides = array<i32>} : memref<16x768xf32, #tpu.memory_space<vmem>>, vector<1x16xf32>,
        %parallel_loop3A_505 = arith.constant 32 : i32
        %parallel_loop3A_506 = arith.addi %parallel_loop3A_482, %parallel_loop3A_505 : i32
        %parallel_loop3A_507 = arith.index_cast %parallel_loop3A_464 : i32 to index
        %parallel_loop3A_508 = arith.index_cast %parallel_loop3A_506 : i32 to index
        %parallel_loop3A_509 = tpu.vector_load %arg5[%parallel_loop3A_507, %parallel_loop3A_508] {strides = array<i32>} : memref<16x768xf32, #tpu.memory_space<vmem>>, vector<1x16xf32>,
        %parallel_loop3A_510 = vector.shape_cast %parallel_loop3A_509 : vector<1x16xf32> to vector<16xf32>
        %parallel_loop3A_511 = arith.index_cast %parallel_loop3A_464 : i32 to index
        %parallel_loop3A_512 = arith.index_cast %parallel_loop3A_506 : i32 to index
        %parallel_loop3A_513 = tpu.vector_load %arg11[%parallel_loop3A_511, %parallel_loop3A_512] {strides = array<i32>} : memref<16x768xf32, #tpu.memory_space<vmem>>, vector<1x16xf32>,
        %parallel_loop3A_514 = vector.shape_cast %parallel_loop3A_513 : vector<1x16xf32> to vector<16xf32>
        %parallel_loop3A_515 = vector.shape_cast %parallel_loop3A_510 : vector<16xf32> to vector<1x16xf32>
        tpu.vector_store %arg11[%parallel_loop3A_511, %parallel_loop3A_512], %parallel_loop3A_515 {add = true, strides = array<i32>} : memref<16x768xf32, #tpu.memory_space<vmem>>, vector<1x16xf32>,
        %parallel_loop3A_516 = arith.constant 48 : i32
        %parallel_loop3A_517 = arith.addi %parallel_loop3A_482, %parallel_loop3A_516 : i32
        %parallel_loop3A_518 = arith.index_cast %parallel_loop3A_464 : i32 to index
        %parallel_loop3A_519 = arith.index_cast %parallel_loop3A_517 : i32 to index
        %parallel_loop3A_520 = tpu.vector_load %arg5[%parallel_loop3A_518, %parallel_loop3A_519] {strides = array<i32>} : memref<16x768xf32, #tpu.memory_space<vmem>>, vector<1x16xf32>,
        %parallel_loop3A_521 = vector.shape_cast %parallel_loop3A_520 : vector<1x16xf32> to vector<16xf32>
        %parallel_loop3A_522 = arith.index_cast %parallel_loop3A_464 : i32 to index
        %parallel_loop3A_523 = arith.index_cast %parallel_loop3A_517 : i32 to index
        %parallel_loop3A_524 = tpu.vector_load %arg11[%parallel_loop3A_522, %parallel_loop3A_523] {strides = array<i32>} : memref<16x768xf32, #tpu.memory_space<vmem>>, vector<1x16xf32>,
        %parallel_loop3A_525 = vector.shape_cast %parallel_loop3A_524 : vector<1x16xf32> to vector<16xf32>
        %parallel_loop3A_526 = vector.shape_cast %parallel_loop3A_521 : vector<16xf32> to vector<1x16xf32>
        tpu.vector_store %arg11[%parallel_loop3A_522, %parallel_loop3A_523], %parallel_loop3A_526 {add = true, strides = array<i32>} : memref<16x768xf32, #tpu.memory_space<vmem>>, vector<1x16xf32>,
        %parallel_loop3A_527 = arith.constant 64 : i32
        %parallel_loop3A_528 = arith.addi %parallel_loop3A_482, %parallel_loop3A_527 : i32
        %parallel_loop3A_529 = arith.index_cast %parallel_loop3A_464 : i32 to index
        %parallel_loop3A_530 = arith.index_cast %parallel_loop3A_528 : i32 to index
        %parallel_loop3A_531 = tpu.vector_load %arg5[%parallel_loop3A_529, %parallel_loop3A_530] {strides = array<i32>} : memref<16x768xf32, #tpu.memory_space<vmem>>, vector<1x16xf32>,
        %parallel_loop3A_532 = vector.shape_cast %parallel_loop3A_531 : vector<1x16xf32> to vector<16xf32>
        %parallel_loop3A_533 = arith.index_cast %parallel_loop3A_464 : i32 to index
        %parallel_loop3A_534 = arith.index_cast %parallel_loop3A_528 : i32 to index
        %parallel_loop3A_535 = tpu.vector_load %arg11[%parallel_loop3A_533, %parallel_loop3A_534] {strides = array<i32>} : memref<16x768xf32, #tpu.memory_space<vmem>>, vector<1x16xf32>,
        %parallel_loop3A_536 = vector.shape_cast %parallel_loop3A_535 : vector<1x16xf32> to vector<16xf32>
        %parallel_loop3A_537 = vector.shape_cast %parallel_loop3A_532 : vector<16xf32> to vector<1x16xf32>
        tpu.vector_store %arg11[%parallel_loop3A_533, %parallel_loop3A_534], %parallel_loop3A_537 {add = true, strides = array<i32>} : memref<16x768xf32, #tpu.memory_space<vmem>>, vector<1x16xf32>,
        %parallel_loop3A_538 = arith.constant 80 : i32
        %parallel_loop3A_539 = arith.addi %parallel_loop3A_482, %parallel_loop3A_538 : i32
        %parallel_loop3A_540 = arith.index_cast %parallel_loop3A_464 : i32 to index
        %parallel_loop3A_541 = arith.index_cast %parallel_loop3A_539 : i32 to index
        %parallel_loop3A_542 = tpu.vector_load %arg5[%parallel_loop3A_540, %parallel_loop3A_541] {strides = array<i32>} : memref<16x768xf32, #tpu.memory_space<vmem>>, vector<1x16xf32>,
        %parallel_loop3A_543 = vector.shape_cast %parallel_loop3A_542 : vector<1x16xf32> to vector<16xf32>
        %parallel_loop3A_544 = arith.index_cast %parallel_loop3A_464 : i32 to index
        %parallel_loop3A_545 = arith.index_cast %parallel_loop3A_539 : i32 to index
        %parallel_loop3A_546 = tpu.vector_load %arg11[%parallel_loop3A_544, %parallel_loop3A_545] {strides = array<i32>} : memref<16x768xf32, #tpu.memory_space<vmem>>, vector<1x16xf32>,
        %parallel_loop3A_547 = vector.shape_cast %parallel_loop3A_546 : vector<1x16xf32> to vector<16xf32>
        %parallel_loop3A_548 = vector.shape_cast %parallel_loop3A_543 : vector<16xf32> to vector<1x16xf32>
        tpu.vector_store %arg11[%parallel_loop3A_544, %parallel_loop3A_545], %parallel_loop3A_548 {add = true, strides = array<i32>} : memref<16x768xf32, #tpu.memory_space<vmem>>, vector<1x16xf32>,
      } {sc.loop_unroll_factor = 1 : i64, sc.parallel_access}
      %dma_start3A_254 = arith.constant 2 : i32
      %dma_start3A_255 = arith.constant 0 : i32
      %dma_start3A_256 = tpu.memref_slice %arg4[%dma_start3A_254, %add3A_131, %dma_start3A_255] : memref<4x8192x768xf32, #tpu.memory_space<hbm>> -> memref<1x16x768xf32, #tpu.memory_space<hbm>>
      %dma_start3A_257 = tpu.memref_squeeze %dma_start3A_256 : memref<1x16x768xf32, #tpu.memory_space<hbm>> -> memref<16x768xf32, #tpu.memory_space<hbm>>
      %dma_start3A_258 = arith.constant 0 : i32
      %dma_start3A_259 = tpu.memref_slice %arg4[%dma_start3A_254, %add3A_131, %dma_start3A_258] : memref<4x8192x768xf32, #tpu.memory_space<hbm>> -> memref<1x16x768xf32, #tpu.memory_space<hbm>>
      %dma_start3A_260 = tpu.memref_squeeze %dma_start3A_259 : memref<1x16x768xf32, #tpu.memory_space<hbm>> -> memref<16x768xf32, #tpu.memory_space<hbm>>
      tpu.enqueue_dma source(%arg11 : memref<16x768xf32, #tpu.memory_space<vmem>>) target(%dma_start3A_260 : memref<16x768xf32, #tpu.memory_space<hbm>>) target_semaphore(%arg29 : memref<!tpu.dma_semaphore, #tpu.memory_space<semaphore_mem>>)
      %dma_wait3A_261 = arith.constant 3 : i32
      %dma_wait3A_262 = arith.constant 0 : i32
      %dma_wait3A_263 = arith.constant 0 : i32
      %dma_wait3A_264 = tpu.memref_slice %arg2[%dma_wait3A_261, %dma_wait3A_262, %dma_wait3A_263] : memref<4x8192x768xf32, #tpu.memory_space<hbm>> -> memref<1x16x768xf32, #tpu.memory_space<hbm>>
      %dma_wait3A_265 = tpu.memref_squeeze %dma_wait3A_264 : memref<1x16x768xf32, #tpu.memory_space<hbm>> -> memref<16x768xf32, #tpu.memory_space<hbm>>
      %dma_wait3A_266 = arith.constant 0 : i32
      %dma_wait3A_267 = arith.constant 0 : i32
      %dma_wait3A_268 = tpu.memref_slice %arg2[%dma_wait3A_261, %dma_wait3A_266, %dma_wait3A_267] : memref<4x8192x768xf32, #tpu.memory_space<hbm>> -> memref<1x16x768xf32, #tpu.memory_space<hbm>>
      %dma_wait3A_269 = tpu.memref_squeeze %dma_wait3A_268 : memref<1x16x768xf32, #tpu.memory_space<hbm>> -> memref<16x768xf32, #tpu.memory_space<hbm>>
      tpu.wait_dma2 semaphore(%arg23 : memref<!tpu.dma_semaphore, #tpu.memory_space<semaphore_mem>>) src(%dma_wait3A_269 : memref<16x768xf32, #tpu.memory_space<hbm>>) dst(%arg13 : memref<16x768xf32, #tpu.memory_space<vmem>>)
      %parallel_loop3A_270 = arith.constant 0 : i32
      %parallel_loop3A_271 = arith.constant 128 : i32
      %parallel_loop3A_272 = arith.constant 1 : i32
      scf.for %parallel_loop3A_440 = %parallel_loop3A_270 to %parallel_loop3A_271 step %parallel_loop3A_272  : i32 {
        %parallel_loop3A_441 = arith.constant 8 : i32
        %parallel_loop3A_442 = arith.divsi %parallel_loop3A_440, %parallel_loop3A_441 : i32
        %parallel_loop3A_443 = arith.constant 0 : i32
        %parallel_loop3A_444 = arith.cmpi sgt, %parallel_loop3A_440, %parallel_loop3A_443 : i32
        %parallel_loop3A_445 = arith.extui %parallel_loop3A_444 : i1 to i32
        %parallel_loop3A_446 = arith.constant 0 : i32
        %parallel_loop3A_447 = arith.cmpi slt, %parallel_loop3A_440, %parallel_loop3A_446 : i32
        %parallel_loop3A_448 = arith.extui %parallel_loop3A_447 : i1 to i32
        %parallel_loop3A_449 = arith.subi %parallel_loop3A_445, %parallel_loop3A_448 : i32
        %parallel_loop3A_450 = arith.constant 0 : i32
        %parallel_loop3A_451 = arith.cmpi sgt, %parallel_loop3A_441, %parallel_loop3A_450 : i32
        %parallel_loop3A_452 = arith.extui %parallel_loop3A_451 : i1 to i32
        %parallel_loop3A_453 = arith.constant 0 : i32
        %parallel_loop3A_454 = arith.cmpi slt, %parallel_loop3A_441, %parallel_loop3A_453 : i32
        %parallel_loop3A_455 = arith.extui %parallel_loop3A_454 : i1 to i32
        %parallel_loop3A_456 = arith.subi %parallel_loop3A_452, %parallel_loop3A_455 : i32
        %parallel_loop3A_457 = arith.cmpi ne, %parallel_loop3A_449, %parallel_loop3A_456 : i32
        %parallel_loop3A_458 = arith.remsi %parallel_loop3A_440, %parallel_loop3A_441 : i32
        %parallel_loop3A_459 = arith.constant 0 : i32
        %parallel_loop3A_460 = arith.cmpi ne, %parallel_loop3A_458, %parallel_loop3A_459 : i32
        %parallel_loop3A_461 = arith.andi %parallel_loop3A_457, %parallel_loop3A_460 : i1
        %parallel_loop3A_462 = arith.constant 1 : i32
        %parallel_loop3A_463 = arith.subi %parallel_loop3A_442, %parallel_loop3A_462 : i32
        %parallel_loop3A_464 = arith.select %parallel_loop3A_461, %parallel_loop3A_463, %parallel_loop3A_442 : i32
        %parallel_loop3A_465 = arith.constant 8 : i32
        %parallel_loop3A_466 = arith.constant 0 : i32
        %parallel_loop3A_467 = arith.cmpi eq, %parallel_loop3A_465, %parallel_loop3A_466 : i32
        %parallel_loop3A_468 = arith.constant 1 : i32
        %parallel_loop3A_469 = arith.select %parallel_loop3A_467, %parallel_loop3A_468, %parallel_loop3A_465 : i32
        %parallel_loop3A_470 = arith.remsi %parallel_loop3A_440, %parallel_loop3A_469 : i32
        %parallel_loop3A_471 = arith.constant 0 : i32
        %parallel_loop3A_472 = arith.cmpi ne, %parallel_loop3A_470, %parallel_loop3A_471 : i32
        %parallel_loop3A_473 = arith.constant 0 : i32
        %parallel_loop3A_474 = arith.cmpi slt, %parallel_loop3A_470, %parallel_loop3A_473 : i32
        %parallel_loop3A_475 = arith.constant 0 : i32
        %parallel_loop3A_476 = arith.cmpi slt, %parallel_loop3A_469, %parallel_loop3A_475 : i32
        %parallel_loop3A_477 = arith.xori %parallel_loop3A_474, %parallel_loop3A_476 : i1
        %parallel_loop3A_478 = arith.andi %parallel_loop3A_477, %parallel_loop3A_472 : i1
        %parallel_loop3A_479 = arith.addi %parallel_loop3A_470, %parallel_loop3A_469 : i32
        %parallel_loop3A_480 = arith.select %parallel_loop3A_478, %parallel_loop3A_479, %parallel_loop3A_470 : i32
        %parallel_loop3A_481 = arith.constant 96 : i32
        %parallel_loop3A_482 = arith.muli %parallel_loop3A_480, %parallel_loop3A_481 : i32
        %parallel_loop3A_483 = arith.constant 0 : i32
        %parallel_loop3A_484 = arith.addi %parallel_loop3A_482, %parallel_loop3A_483 : i32
        %parallel_loop3A_485 = arith.index_cast %parallel_loop3A_464 : i32 to index
        %parallel_loop3A_486 = arith.index_cast %parallel_loop3A_484 : i32 to index
        %parallel_loop3A_487 = tpu.vector_load %arg5[%parallel_loop3A_485, %parallel_loop3A_486] {strides = array<i32>} : memref<16x768xf32, #tpu.memory_space<vmem>>, vector<1x16xf32>,
        %parallel_loop3A_488 = vector.shape_cast %parallel_loop3A_487 : vector<1x16xf32> to vector<16xf32>
        %parallel_loop3A_489 = arith.index_cast %parallel_loop3A_464 : i32 to index
        %parallel_loop3A_490 = arith.index_cast %parallel_loop3A_484 : i32 to index
        %parallel_loop3A_491 = tpu.vector_load %arg13[%parallel_loop3A_489, %parallel_loop3A_490] {strides = array<i32>} : memref<16x768xf32, #tpu.memory_space<vmem>>, vector<1x16xf32>,
        %parallel_loop3A_492 = vector.shape_cast %parallel_loop3A_491 : vector<1x16xf32> to vector<16xf32>
        %parallel_loop3A_493 = vector.shape_cast %parallel_loop3A_488 : vector<16xf32> to vector<1x16xf32>
        tpu.vector_store %arg13[%parallel_loop3A_489, %parallel_loop3A_490], %parallel_loop3A_493 {add = true, strides = array<i32>} : memref<16x768xf32, #tpu.memory_space<vmem>>, vector<1x16xf32>,
        %parallel_loop3A_494 = arith.constant 16 : i32
        %parallel_loop3A_495 = arith.addi %parallel_loop3A_482, %parallel_loop3A_494 : i32
        %parallel_loop3A_496 = arith.index_cast %parallel_loop3A_464 : i32 to index
        %parallel_loop3A_497 = arith.index_cast %parallel_loop3A_495 : i32 to index
        %parallel_loop3A_498 = tpu.vector_load %arg5[%parallel_loop3A_496, %parallel_loop3A_497] {strides = array<i32>} : memref<16x768xf32, #tpu.memory_space<vmem>>, vector<1x16xf32>,
        %parallel_loop3A_499 = vector.shape_cast %parallel_loop3A_498 : vector<1x16xf32> to vector<16xf32>
        %parallel_loop3A_500 = arith.index_cast %parallel_loop3A_464 : i32 to index
        %parallel_loop3A_501 = arith.index_cast %parallel_loop3A_495 : i32 to index
        %parallel_loop3A_502 = tpu.vector_load %arg13[%parallel_loop3A_500, %parallel_loop3A_501] {strides = array<i32>} : memref<16x768xf32, #tpu.memory_space<vmem>>, vector<1x16xf32>,
        %parallel_loop3A_503 = vector.shape_cast %parallel_loop3A_502 : vector<1x16xf32> to vector<16xf32>
        %parallel_loop3A_504 = vector.shape_cast %parallel_loop3A_499 : vector<16xf32> to vector<1x16xf32>
        tpu.vector_store %arg13[%parallel_loop3A_500, %parallel_loop3A_501], %parallel_loop3A_504 {add = true, strides = array<i32>} : memref<16x768xf32, #tpu.memory_space<vmem>>, vector<1x16xf32>,
        %parallel_loop3A_505 = arith.constant 32 : i32
        %parallel_loop3A_506 = arith.addi %parallel_loop3A_482, %parallel_loop3A_505 : i32
        %parallel_loop3A_507 = arith.index_cast %parallel_loop3A_464 : i32 to index
        %parallel_loop3A_508 = arith.index_cast %parallel_loop3A_506 : i32 to index
        %parallel_loop3A_509 = tpu.vector_load %arg5[%parallel_loop3A_507, %parallel_loop3A_508] {strides = array<i32>} : memref<16x768xf32, #tpu.memory_space<vmem>>, vector<1x16xf32>,
        %parallel_loop3A_510 = vector.shape_cast %parallel_loop3A_509 : vector<1x16xf32> to vector<16xf32>
        %parallel_loop3A_511 = arith.index_cast %parallel_loop3A_464 : i32 to index
        %parallel_loop3A_512 = arith.index_cast %parallel_loop3A_506 : i32 to index
        %parallel_loop3A_513 = tpu.vector_load %arg13[%parallel_loop3A_511, %parallel_loop3A_512] {strides = array<i32>} : memref<16x768xf32, #tpu.memory_space<vmem>>, vector<1x16xf32>,
        %parallel_loop3A_514 = vector.shape_cast %parallel_loop3A_513 : vector<1x16xf32> to vector<16xf32>
        %parallel_loop3A_515 = vector.shape_cast %parallel_loop3A_510 : vector<16xf32> to vector<1x16xf32>
        tpu.vector_store %arg13[%parallel_loop3A_511, %parallel_loop3A_512], %parallel_loop3A_515 {add = true, strides = array<i32>} : memref<16x768xf32, #tpu.memory_space<vmem>>, vector<1x16xf32>,
        %parallel_loop3A_516 = arith.constant 48 : i32
        %parallel_loop3A_517 = arith.addi %parallel_loop3A_482, %parallel_loop3A_516 : i32
        %parallel_loop3A_518 = arith.index_cast %parallel_loop3A_464 : i32 to index
        %parallel_loop3A_519 = arith.index_cast %parallel_loop3A_517 : i32 to index
        %parallel_loop3A_520 = tpu.vector_load %arg5[%parallel_loop3A_518, %parallel_loop3A_519] {strides = array<i32>} : memref<16x768xf32, #tpu.memory_space<vmem>>, vector<1x16xf32>,
        %parallel_loop3A_521 = vector.shape_cast %parallel_loop3A_520 : vector<1x16xf32> to vector<16xf32>
        %parallel_loop3A_522 = arith.index_cast %parallel_loop3A_464 : i32 to index
        %parallel_loop3A_523 = arith.index_cast %parallel_loop3A_517 : i32 to index
        %parallel_loop3A_524 = tpu.vector_load %arg13[%parallel_loop3A_522, %parallel_loop3A_523] {strides = array<i32>} : memref<16x768xf32, #tpu.memory_space<vmem>>, vector<1x16xf32>,
        %parallel_loop3A_525 = vector.shape_cast %parallel_loop3A_524 : vector<1x16xf32> to vector<16xf32>
        %parallel_loop3A_526 = vector.shape_cast %parallel_loop3A_521 : vector<16xf32> to vector<1x16xf32>
        tpu.vector_store %arg13[%parallel_loop3A_522, %parallel_loop3A_523], %parallel_loop3A_526 {add = true, strides = array<i32>} : memref<16x768xf32, #tpu.memory_space<vmem>>, vector<1x16xf32>,
        %parallel_loop3A_527 = arith.constant 64 : i32
        %parallel_loop3A_528 = arith.addi %parallel_loop3A_482, %parallel_loop3A_527 : i32
        %parallel_loop3A_529 = arith.index_cast %parallel_loop3A_464 : i32 to index
        %parallel_loop3A_530 = arith.index_cast %parallel_loop3A_528 : i32 to index
        %parallel_loop3A_531 = tpu.vector_load %arg5[%parallel_loop3A_529, %parallel_loop3A_530] {strides = array<i32>} : memref<16x768xf32, #tpu.memory_space<vmem>>, vector<1x16xf32>,
        %parallel_loop3A_532 = vector.shape_cast %parallel_loop3A_531 : vector<1x16xf32> to vector<16xf32>
        %parallel_loop3A_533 = arith.index_cast %parallel_loop3A_464 : i32 to index
        %parallel_loop3A_534 = arith.index_cast %parallel_loop3A_528 : i32 to index
        %parallel_loop3A_535 = tpu.vector_load %arg13[%parallel_loop3A_533, %parallel_loop3A_534] {strides = array<i32>} : memref<16x768xf32, #tpu.memory_space<vmem>>, vector<1x16xf32>,
        %parallel_loop3A_536 = vector.shape_cast %parallel_loop3A_535 : vector<1x16xf32> to vector<16xf32>
        %parallel_loop3A_537 = vector.shape_cast %parallel_loop3A_532 : vector<16xf32> to vector<1x16xf32>
        tpu.vector_store %arg13[%parallel_loop3A_533, %parallel_loop3A_534], %parallel_loop3A_537 {add = true, strides = array<i32>} : memref<16x768xf32, #tpu.memory_space<vmem>>, vector<1x16xf32>,
        %parallel_loop3A_538 = arith.constant 80 : i32
        %parallel_loop3A_539 = arith.addi %parallel_loop3A_482, %parallel_loop3A_538 : i32
        %parallel_loop3A_540 = arith.index_cast %parallel_loop3A_464 : i32 to index
        %parallel_loop3A_541 = arith.index_cast %parallel_loop3A_539 : i32 to index
        %parallel_loop3A_542 = tpu.vector_load %arg5[%parallel_loop3A_540, %parallel_loop3A_541] {strides = array<i32>} : memref<16x768xf32, #tpu.memory_space<vmem>>, vector<1x16xf32>,
        %parallel_loop3A_543 = vector.shape_cast %parallel_loop3A_542 : vector<1x16xf32> to vector<16xf32>
        %parallel_loop3A_544 = arith.index_cast %parallel_loop3A_464 : i32 to index
        %parallel_loop3A_545 = arith.index_cast %parallel_loop3A_539 : i32 to index
        %parallel_loop3A_546 = tpu.vector_load %arg13[%parallel_loop3A_544, %parallel_loop3A_545] {strides = array<i32>} : memref<16x768xf32, #tpu.memory_space<vmem>>, vector<1x16xf32>,
        %parallel_loop3A_547 = vector.shape_cast %parallel_loop3A_546 : vector<1x16xf32> to vector<16xf32>
        %parallel_loop3A_548 = vector.shape_cast %parallel_loop3A_543 : vector<16xf32> to vector<1x16xf32>
        tpu.vector_store %arg13[%parallel_loop3A_544, %parallel_loop3A_545], %parallel_loop3A_548 {add = true, strides = array<i32>} : memref<16x768xf32, #tpu.memory_space<vmem>>, vector<1x16xf32>,
      } {sc.loop_unroll_factor = 1 : i64, sc.parallel_access}
      %dma_start3A_273 = arith.constant 3 : i32
      %dma_start3A_274 = arith.constant 0 : i32
      %dma_start3A_275 = tpu.memref_slice %arg4[%dma_start3A_273, %add3A_131, %dma_start3A_274] : memref<4x8192x768xf32, #tpu.memory_space<hbm>> -> memref<1x16x768xf32, #tpu.memory_space<hbm>>
      %dma_start3A_276 = tpu.memref_squeeze %dma_start3A_275 : memref<1x16x768xf32, #tpu.memory_space<hbm>> -> memref<16x768xf32, #tpu.memory_space<hbm>>
      %dma_start3A_277 = arith.constant 0 : i32
      %dma_start3A_278 = tpu.memref_slice %arg4[%dma_start3A_273, %add3A_131, %dma_start3A_277] : memref<4x8192x768xf32, #tpu.memory_space<hbm>> -> memref<1x16x768xf32, #tpu.memory_space<hbm>>
      %dma_start3A_279 = tpu.memref_squeeze %dma_start3A_278 : memref<1x16x768xf32, #tpu.memory_space<hbm>> -> memref<16x768xf32, #tpu.memory_space<hbm>>
      tpu.enqueue_dma source(%arg13 : memref<16x768xf32, #tpu.memory_space<vmem>>) target(%dma_start3A_279 : memref<16x768xf32, #tpu.memory_space<hbm>>) target_semaphore(%arg31 : memref<!tpu.dma_semaphore, #tpu.memory_space<semaphore_mem>>)
      %mul3A_280 = arith.constant 2 : i32
      %mul3A_281 = arith.muli %mul3A_280, %scan3A_126 : i32
      %add3A_282 = arith.constant 1 : i32
      %add3A_283 = arith.addi %mul3A_281, %add3A_282 : i32
      %mul3A_284 = arith.constant 16 : i32
      %mul3A_285 = arith.muli %add3A_283, %mul3A_284 : i32
      %add3A_286 = arith.addi %mul3A_2, %mul3A_285 : i32
      %add3A_287 = arith.constant 1 : i32
      %add3A_288 = arith.addi %add3A_283, %add3A_287 : i32
      %min3A_289 = arith.constant 15 : i32
      %min3A_290 = arith.minsi %add3A_288, %min3A_289 : i32
      %mul3A_291 = arith.constant 16 : i32
      %mul3A_292 = arith.muli %min3A_290, %mul3A_291 : i32
      %add3A_293 = arith.addi %mul3A_2, %mul3A_292 : i32
      %dma_start3A_294 = arith.constant 0 : i32
      %dma_start3A_295 = tpu.memref_slice %arg3[%add3A_293, %dma_start3A_294] : memref<8192x768xf32, #tpu.memory_space<hbm>> -> memref<16x768xf32, #tpu.memory_space<hbm>>
      %dma_start3A_296 = arith.constant 0 : i32
      %dma_start3A_297 = tpu.memref_slice %arg3[%add3A_293, %dma_start3A_296] : memref<8192x768xf32, #tpu.memory_space<hbm>> -> memref<16x768xf32, #tpu.memory_space<hbm>>
      tpu.enqueue_dma source(%dma_start3A_297 : memref<16x768xf32, #tpu.memory_space<hbm>>) target(%arg5 : memref<16x768xf32, #tpu.memory_space<vmem>>) target_semaphore(%arg15 : memref<!tpu.dma_semaphore, #tpu.memory_space<semaphore_mem>>)
      %gt3A_298 = arith.constant 0 : i32
      %gt3A_299 = arith.cmpi sgt, %add3A_283, %gt3A_298 : i32
      %convert_element_type3A_300 = arith.extui %gt3A_299 : i1 to i32
      %cond3A_301 = arith.constant 0 : i32
      %cond3A_302 = arith.cmpi ne, %convert_element_type3A_300, %cond3A_301 : i32
      scf.if %cond3A_302 {
        %dma_wait3A_440 = arith.constant 0 : i32
        %dma_wait3A_441 = arith.constant 0 : i32
        %dma_wait3A_442 = arith.constant 0 : i32
        %dma_wait3A_443 = tpu.memref_slice %arg4[%dma_wait3A_440, %dma_wait3A_441, %dma_wait3A_442] : memref<4x8192x768xf32, #tpu.memory_space<hbm>> -> memref<1x16x768xf32, #tpu.memory_space<hbm>>
        %dma_wait3A_444 = tpu.memref_squeeze %dma_wait3A_443 : memref<1x16x768xf32, #tpu.memory_space<hbm>> -> memref<16x768xf32, #tpu.memory_space<hbm>>
        %dma_wait3A_445 = arith.constant 0 : i32
        %dma_wait3A_446 = arith.constant 0 : i32
        %dma_wait3A_447 = tpu.memref_slice %arg4[%dma_wait3A_440, %dma_wait3A_445, %dma_wait3A_446] : memref<4x8192x768xf32, #tpu.memory_space<hbm>> -> memref<1x16x768xf32, #tpu.memory_space<hbm>>
        %dma_wait3A_448 = tpu.memref_squeeze %dma_wait3A_447 : memref<1x16x768xf32, #tpu.memory_space<hbm>> -> memref<16x768xf32, #tpu.memory_space<hbm>>
        tpu.wait_dma2 semaphore(%arg25 : memref<!tpu.dma_semaphore, #tpu.memory_space<semaphore_mem>>) src(%arg7 : memref<16x768xf32, #tpu.memory_space<vmem>>) dst(%dma_wait3A_448 : memref<16x768xf32, #tpu.memory_space<hbm>>)
      } else {
      }
      %mul3A_303 = arith.constant 16 : i32
      %mul3A_304 = arith.muli %min3A_290, %mul3A_303 : i32
      %add3A_305 = arith.addi %mul3A_2, %mul3A_304 : i32
      %dma_start3A_306 = arith.constant 0 : i32
      %dma_start3A_307 = arith.constant 0 : i32
      %dma_start3A_308 = tpu.memref_slice %arg2[%dma_start3A_306, %add3A_305, %dma_start3A_307] : memref<4x8192x768xf32, #tpu.memory_space<hbm>> -> memref<1x16x768xf32, #tpu.memory_space<hbm>>
      %dma_start3A_309 = tpu.memref_squeeze %dma_start3A_308 : memref<1x16x768xf32, #tpu.memory_space<hbm>> -> memref<16x768xf32, #tpu.memory_space<hbm>>
      %dma_start3A_310 = arith.constant 0 : i32
      %dma_start3A_311 = tpu.memref_slice %arg2[%dma_start3A_306, %add3A_305, %dma_start3A_310] : memref<4x8192x768xf32, #tpu.memory_space<hbm>> -> memref<1x16x768xf32, #tpu.memory_space<hbm>>
      %dma_start3A_312 = tpu.memref_squeeze %dma_start3A_311 : memref<1x16x768xf32, #tpu.memory_space<hbm>> -> memref<16x768xf32, #tpu.memory_space<hbm>>
      tpu.enqueue_dma source(%dma_start3A_312 : memref<16x768xf32, #tpu.memory_space<hbm>>) target(%arg7 : memref<16x768xf32, #tpu.memory_space<vmem>>) target_semaphore(%arg17 : memref<!tpu.dma_semaphore, #tpu.memory_space<semaphore_mem>>)
      %gt3A_313 = arith.constant 0 : i32
      %gt3A_314 = arith.cmpi sgt, %add3A_283, %gt3A_313 : i32
      %convert_element_type3A_315 = arith.extui %gt3A_314 : i1 to i32
      %cond3A_316 = arith.constant 0 : i32
      %cond3A_317 = arith.cmpi ne, %convert_element_type3A_315, %cond3A_316 : i32
      scf.if %cond3A_317 {
        %dma_wait3A_440 = arith.constant 1 : i32
        %dma_wait3A_441 = arith.constant 0 : i32
        %dma_wait3A_442 = arith.constant 0 : i32
        %dma_wait3A_443 = tpu.memref_slice %arg4[%dma_wait3A_440, %dma_wait3A_441, %dma_wait3A_442] : memref<4x8192x768xf32, #tpu.memory_space<hbm>> -> memref<1x16x768xf32, #tpu.memory_space<hbm>>
        %dma_wait3A_444 = tpu.memref_squeeze %dma_wait3A_443 : memref<1x16x768xf32, #tpu.memory_space<hbm>> -> memref<16x768xf32, #tpu.memory_space<hbm>>
        %dma_wait3A_445 = arith.constant 0 : i32
        %dma_wait3A_446 = arith.constant 0 : i32
        %dma_wait3A_447 = tpu.memref_slice %arg4[%dma_wait3A_440, %dma_wait3A_445, %dma_wait3A_446] : memref<4x8192x768xf32, #tpu.memory_space<hbm>> -> memref<1x16x768xf32, #tpu.memory_space<hbm>>
        %dma_wait3A_448 = tpu.memref_squeeze %dma_wait3A_447 : memref<1x16x768xf32, #tpu.memory_space<hbm>> -> memref<16x768xf32, #tpu.memory_space<hbm>>
        tpu.wait_dma2 semaphore(%arg27 : memref<!tpu.dma_semaphore, #tpu.memory_space<semaphore_mem>>) src(%arg9 : memref<16x768xf32, #tpu.memory_space<vmem>>) dst(%dma_wait3A_448 : memref<16x768xf32, #tpu.memory_space<hbm>>)
      } else {
      }
      %mul3A_318 = arith.constant 16 : i32
      %mul3A_319 = arith.muli %min3A_290, %mul3A_318 : i32
      %add3A_320 = arith.addi %mul3A_2, %mul3A_319 : i32
      %dma_start3A_321 = arith.constant 1 : i32
      %dma_start3A_322 = arith.constant 0 : i32
      %dma_start3A_323 = tpu.memref_slice %arg2[%dma_start3A_321, %add3A_320, %dma_start3A_322] : memref<4x8192x768xf32, #tpu.memory_space<hbm>> -> memref<1x16x768xf32, #tpu.memory_space<hbm>>
      %dma_start3A_324 = tpu.memref_squeeze %dma_start3A_323 : memref<1x16x768xf32, #tpu.memory_space<hbm>> -> memref<16x768xf32, #tpu.memory_space<hbm>>
      %dma_start3A_325 = arith.constant 0 : i32
      %dma_start3A_326 = tpu.memref_slice %arg2[%dma_start3A_321, %add3A_320, %dma_start3A_325] : memref<4x8192x768xf32, #tpu.memory_space<hbm>> -> memref<1x16x768xf32, #tpu.memory_space<hbm>>
      %dma_start3A_327 = tpu.memref_squeeze %dma_start3A_326 : memref<1x16x768xf32, #tpu.memory_space<hbm>> -> memref<16x768xf32, #tpu.memory_space<hbm>>
      tpu.enqueue_dma source(%dma_start3A_327 : memref<16x768xf32, #tpu.memory_space<hbm>>) target(%arg9 : memref<16x768xf32, #tpu.memory_space<vmem>>) target_semaphore(%arg19 : memref<!tpu.dma_semaphore, #tpu.memory_space<semaphore_mem>>)
      %gt3A_328 = arith.constant 0 : i32
      %gt3A_329 = arith.cmpi sgt, %add3A_283, %gt3A_328 : i32
      %convert_element_type3A_330 = arith.extui %gt3A_329 : i1 to i32
      %cond3A_331 = arith.constant 0 : i32
      %cond3A_332 = arith.cmpi ne, %convert_element_type3A_330, %cond3A_331 : i32
      scf.if %cond3A_332 {
        %dma_wait3A_440 = arith.constant 2 : i32
        %dma_wait3A_441 = arith.constant 0 : i32
        %dma_wait3A_442 = arith.constant 0 : i32
        %dma_wait3A_443 = tpu.memref_slice %arg4[%dma_wait3A_440, %dma_wait3A_441, %dma_wait3A_442] : memref<4x8192x768xf32, #tpu.memory_space<hbm>> -> memref<1x16x768xf32, #tpu.memory_space<hbm>>
        %dma_wait3A_444 = tpu.memref_squeeze %dma_wait3A_443 : memref<1x16x768xf32, #tpu.memory_space<hbm>> -> memref<16x768xf32, #tpu.memory_space<hbm>>
        %dma_wait3A_445 = arith.constant 0 : i32
        %dma_wait3A_446 = arith.constant 0 : i32
        %dma_wait3A_447 = tpu.memref_slice %arg4[%dma_wait3A_440, %dma_wait3A_445, %dma_wait3A_446] : memref<4x8192x768xf32, #tpu.memory_space<hbm>> -> memref<1x16x768xf32, #tpu.memory_space<hbm>>
        %dma_wait3A_448 = tpu.memref_squeeze %dma_wait3A_447 : memref<1x16x768xf32, #tpu.memory_space<hbm>> -> memref<16x768xf32, #tpu.memory_space<hbm>>
        tpu.wait_dma2 semaphore(%arg29 : memref<!tpu.dma_semaphore, #tpu.memory_space<semaphore_mem>>) src(%arg11 : memref<16x768xf32, #tpu.memory_space<vmem>>) dst(%dma_wait3A_448 : memref<16x768xf32, #tpu.memory_space<hbm>>)
      } else {
      }
      %mul3A_333 = arith.constant 16 : i32
      %mul3A_334 = arith.muli %min3A_290, %mul3A_333 : i32
      %add3A_335 = arith.addi %mul3A_2, %mul3A_334 : i32
      %dma_start3A_336 = arith.constant 2 : i32
      %dma_start3A_337 = arith.constant 0 : i32
      %dma_start3A_338 = tpu.memref_slice %arg2[%dma_start3A_336, %add3A_335, %dma_start3A_337] : memref<4x8192x768xf32, #tpu.memory_space<hbm>> -> memref<1x16x768xf32, #tpu.memory_space<hbm>>
      %dma_start3A_339 = tpu.memref_squeeze %dma_start3A_338 : memref<1x16x768xf32, #tpu.memory_space<hbm>> -> memref<16x768xf32, #tpu.memory_space<hbm>>
      %dma_start3A_340 = arith.constant 0 : i32
      %dma_start3A_341 = tpu.memref_slice %arg2[%dma_start3A_336, %add3A_335, %dma_start3A_340] : memref<4x8192x768xf32, #tpu.memory_space<hbm>> -> memref<1x16x768xf32, #tpu.memory_space<hbm>>
      %dma_start3A_342 = tpu.memref_squeeze %dma_start3A_341 : memref<1x16x768xf32, #tpu.memory_space<hbm>> -> memref<16x768xf32, #tpu.memory_space<hbm>>
      tpu.enqueue_dma source(%dma_start3A_342 : memref<16x768xf32, #tpu.memory_space<hbm>>) target(%arg11 : memref<16x768xf32, #tpu.memory_space<vmem>>) target_semaphore(%arg21 : memref<!tpu.dma_semaphore, #tpu.memory_space<semaphore_mem>>)
      %gt3A_343 = arith.constant 0 : i32
      %gt3A_344 = arith.cmpi sgt, %add3A_283, %gt3A_343 : i32
      %convert_element_type3A_345 = arith.extui %gt3A_344 : i1 to i32
      %cond3A_346 = arith.constant 0 : i32
      %cond3A_347 = arith.cmpi ne, %convert_element_type3A_345, %cond3A_346 : i32
      scf.if %cond3A_347 {
        %dma_wait3A_440 = arith.constant 3 : i32
        %dma_wait3A_441 = arith.constant 0 : i32
        %dma_wait3A_442 = arith.constant 0 : i32
        %dma_wait3A_443 = tpu.memref_slice %arg4[%dma_wait3A_440, %dma_wait3A_441, %dma_wait3A_442] : memref<4x8192x768xf32, #tpu.memory_space<hbm>> -> memref<1x16x768xf32, #tpu.memory_space<hbm>>
        %dma_wait3A_444 = tpu.memref_squeeze %dma_wait3A_443 : memref<1x16x768xf32, #tpu.memory_space<hbm>> -> memref<16x768xf32, #tpu.memory_space<hbm>>
        %dma_wait3A_445 = arith.constant 0 : i32
        %dma_wait3A_446 = arith.constant 0 : i32
        %dma_wait3A_447 = tpu.memref_slice %arg4[%dma_wait3A_440, %dma_wait3A_445, %dma_wait3A_446] : memref<4x8192x768xf32, #tpu.memory_space<hbm>> -> memref<1x16x768xf32, #tpu.memory_space<hbm>>
        %dma_wait3A_448 = tpu.memref_squeeze %dma_wait3A_447 : memref<1x16x768xf32, #tpu.memory_space<hbm>> -> memref<16x768xf32, #tpu.memory_space<hbm>>
        tpu.wait_dma2 semaphore(%arg31 : memref<!tpu.dma_semaphore, #tpu.memory_space<semaphore_mem>>) src(%arg13 : memref<16x768xf32, #tpu.memory_space<vmem>>) dst(%dma_wait3A_448 : memref<16x768xf32, #tpu.memory_space<hbm>>)
      } else {
      }
      %mul3A_348 = arith.constant 16 : i32
      %mul3A_349 = arith.muli %min3A_290, %mul3A_348 : i32
      %add3A_350 = arith.addi %mul3A_2, %mul3A_349 : i32
      %dma_start3A_351 = arith.constant 3 : i32
      %dma_start3A_352 = arith.constant 0 : i32
      %dma_start3A_353 = tpu.memref_slice %arg2[%dma_start3A_351, %add3A_350, %dma_start3A_352] : memref<4x8192x768xf32, #tpu.memory_space<hbm>> -> memref<1x16x768xf32, #tpu.memory_space<hbm>>
      %dma_start3A_354 = tpu.memref_squeeze %dma_start3A_353 : memref<1x16x768xf32, #tpu.memory_space<hbm>> -> memref<16x768xf32, #tpu.memory_space<hbm>>
      %dma_start3A_355 = arith.constant 0 : i32
      %dma_start3A_356 = tpu.memref_slice %arg2[%dma_start3A_351, %add3A_350, %dma_start3A_355] : memref<4x8192x768xf32, #tpu.memory_space<hbm>> -> memref<1x16x768xf32, #tpu.memory_space<hbm>>
      %dma_start3A_357 = tpu.memref_squeeze %dma_start3A_356 : memref<1x16x768xf32, #tpu.memory_space<hbm>> -> memref<16x768xf32, #tpu.memory_space<hbm>>
      tpu.enqueue_dma source(%dma_start3A_357 : memref<16x768xf32, #tpu.memory_space<hbm>>) target(%arg13 : memref<16x768xf32, #tpu.memory_space<vmem>>) target_semaphore(%arg23 : memref<!tpu.dma_semaphore, #tpu.memory_space<semaphore_mem>>)
      %dma_wait3A_358 = arith.constant 0 : i32
      %dma_wait3A_359 = arith.constant 0 : i32
      %dma_wait3A_360 = tpu.memref_slice %arg3[%dma_wait3A_358, %dma_wait3A_359] : memref<8192x768xf32, #tpu.memory_space<hbm>> -> memref<16x768xf32, #tpu.memory_space<hbm>>
      %dma_wait3A_361 = arith.constant 0 : i32
      %dma_wait3A_362 = arith.constant 0 : i32
      %dma_wait3A_363 = tpu.memref_slice %arg3[%dma_wait3A_361, %dma_wait3A_362] : memref<8192x768xf32, #tpu.memory_space<hbm>> -> memref<16x768xf32, #tpu.memory_space<hbm>>
      tpu.wait_dma2 semaphore(%arg16 : memref<!tpu.dma_semaphore, #tpu.memory_space<semaphore_mem>>) src(%dma_wait3A_363 : memref<16x768xf32, #tpu.memory_space<hbm>>) dst(%arg6 : memref<16x768xf32, #tpu.memory_space<vmem>>)
      %dma_wait3A_364 = arith.constant 0 : i32
      %dma_wait3A_365 = arith.constant 0 : i32
      %dma_wait3A_366 = arith.constant 0 : i32
      %dma_wait3A_367 = tpu.memref_slice %arg2[%dma_wait3A_364, %dma_wait3A_365, %dma_wait3A_366] : memref<4x8192x768xf32, #tpu.memory_space<hbm>> -> memref<1x16x768xf32, #tpu.memory_space<hbm>>
      %dma_wait3A_368 = tpu.memref_squeeze %dma_wait3A_367 : memref<1x16x768xf32, #tpu.memory_space<hbm>> -> memref<16x768xf32, #tpu.memory_space<hbm>>
      %dma_wait3A_369 = arith.constant 0 : i32
      %dma_wait3A_370 = arith.constant 0 : i32
      %dma_wait3A_371 = tpu.memref_slice %arg2[%dma_wait3A_364, %dma_wait3A_369, %dma_wait3A_370] : memref<4x8192x768xf32, #tpu.memory_space<hbm>> -> memref<1x16x768xf32, #tpu.memory_space<hbm>>
      %dma_wait3A_372 = tpu.memref_squeeze %dma_wait3A_371 : memref<1x16x768xf32, #tpu.memory_space<hbm>> -> memref<16x768xf32, #tpu.memory_space<hbm>>
      tpu.wait_dma2 semaphore(%arg18 : memref<!tpu.dma_semaphore, #tpu.memory_space<semaphore_mem>>) src(%dma_wait3A_372 : memref<16x768xf32, #tpu.memory_space<hbm>>) dst(%arg8 : memref<16x768xf32, #tpu.memory_space<vmem>>)
      %parallel_loop3A_373 = arith.constant 0 : i32
      %parallel_loop3A_374 = arith.constant 128 : i32
      %parallel_loop3A_375 = arith.constant 1 : i32
      scf.for %parallel_loop3A_440 = %parallel_loop3A_373 to %parallel_loop3A_374 step %parallel_loop3A_375  : i32 {
        %parallel_loop3A_441 = arith.constant 8 : i32
        %parallel_loop3A_442 = arith.divsi %parallel_loop3A_440, %parallel_loop3A_441 : i32
        %parallel_loop3A_443 = arith.constant 0 : i32
        %parallel_loop3A_444 = arith.cmpi sgt, %parallel_loop3A_440, %parallel_loop3A_443 : i32
        %parallel_loop3A_445 = arith.extui %parallel_loop3A_444 : i1 to i32
        %parallel_loop3A_446 = arith.constant 0 : i32
        %parallel_loop3A_447 = arith.cmpi slt, %parallel_loop3A_440, %parallel_loop3A_446 : i32
        %parallel_loop3A_448 = arith.extui %parallel_loop3A_447 : i1 to i32
        %parallel_loop3A_449 = arith.subi %parallel_loop3A_445, %parallel_loop3A_448 : i32
        %parallel_loop3A_450 = arith.constant 0 : i32
        %parallel_loop3A_451 = arith.cmpi sgt, %parallel_loop3A_441, %parallel_loop3A_450 : i32
        %parallel_loop3A_452 = arith.extui %parallel_loop3A_451 : i1 to i32
        %parallel_loop3A_453 = arith.constant 0 : i32
        %parallel_loop3A_454 = arith.cmpi slt, %parallel_loop3A_441, %parallel_loop3A_453 : i32
        %parallel_loop3A_455 = arith.extui %parallel_loop3A_454 : i1 to i32
        %parallel_loop3A_456 = arith.subi %parallel_loop3A_452, %parallel_loop3A_455 : i32
        %parallel_loop3A_457 = arith.cmpi ne, %parallel_loop3A_449, %parallel_loop3A_456 : i32
        %parallel_loop3A_458 = arith.remsi %parallel_loop3A_440, %parallel_loop3A_441 : i32
        %parallel_loop3A_459 = arith.constant 0 : i32
        %parallel_loop3A_460 = arith.cmpi ne, %parallel_loop3A_458, %parallel_loop3A_459 : i32
        %parallel_loop3A_461 = arith.andi %parallel_loop3A_457, %parallel_loop3A_460 : i1
        %parallel_loop3A_462 = arith.constant 1 : i32
        %parallel_loop3A_463 = arith.subi %parallel_loop3A_442, %parallel_loop3A_462 : i32
        %parallel_loop3A_464 = arith.select %parallel_loop3A_461, %parallel_loop3A_463, %parallel_loop3A_442 : i32
        %parallel_loop3A_465 = arith.constant 8 : i32
        %parallel_loop3A_466 = arith.constant 0 : i32
        %parallel_loop3A_467 = arith.cmpi eq, %parallel_loop3A_465, %parallel_loop3A_466 : i32
        %parallel_loop3A_468 = arith.constant 1 : i32
        %parallel_loop3A_469 = arith.select %parallel_loop3A_467, %parallel_loop3A_468, %parallel_loop3A_465 : i32
        %parallel_loop3A_470 = arith.remsi %parallel_loop3A_440, %parallel_loop3A_469 : i32
        %parallel_loop3A_471 = arith.constant 0 : i32
        %parallel_loop3A_472 = arith.cmpi ne, %parallel_loop3A_470, %parallel_loop3A_471 : i32
        %parallel_loop3A_473 = arith.constant 0 : i32
        %parallel_loop3A_474 = arith.cmpi slt, %parallel_loop3A_470, %parallel_loop3A_473 : i32
        %parallel_loop3A_475 = arith.constant 0 : i32
        %parallel_loop3A_476 = arith.cmpi slt, %parallel_loop3A_469, %parallel_loop3A_475 : i32
        %parallel_loop3A_477 = arith.xori %parallel_loop3A_474, %parallel_loop3A_476 : i1
        %parallel_loop3A_478 = arith.andi %parallel_loop3A_477, %parallel_loop3A_472 : i1
        %parallel_loop3A_479 = arith.addi %parallel_loop3A_470, %parallel_loop3A_469 : i32
        %parallel_loop3A_480 = arith.select %parallel_loop3A_478, %parallel_loop3A_479, %parallel_loop3A_470 : i32
        %parallel_loop3A_481 = arith.constant 96 : i32
        %parallel_loop3A_482 = arith.muli %parallel_loop3A_480, %parallel_loop3A_481 : i32
        %parallel_loop3A_483 = arith.constant 0 : i32
        %parallel_loop3A_484 = arith.addi %parallel_loop3A_482, %parallel_loop3A_483 : i32
        %parallel_loop3A_485 = arith.index_cast %parallel_loop3A_464 : i32 to index
        %parallel_loop3A_486 = arith.index_cast %parallel_loop3A_484 : i32 to index
        %parallel_loop3A_487 = tpu.vector_load %arg6[%parallel_loop3A_485, %parallel_loop3A_486] {strides = array<i32>} : memref<16x768xf32, #tpu.memory_space<vmem>>, vector<1x16xf32>,
        %parallel_loop3A_488 = vector.shape_cast %parallel_loop3A_487 : vector<1x16xf32> to vector<16xf32>
        %parallel_loop3A_489 = arith.index_cast %parallel_loop3A_464 : i32 to index
        %parallel_loop3A_490 = arith.index_cast %parallel_loop3A_484 : i32 to index
        %parallel_loop3A_491 = tpu.vector_load %arg8[%parallel_loop3A_489, %parallel_loop3A_490] {strides = array<i32>} : memref<16x768xf32, #tpu.memory_space<vmem>>, vector<1x16xf32>,
        %parallel_loop3A_492 = vector.shape_cast %parallel_loop3A_491 : vector<1x16xf32> to vector<16xf32>
        %parallel_loop3A_493 = vector.shape_cast %parallel_loop3A_488 : vector<16xf32> to vector<1x16xf32>
        tpu.vector_store %arg8[%parallel_loop3A_489, %parallel_loop3A_490], %parallel_loop3A_493 {add = true, strides = array<i32>} : memref<16x768xf32, #tpu.memory_space<vmem>>, vector<1x16xf32>,
        %parallel_loop3A_494 = arith.constant 16 : i32
        %parallel_loop3A_495 = arith.addi %parallel_loop3A_482, %parallel_loop3A_494 : i32
        %parallel_loop3A_496 = arith.index_cast %parallel_loop3A_464 : i32 to index
        %parallel_loop3A_497 = arith.index_cast %parallel_loop3A_495 : i32 to index
        %parallel_loop3A_498 = tpu.vector_load %arg6[%parallel_loop3A_496, %parallel_loop3A_497] {strides = array<i32>} : memref<16x768xf32, #tpu.memory_space<vmem>>, vector<1x16xf32>,
        %parallel_loop3A_499 = vector.shape_cast %parallel_loop3A_498 : vector<1x16xf32> to vector<16xf32>
        %parallel_loop3A_500 = arith.index_cast %parallel_loop3A_464 : i32 to index
        %parallel_loop3A_501 = arith.index_cast %parallel_loop3A_495 : i32 to index
        %parallel_loop3A_502 = tpu.vector_load %arg8[%parallel_loop3A_500, %parallel_loop3A_501] {strides = array<i32>} : memref<16x768xf32, #tpu.memory_space<vmem>>, vector<1x16xf32>,
        %parallel_loop3A_503 = vector.shape_cast %parallel_loop3A_502 : vector<1x16xf32> to vector<16xf32>
        %parallel_loop3A_504 = vector.shape_cast %parallel_loop3A_499 : vector<16xf32> to vector<1x16xf32>
        tpu.vector_store %arg8[%parallel_loop3A_500, %parallel_loop3A_501], %parallel_loop3A_504 {add = true, strides = array<i32>} : memref<16x768xf32, #tpu.memory_space<vmem>>, vector<1x16xf32>,
        %parallel_loop3A_505 = arith.constant 32 : i32
        %parallel_loop3A_506 = arith.addi %parallel_loop3A_482, %parallel_loop3A_505 : i32
        %parallel_loop3A_507 = arith.index_cast %parallel_loop3A_464 : i32 to index
        %parallel_loop3A_508 = arith.index_cast %parallel_loop3A_506 : i32 to index
        %parallel_loop3A_509 = tpu.vector_load %arg6[%parallel_loop3A_507, %parallel_loop3A_508] {strides = array<i32>} : memref<16x768xf32, #tpu.memory_space<vmem>>, vector<1x16xf32>,
        %parallel_loop3A_510 = vector.shape_cast %parallel_loop3A_509 : vector<1x16xf32> to vector<16xf32>
        %parallel_loop3A_511 = arith.index_cast %parallel_loop3A_464 : i32 to index
        %parallel_loop3A_512 = arith.index_cast %parallel_loop3A_506 : i32 to index
        %parallel_loop3A_513 = tpu.vector_load %arg8[%parallel_loop3A_511, %parallel_loop3A_512] {strides = array<i32>} : memref<16x768xf32, #tpu.memory_space<vmem>>, vector<1x16xf32>,
        %parallel_loop3A_514 = vector.shape_cast %parallel_loop3A_513 : vector<1x16xf32> to vector<16xf32>
        %parallel_loop3A_515 = vector.shape_cast %parallel_loop3A_510 : vector<16xf32> to vector<1x16xf32>
        tpu.vector_store %arg8[%parallel_loop3A_511, %parallel_loop3A_512], %parallel_loop3A_515 {add = true, strides = array<i32>} : memref<16x768xf32, #tpu.memory_space<vmem>>, vector<1x16xf32>,
        %parallel_loop3A_516 = arith.constant 48 : i32
        %parallel_loop3A_517 = arith.addi %parallel_loop3A_482, %parallel_loop3A_516 : i32
        %parallel_loop3A_518 = arith.index_cast %parallel_loop3A_464 : i32 to index
        %parallel_loop3A_519 = arith.index_cast %parallel_loop3A_517 : i32 to index
        %parallel_loop3A_520 = tpu.vector_load %arg6[%parallel_loop3A_518, %parallel_loop3A_519] {strides = array<i32>} : memref<16x768xf32, #tpu.memory_space<vmem>>, vector<1x16xf32>,
        %parallel_loop3A_521 = vector.shape_cast %parallel_loop3A_520 : vector<1x16xf32> to vector<16xf32>
        %parallel_loop3A_522 = arith.index_cast %parallel_loop3A_464 : i32 to index
        %parallel_loop3A_523 = arith.index_cast %parallel_loop3A_517 : i32 to index
        %parallel_loop3A_524 = tpu.vector_load %arg8[%parallel_loop3A_522, %parallel_loop3A_523] {strides = array<i32>} : memref<16x768xf32, #tpu.memory_space<vmem>>, vector<1x16xf32>,
        %parallel_loop3A_525 = vector.shape_cast %parallel_loop3A_524 : vector<1x16xf32> to vector<16xf32>
        %parallel_loop3A_526 = vector.shape_cast %parallel_loop3A_521 : vector<16xf32> to vector<1x16xf32>
        tpu.vector_store %arg8[%parallel_loop3A_522, %parallel_loop3A_523], %parallel_loop3A_526 {add = true, strides = array<i32>} : memref<16x768xf32, #tpu.memory_space<vmem>>, vector<1x16xf32>,
        %parallel_loop3A_527 = arith.constant 64 : i32
        %parallel_loop3A_528 = arith.addi %parallel_loop3A_482, %parallel_loop3A_527 : i32
        %parallel_loop3A_529 = arith.index_cast %parallel_loop3A_464 : i32 to index
        %parallel_loop3A_530 = arith.index_cast %parallel_loop3A_528 : i32 to index
        %parallel_loop3A_531 = tpu.vector_load %arg6[%parallel_loop3A_529, %parallel_loop3A_530] {strides = array<i32>} : memref<16x768xf32, #tpu.memory_space<vmem>>, vector<1x16xf32>,
        %parallel_loop3A_532 = vector.shape_cast %parallel_loop3A_531 : vector<1x16xf32> to vector<16xf32>
        %parallel_loop3A_533 = arith.index_cast %parallel_loop3A_464 : i32 to index
        %parallel_loop3A_534 = arith.index_cast %parallel_loop3A_528 : i32 to index
        %parallel_loop3A_535 = tpu.vector_load %arg8[%parallel_loop3A_533, %parallel_loop3A_534] {strides = array<i32>} : memref<16x768xf32, #tpu.memory_space<vmem>>, vector<1x16xf32>,
        %parallel_loop3A_536 = vector.shape_cast %parallel_loop3A_535 : vector<1x16xf32> to vector<16xf32>
        %parallel_loop3A_537 = vector.shape_cast %parallel_loop3A_532 : vector<16xf32> to vector<1x16xf32>
        tpu.vector_store %arg8[%parallel_loop3A_533, %parallel_loop3A_534], %parallel_loop3A_537 {add = true, strides = array<i32>} : memref<16x768xf32, #tpu.memory_space<vmem>>, vector<1x16xf32>,
        %parallel_loop3A_538 = arith.constant 80 : i32
        %parallel_loop3A_539 = arith.addi %parallel_loop3A_482, %parallel_loop3A_538 : i32
        %parallel_loop3A_540 = arith.index_cast %parallel_loop3A_464 : i32 to index
        %parallel_loop3A_541 = arith.index_cast %parallel_loop3A_539 : i32 to index
        %parallel_loop3A_542 = tpu.vector_load %arg6[%parallel_loop3A_540, %parallel_loop3A_541] {strides = array<i32>} : memref<16x768xf32, #tpu.memory_space<vmem>>, vector<1x16xf32>,
        %parallel_loop3A_543 = vector.shape_cast %parallel_loop3A_542 : vector<1x16xf32> to vector<16xf32>
        %parallel_loop3A_544 = arith.index_cast %parallel_loop3A_464 : i32 to index
        %parallel_loop3A_545 = arith.index_cast %parallel_loop3A_539 : i32 to index
        %parallel_loop3A_546 = tpu.vector_load %arg8[%parallel_loop3A_544, %parallel_loop3A_545] {strides = array<i32>} : memref<16x768xf32, #tpu.memory_space<vmem>>, vector<1x16xf32>,
        %parallel_loop3A_547 = vector.shape_cast %parallel_loop3A_546 : vector<1x16xf32> to vector<16xf32>
        %parallel_loop3A_548 = vector.shape_cast %parallel_loop3A_543 : vector<16xf32> to vector<1x16xf32>
        tpu.vector_store %arg8[%parallel_loop3A_544, %parallel_loop3A_545], %parallel_loop3A_548 {add = true, strides = array<i32>} : memref<16x768xf32, #tpu.memory_space<vmem>>, vector<1x16xf32>,
      } {sc.loop_unroll_factor = 1 : i64, sc.parallel_access}
      %dma_start3A_376 = arith.constant 0 : i32
      %dma_start3A_377 = arith.constant 0 : i32
      %dma_start3A_378 = tpu.memref_slice %arg4[%dma_start3A_376, %add3A_286, %dma_start3A_377] : memref<4x8192x768xf32, #tpu.memory_space<hbm>> -> memref<1x16x768xf32, #tpu.memory_space<hbm>>
      %dma_start3A_379 = tpu.memref_squeeze %dma_start3A_378 : memref<1x16x768xf32, #tpu.memory_space<hbm>> -> memref<16x768xf32, #tpu.memory_space<hbm>>
      %dma_start3A_380 = arith.constant 0 : i32
      %dma_start3A_381 = tpu.memref_slice %arg4[%dma_start3A_376, %add3A_286, %dma_start3A_380] : memref<4x8192x768xf32, #tpu.memory_space<hbm>> -> memref<1x16x768xf32, #tpu.memory_space<hbm>>
      %dma_start3A_382 = tpu.memref_squeeze %dma_start3A_381 : memref<1x16x768xf32, #tpu.memory_space<hbm>> -> memref<16x768xf32, #tpu.memory_space<hbm>>
      tpu.enqueue_dma source(%arg8 : memref<16x768xf32, #tpu.memory_space<vmem>>) target(%dma_start3A_382 : memref<16x768xf32, #tpu.memory_space<hbm>>) target_semaphore(%arg26 : memref<!tpu.dma_semaphore, #tpu.memory_space<semaphore_mem>>)
      %dma_wait3A_383 = arith.constant 1 : i32
      %dma_wait3A_384 = arith.constant 0 : i32
      %dma_wait3A_385 = arith.constant 0 : i32
      %dma_wait3A_386 = tpu.memref_slice %arg2[%dma_wait3A_383, %dma_wait3A_384, %dma_wait3A_385] : memref<4x8192x768xf32, #tpu.memory_space<hbm>> -> memref<1x16x768xf32, #tpu.memory_space<hbm>>
      %dma_wait3A_387 = tpu.memref_squeeze %dma_wait3A_386 : memref<1x16x768xf32, #tpu.memory_space<hbm>> -> memref<16x768xf32, #tpu.memory_space<hbm>>
      %dma_wait3A_388 = arith.constant 0 : i32
      %dma_wait3A_389 = arith.constant 0 : i32
      %dma_wait3A_390 = tpu.memref_slice %arg2[%dma_wait3A_383, %dma_wait3A_388, %dma_wait3A_389] : memref<4x8192x768xf32, #tpu.memory_space<hbm>> -> memref<1x16x768xf32, #tpu.memory_space<hbm>>
      %dma_wait3A_391 = tpu.memref_squeeze %dma_wait3A_390 : memref<1x16x768xf32, #tpu.memory_space<hbm>> -> memref<16x768xf32, #tpu.memory_space<hbm>>
      tpu.wait_dma2 semaphore(%arg20 : memref<!tpu.dma_semaphore, #tpu.memory_space<semaphore_mem>>) src(%dma_wait3A_391 : memref<16x768xf32, #tpu.memory_space<hbm>>) dst(%arg10 : memref<16x768xf32, #tpu.memory_space<vmem>>)
      %parallel_loop3A_392 = arith.constant 0 : i32
      %parallel_loop3A_393 = arith.constant 128 : i32
      %parallel_loop3A_394 = arith.constant 1 : i32
      scf.for %parallel_loop3A_440 = %parallel_loop3A_392 to %parallel_loop3A_393 step %parallel_loop3A_394  : i32 {
        %parallel_loop3A_441 = arith.constant 8 : i32
        %parallel_loop3A_442 = arith.divsi %parallel_loop3A_440, %parallel_loop3A_441 : i32
        %parallel_loop3A_443 = arith.constant 0 : i32
        %parallel_loop3A_444 = arith.cmpi sgt, %parallel_loop3A_440, %parallel_loop3A_443 : i32
        %parallel_loop3A_445 = arith.extui %parallel_loop3A_444 : i1 to i32
        %parallel_loop3A_446 = arith.constant 0 : i32
        %parallel_loop3A_447 = arith.cmpi slt, %parallel_loop3A_440, %parallel_loop3A_446 : i32
        %parallel_loop3A_448 = arith.extui %parallel_loop3A_447 : i1 to i32
        %parallel_loop3A_449 = arith.subi %parallel_loop3A_445, %parallel_loop3A_448 : i32
        %parallel_loop3A_450 = arith.constant 0 : i32
        %parallel_loop3A_451 = arith.cmpi sgt, %parallel_loop3A_441, %parallel_loop3A_450 : i32
        %parallel_loop3A_452 = arith.extui %parallel_loop3A_451 : i1 to i32
        %parallel_loop3A_453 = arith.constant 0 : i32
        %parallel_loop3A_454 = arith.cmpi slt, %parallel_loop3A_441, %parallel_loop3A_453 : i32
        %parallel_loop3A_455 = arith.extui %parallel_loop3A_454 : i1 to i32
        %parallel_loop3A_456 = arith.subi %parallel_loop3A_452, %parallel_loop3A_455 : i32
        %parallel_loop3A_457 = arith.cmpi ne, %parallel_loop3A_449, %parallel_loop3A_456 : i32
        %parallel_loop3A_458 = arith.remsi %parallel_loop3A_440, %parallel_loop3A_441 : i32
        %parallel_loop3A_459 = arith.constant 0 : i32
        %parallel_loop3A_460 = arith.cmpi ne, %parallel_loop3A_458, %parallel_loop3A_459 : i32
        %parallel_loop3A_461 = arith.andi %parallel_loop3A_457, %parallel_loop3A_460 : i1
        %parallel_loop3A_462 = arith.constant 1 : i32
        %parallel_loop3A_463 = arith.subi %parallel_loop3A_442, %parallel_loop3A_462 : i32
        %parallel_loop3A_464 = arith.select %parallel_loop3A_461, %parallel_loop3A_463, %parallel_loop3A_442 : i32
        %parallel_loop3A_465 = arith.constant 8 : i32
        %parallel_loop3A_466 = arith.constant 0 : i32
        %parallel_loop3A_467 = arith.cmpi eq, %parallel_loop3A_465, %parallel_loop3A_466 : i32
        %parallel_loop3A_468 = arith.constant 1 : i32
        %parallel_loop3A_469 = arith.select %parallel_loop3A_467, %parallel_loop3A_468, %parallel_loop3A_465 : i32
        %parallel_loop3A_470 = arith.remsi %parallel_loop3A_440, %parallel_loop3A_469 : i32
        %parallel_loop3A_471 = arith.constant 0 : i32
        %parallel_loop3A_472 = arith.cmpi ne, %parallel_loop3A_470, %parallel_loop3A_471 : i32
        %parallel_loop3A_473 = arith.constant 0 : i32
        %parallel_loop3A_474 = arith.cmpi slt, %parallel_loop3A_470, %parallel_loop3A_473 : i32
        %parallel_loop3A_475 = arith.constant 0 : i32
        %parallel_loop3A_476 = arith.cmpi slt, %parallel_loop3A_469, %parallel_loop3A_475 : i32
        %parallel_loop3A_477 = arith.xori %parallel_loop3A_474, %parallel_loop3A_476 : i1
        %parallel_loop3A_478 = arith.andi %parallel_loop3A_477, %parallel_loop3A_472 : i1
        %parallel_loop3A_479 = arith.addi %parallel_loop3A_470, %parallel_loop3A_469 : i32
        %parallel_loop3A_480 = arith.select %parallel_loop3A_478, %parallel_loop3A_479, %parallel_loop3A_470 : i32
        %parallel_loop3A_481 = arith.constant 96 : i32
        %parallel_loop3A_482 = arith.muli %parallel_loop3A_480, %parallel_loop3A_481 : i32
        %parallel_loop3A_483 = arith.constant 0 : i32
        %parallel_loop3A_484 = arith.addi %parallel_loop3A_482, %parallel_loop3A_483 : i32
        %parallel_loop3A_485 = arith.index_cast %parallel_loop3A_464 : i32 to index
        %parallel_loop3A_486 = arith.index_cast %parallel_loop3A_484 : i32 to index
        %parallel_loop3A_487 = tpu.vector_load %arg6[%parallel_loop3A_485, %parallel_loop3A_486] {strides = array<i32>} : memref<16x768xf32, #tpu.memory_space<vmem>>, vector<1x16xf32>,
        %parallel_loop3A_488 = vector.shape_cast %parallel_loop3A_487 : vector<1x16xf32> to vector<16xf32>
        %parallel_loop3A_489 = arith.index_cast %parallel_loop3A_464 : i32 to index
        %parallel_loop3A_490 = arith.index_cast %parallel_loop3A_484 : i32 to index
        %parallel_loop3A_491 = tpu.vector_load %arg10[%parallel_loop3A_489, %parallel_loop3A_490] {strides = array<i32>} : memref<16x768xf32, #tpu.memory_space<vmem>>, vector<1x16xf32>,
        %parallel_loop3A_492 = vector.shape_cast %parallel_loop3A_491 : vector<1x16xf32> to vector<16xf32>
        %parallel_loop3A_493 = vector.shape_cast %parallel_loop3A_488 : vector<16xf32> to vector<1x16xf32>
        tpu.vector_store %arg10[%parallel_loop3A_489, %parallel_loop3A_490], %parallel_loop3A_493 {add = true, strides = array<i32>} : memref<16x768xf32, #tpu.memory_space<vmem>>, vector<1x16xf32>,
        %parallel_loop3A_494 = arith.constant 16 : i32
        %parallel_loop3A_495 = arith.addi %parallel_loop3A_482, %parallel_loop3A_494 : i32
        %parallel_loop3A_496 = arith.index_cast %parallel_loop3A_464 : i32 to index
        %parallel_loop3A_497 = arith.index_cast %parallel_loop3A_495 : i32 to index
        %parallel_loop3A_498 = tpu.vector_load %arg6[%parallel_loop3A_496, %parallel_loop3A_497] {strides = array<i32>} : memref<16x768xf32, #tpu.memory_space<vmem>>, vector<1x16xf32>,
        %parallel_loop3A_499 = vector.shape_cast %parallel_loop3A_498 : vector<1x16xf32> to vector<16xf32>
        %parallel_loop3A_500 = arith.index_cast %parallel_loop3A_464 : i32 to index
        %parallel_loop3A_501 = arith.index_cast %parallel_loop3A_495 : i32 to index
        %parallel_loop3A_502 = tpu.vector_load %arg10[%parallel_loop3A_500, %parallel_loop3A_501] {strides = array<i32>} : memref<16x768xf32, #tpu.memory_space<vmem>>, vector<1x16xf32>,
        %parallel_loop3A_503 = vector.shape_cast %parallel_loop3A_502 : vector<1x16xf32> to vector<16xf32>
        %parallel_loop3A_504 = vector.shape_cast %parallel_loop3A_499 : vector<16xf32> to vector<1x16xf32>
        tpu.vector_store %arg10[%parallel_loop3A_500, %parallel_loop3A_501], %parallel_loop3A_504 {add = true, strides = array<i32>} : memref<16x768xf32, #tpu.memory_space<vmem>>, vector<1x16xf32>,
        %parallel_loop3A_505 = arith.constant 32 : i32
        %parallel_loop3A_506 = arith.addi %parallel_loop3A_482, %parallel_loop3A_505 : i32
        %parallel_loop3A_507 = arith.index_cast %parallel_loop3A_464 : i32 to index
        %parallel_loop3A_508 = arith.index_cast %parallel_loop3A_506 : i32 to index
        %parallel_loop3A_509 = tpu.vector_load %arg6[%parallel_loop3A_507, %parallel_loop3A_508] {strides = array<i32>} : memref<16x768xf32, #tpu.memory_space<vmem>>, vector<1x16xf32>,
        %parallel_loop3A_510 = vector.shape_cast %parallel_loop3A_509 : vector<1x16xf32> to vector<16xf32>
        %parallel_loop3A_511 = arith.index_cast %parallel_loop3A_464 : i32 to index
        %parallel_loop3A_512 = arith.index_cast %parallel_loop3A_506 : i32 to index
        %parallel_loop3A_513 = tpu.vector_load %arg10[%parallel_loop3A_511, %parallel_loop3A_512] {strides = array<i32>} : memref<16x768xf32, #tpu.memory_space<vmem>>, vector<1x16xf32>,
        %parallel_loop3A_514 = vector.shape_cast %parallel_loop3A_513 : vector<1x16xf32> to vector<16xf32>
        %parallel_loop3A_515 = vector.shape_cast %parallel_loop3A_510 : vector<16xf32> to vector<1x16xf32>
        tpu.vector_store %arg10[%parallel_loop3A_511, %parallel_loop3A_512], %parallel_loop3A_515 {add = true, strides = array<i32>} : memref<16x768xf32, #tpu.memory_space<vmem>>, vector<1x16xf32>,
        %parallel_loop3A_516 = arith.constant 48 : i32
        %parallel_loop3A_517 = arith.addi %parallel_loop3A_482, %parallel_loop3A_516 : i32
        %parallel_loop3A_518 = arith.index_cast %parallel_loop3A_464 : i32 to index
        %parallel_loop3A_519 = arith.index_cast %parallel_loop3A_517 : i32 to index
        %parallel_loop3A_520 = tpu.vector_load %arg6[%parallel_loop3A_518, %parallel_loop3A_519] {strides = array<i32>} : memref<16x768xf32, #tpu.memory_space<vmem>>, vector<1x16xf32>,
        %parallel_loop3A_521 = vector.shape_cast %parallel_loop3A_520 : vector<1x16xf32> to vector<16xf32>
        %parallel_loop3A_522 = arith.index_cast %parallel_loop3A_464 : i32 to index
        %parallel_loop3A_523 = arith.index_cast %parallel_loop3A_517 : i32 to index
        %parallel_loop3A_524 = tpu.vector_load %arg10[%parallel_loop3A_522, %parallel_loop3A_523] {strides = array<i32>} : memref<16x768xf32, #tpu.memory_space<vmem>>, vector<1x16xf32>,
        %parallel_loop3A_525 = vector.shape_cast %parallel_loop3A_524 : vector<1x16xf32> to vector<16xf32>
        %parallel_loop3A_526 = vector.shape_cast %parallel_loop3A_521 : vector<16xf32> to vector<1x16xf32>
        tpu.vector_store %arg10[%parallel_loop3A_522, %parallel_loop3A_523], %parallel_loop3A_526 {add = true, strides = array<i32>} : memref<16x768xf32, #tpu.memory_space<vmem>>, vector<1x16xf32>,
        %parallel_loop3A_527 = arith.constant 64 : i32
        %parallel_loop3A_528 = arith.addi %parallel_loop3A_482, %parallel_loop3A_527 : i32
        %parallel_loop3A_529 = arith.index_cast %parallel_loop3A_464 : i32 to index
        %parallel_loop3A_530 = arith.index_cast %parallel_loop3A_528 : i32 to index
        %parallel_loop3A_531 = tpu.vector_load %arg6[%parallel_loop3A_529, %parallel_loop3A_530] {strides = array<i32>} : memref<16x768xf32, #tpu.memory_space<vmem>>, vector<1x16xf32>,
        %parallel_loop3A_532 = vector.shape_cast %parallel_loop3A_531 : vector<1x16xf32> to vector<16xf32>
        %parallel_loop3A_533 = arith.index_cast %parallel_loop3A_464 : i32 to index
        %parallel_loop3A_534 = arith.index_cast %parallel_loop3A_528 : i32 to index
        %parallel_loop3A_535 = tpu.vector_load %arg10[%parallel_loop3A_533, %parallel_loop3A_534] {strides = array<i32>} : memref<16x768xf32, #tpu.memory_space<vmem>>, vector<1x16xf32>,
        %parallel_loop3A_536 = vector.shape_cast %parallel_loop3A_535 : vector<1x16xf32> to vector<16xf32>
        %parallel_loop3A_537 = vector.shape_cast %parallel_loop3A_532 : vector<16xf32> to vector<1x16xf32>
        tpu.vector_store %arg10[%parallel_loop3A_533, %parallel_loop3A_534], %parallel_loop3A_537 {add = true, strides = array<i32>} : memref<16x768xf32, #tpu.memory_space<vmem>>, vector<1x16xf32>,
        %parallel_loop3A_538 = arith.constant 80 : i32
        %parallel_loop3A_539 = arith.addi %parallel_loop3A_482, %parallel_loop3A_538 : i32
        %parallel_loop3A_540 = arith.index_cast %parallel_loop3A_464 : i32 to index
        %parallel_loop3A_541 = arith.index_cast %parallel_loop3A_539 : i32 to index
        %parallel_loop3A_542 = tpu.vector_load %arg6[%parallel_loop3A_540, %parallel_loop3A_541] {strides = array<i32>} : memref<16x768xf32, #tpu.memory_space<vmem>>, vector<1x16xf32>,
        %parallel_loop3A_543 = vector.shape_cast %parallel_loop3A_542 : vector<1x16xf32> to vector<16xf32>
        %parallel_loop3A_544 = arith.index_cast %parallel_loop3A_464 : i32 to index
        %parallel_loop3A_545 = arith.index_cast %parallel_loop3A_539 : i32 to index
        %parallel_loop3A_546 = tpu.vector_load %arg10[%parallel_loop3A_544, %parallel_loop3A_545] {strides = array<i32>} : memref<16x768xf32, #tpu.memory_space<vmem>>, vector<1x16xf32>,
        %parallel_loop3A_547 = vector.shape_cast %parallel_loop3A_546 : vector<1x16xf32> to vector<16xf32>
        %parallel_loop3A_548 = vector.shape_cast %parallel_loop3A_543 : vector<16xf32> to vector<1x16xf32>
        tpu.vector_store %arg10[%parallel_loop3A_544, %parallel_loop3A_545], %parallel_loop3A_548 {add = true, strides = array<i32>} : memref<16x768xf32, #tpu.memory_space<vmem>>, vector<1x16xf32>,
      } {sc.loop_unroll_factor = 1 : i64, sc.parallel_access}
      %dma_start3A_395 = arith.constant 1 : i32
      %dma_start3A_396 = arith.constant 0 : i32
      %dma_start3A_397 = tpu.memref_slice %arg4[%dma_start3A_395, %add3A_286, %dma_start3A_396] : memref<4x8192x768xf32, #tpu.memory_space<hbm>> -> memref<1x16x768xf32, #tpu.memory_space<hbm>>
      %dma_start3A_398 = tpu.memref_squeeze %dma_start3A_397 : memref<1x16x768xf32, #tpu.memory_space<hbm>> -> memref<16x768xf32, #tpu.memory_space<hbm>>
      %dma_start3A_399 = arith.constant 0 : i32
      %dma_start3A_400 = tpu.memref_slice %arg4[%dma_start3A_395, %add3A_286, %dma_start3A_399] : memref<4x8192x768xf32, #tpu.memory_space<hbm>> -> memref<1x16x768xf32, #tpu.memory_space<hbm>>
      %dma_start3A_401 = tpu.memref_squeeze %dma_start3A_400 : memref<1x16x768xf32, #tpu.memory_space<hbm>> -> memref<16x768xf32, #tpu.memory_space<hbm>>
      tpu.enqueue_dma source(%arg10 : memref<16x768xf32, #tpu.memory_space<vmem>>) target(%dma_start3A_401 : memref<16x768xf32, #tpu.memory_space<hbm>>) target_semaphore(%arg28 : memref<!tpu.dma_semaphore, #tpu.memory_space<semaphore_mem>>)
      %dma_wait3A_402 = arith.constant 2 : i32
      %dma_wait3A_403 = arith.constant 0 : i32
      %dma_wait3A_404 = arith.constant 0 : i32
      %dma_wait3A_405 = tpu.memref_slice %arg2[%dma_wait3A_402, %dma_wait3A_403, %dma_wait3A_404] : memref<4x8192x768xf32, #tpu.memory_space<hbm>> -> memref<1x16x768xf32, #tpu.memory_space<hbm>>
      %dma_wait3A_406 = tpu.memref_squeeze %dma_wait3A_405 : memref<1x16x768xf32, #tpu.memory_space<hbm>> -> memref<16x768xf32, #tpu.memory_space<hbm>>
      %dma_wait3A_407 = arith.constant 0 : i32
      %dma_wait3A_408 = arith.constant 0 : i32
      %dma_wait3A_409 = tpu.memref_slice %arg2[%dma_wait3A_402, %dma_wait3A_407, %dma_wait3A_408] : memref<4x8192x768xf32, #tpu.memory_space<hbm>> -> memref<1x16x768xf32, #tpu.memory_space<hbm>>
      %dma_wait3A_410 = tpu.memref_squeeze %dma_wait3A_409 : memref<1x16x768xf32, #tpu.memory_space<hbm>> -> memref<16x768xf32, #tpu.memory_space<hbm>>
      tpu.wait_dma2 semaphore(%arg22 : memref<!tpu.dma_semaphore, #tpu.memory_space<semaphore_mem>>) src(%dma_wait3A_410 : memref<16x768xf32, #tpu.memory_space<hbm>>) dst(%arg12 : memref<16x768xf32, #tpu.memory_space<vmem>>)
      %parallel_loop3A_411 = arith.constant 0 : i32
      %parallel_loop3A_412 = arith.constant 128 : i32
      %parallel_loop3A_413 = arith.constant 1 : i32
      scf.for %parallel_loop3A_440 = %parallel_loop3A_411 to %parallel_loop3A_412 step %parallel_loop3A_413  : i32 {
        %parallel_loop3A_441 = arith.constant 8 : i32
        %parallel_loop3A_442 = arith.divsi %parallel_loop3A_440, %parallel_loop3A_441 : i32
        %parallel_loop3A_443 = arith.constant 0 : i32
        %parallel_loop3A_444 = arith.cmpi sgt, %parallel_loop3A_440, %parallel_loop3A_443 : i32
        %parallel_loop3A_445 = arith.extui %parallel_loop3A_444 : i1 to i32
        %parallel_loop3A_446 = arith.constant 0 : i32
        %parallel_loop3A_447 = arith.cmpi slt, %parallel_loop3A_440, %parallel_loop3A_446 : i32
        %parallel_loop3A_448 = arith.extui %parallel_loop3A_447 : i1 to i32
        %parallel_loop3A_449 = arith.subi %parallel_loop3A_445, %parallel_loop3A_448 : i32
        %parallel_loop3A_450 = arith.constant 0 : i32
        %parallel_loop3A_451 = arith.cmpi sgt, %parallel_loop3A_441, %parallel_loop3A_450 : i32
        %parallel_loop3A_452 = arith.extui %parallel_loop3A_451 : i1 to i32
        %parallel_loop3A_453 = arith.constant 0 : i32
        %parallel_loop3A_454 = arith.cmpi slt, %parallel_loop3A_441, %parallel_loop3A_453 : i32
        %parallel_loop3A_455 = arith.extui %parallel_loop3A_454 : i1 to i32
        %parallel_loop3A_456 = arith.subi %parallel_loop3A_452, %parallel_loop3A_455 : i32
        %parallel_loop3A_457 = arith.cmpi ne, %parallel_loop3A_449, %parallel_loop3A_456 : i32
        %parallel_loop3A_458 = arith.remsi %parallel_loop3A_440, %parallel_loop3A_441 : i32
        %parallel_loop3A_459 = arith.constant 0 : i32
        %parallel_loop3A_460 = arith.cmpi ne, %parallel_loop3A_458, %parallel_loop3A_459 : i32
        %parallel_loop3A_461 = arith.andi %parallel_loop3A_457, %parallel_loop3A_460 : i1
        %parallel_loop3A_462 = arith.constant 1 : i32
        %parallel_loop3A_463 = arith.subi %parallel_loop3A_442, %parallel_loop3A_462 : i32
        %parallel_loop3A_464 = arith.select %parallel_loop3A_461, %parallel_loop3A_463, %parallel_loop3A_442 : i32
        %parallel_loop3A_465 = arith.constant 8 : i32
        %parallel_loop3A_466 = arith.constant 0 : i32
        %parallel_loop3A_467 = arith.cmpi eq, %parallel_loop3A_465, %parallel_loop3A_466 : i32
        %parallel_loop3A_468 = arith.constant 1 : i32
        %parallel_loop3A_469 = arith.select %parallel_loop3A_467, %parallel_loop3A_468, %parallel_loop3A_465 : i32
        %parallel_loop3A_470 = arith.remsi %parallel_loop3A_440, %parallel_loop3A_469 : i32
        %parallel_loop3A_471 = arith.constant 0 : i32
        %parallel_loop3A_472 = arith.cmpi ne, %parallel_loop3A_470, %parallel_loop3A_471 : i32
        %parallel_loop3A_473 = arith.constant 0 : i32
        %parallel_loop3A_474 = arith.cmpi slt, %parallel_loop3A_470, %parallel_loop3A_473 : i32
        %parallel_loop3A_475 = arith.constant 0 : i32
        %parallel_loop3A_476 = arith.cmpi slt, %parallel_loop3A_469, %parallel_loop3A_475 : i32
        %parallel_loop3A_477 = arith.xori %parallel_loop3A_474, %parallel_loop3A_476 : i1
        %parallel_loop3A_478 = arith.andi %parallel_loop3A_477, %parallel_loop3A_472 : i1
        %parallel_loop3A_479 = arith.addi %parallel_loop3A_470, %parallel_loop3A_469 : i32
        %parallel_loop3A_480 = arith.select %parallel_loop3A_478, %parallel_loop3A_479, %parallel_loop3A_470 : i32
        %parallel_loop3A_481 = arith.constant 96 : i32
        %parallel_loop3A_482 = arith.muli %parallel_loop3A_480, %parallel_loop3A_481 : i32
        %parallel_loop3A_483 = arith.constant 0 : i32
        %parallel_loop3A_484 = arith.addi %parallel_loop3A_482, %parallel_loop3A_483 : i32
        %parallel_loop3A_485 = arith.index_cast %parallel_loop3A_464 : i32 to index
        %parallel_loop3A_486 = arith.index_cast %parallel_loop3A_484 : i32 to index
        %parallel_loop3A_487 = tpu.vector_load %arg6[%parallel_loop3A_485, %parallel_loop3A_486] {strides = array<i32>} : memref<16x768xf32, #tpu.memory_space<vmem>>, vector<1x16xf32>,
        %parallel_loop3A_488 = vector.shape_cast %parallel_loop3A_487 : vector<1x16xf32> to vector<16xf32>
        %parallel_loop3A_489 = arith.index_cast %parallel_loop3A_464 : i32 to index
        %parallel_loop3A_490 = arith.index_cast %parallel_loop3A_484 : i32 to index
        %parallel_loop3A_491 = tpu.vector_load %arg12[%parallel_loop3A_489, %parallel_loop3A_490] {strides = array<i32>} : memref<16x768xf32, #tpu.memory_space<vmem>>, vector<1x16xf32>,
        %parallel_loop3A_492 = vector.shape_cast %parallel_loop3A_491 : vector<1x16xf32> to vector<16xf32>
        %parallel_loop3A_493 = vector.shape_cast %parallel_loop3A_488 : vector<16xf32> to vector<1x16xf32>
        tpu.vector_store %arg12[%parallel_loop3A_489, %parallel_loop3A_490], %parallel_loop3A_493 {add = true, strides = array<i32>} : memref<16x768xf32, #tpu.memory_space<vmem>>, vector<1x16xf32>,
        %parallel_loop3A_494 = arith.constant 16 : i32
        %parallel_loop3A_495 = arith.addi %parallel_loop3A_482, %parallel_loop3A_494 : i32
        %parallel_loop3A_496 = arith.index_cast %parallel_loop3A_464 : i32 to index
        %parallel_loop3A_497 = arith.index_cast %parallel_loop3A_495 : i32 to index
        %parallel_loop3A_498 = tpu.vector_load %arg6[%parallel_loop3A_496, %parallel_loop3A_497] {strides = array<i32>} : memref<16x768xf32, #tpu.memory_space<vmem>>, vector<1x16xf32>,
        %parallel_loop3A_499 = vector.shape_cast %parallel_loop3A_498 : vector<1x16xf32> to vector<16xf32>
        %parallel_loop3A_500 = arith.index_cast %parallel_loop3A_464 : i32 to index
        %parallel_loop3A_501 = arith.index_cast %parallel_loop3A_495 : i32 to index
        %parallel_loop3A_502 = tpu.vector_load %arg12[%parallel_loop3A_500, %parallel_loop3A_501] {strides = array<i32>} : memref<16x768xf32, #tpu.memory_space<vmem>>, vector<1x16xf32>,
        %parallel_loop3A_503 = vector.shape_cast %parallel_loop3A_502 : vector<1x16xf32> to vector<16xf32>
        %parallel_loop3A_504 = vector.shape_cast %parallel_loop3A_499 : vector<16xf32> to vector<1x16xf32>
        tpu.vector_store %arg12[%parallel_loop3A_500, %parallel_loop3A_501], %parallel_loop3A_504 {add = true, strides = array<i32>} : memref<16x768xf32, #tpu.memory_space<vmem>>, vector<1x16xf32>,
        %parallel_loop3A_505 = arith.constant 32 : i32
        %parallel_loop3A_506 = arith.addi %parallel_loop3A_482, %parallel_loop3A_505 : i32
        %parallel_loop3A_507 = arith.index_cast %parallel_loop3A_464 : i32 to index
        %parallel_loop3A_508 = arith.index_cast %parallel_loop3A_506 : i32 to index
        %parallel_loop3A_509 = tpu.vector_load %arg6[%parallel_loop3A_507, %parallel_loop3A_508] {strides = array<i32>} : memref<16x768xf32, #tpu.memory_space<vmem>>, vector<1x16xf32>,
        %parallel_loop3A_510 = vector.shape_cast %parallel_loop3A_509 : vector<1x16xf32> to vector<16xf32>
        %parallel_loop3A_511 = arith.index_cast %parallel_loop3A_464 : i32 to index
        %parallel_loop3A_512 = arith.index_cast %parallel_loop3A_506 : i32 to index
        %parallel_loop3A_513 = tpu.vector_load %arg12[%parallel_loop3A_511, %parallel_loop3A_512] {strides = array<i32>} : memref<16x768xf32, #tpu.memory_space<vmem>>, vector<1x16xf32>,
        %parallel_loop3A_514 = vector.shape_cast %parallel_loop3A_513 : vector<1x16xf32> to vector<16xf32>
        %parallel_loop3A_515 = vector.shape_cast %parallel_loop3A_510 : vector<16xf32> to vector<1x16xf32>
        tpu.vector_store %arg12[%parallel_loop3A_511, %parallel_loop3A_512], %parallel_loop3A_515 {add = true, strides = array<i32>} : memref<16x768xf32, #tpu.memory_space<vmem>>, vector<1x16xf32>,
        %parallel_loop3A_516 = arith.constant 48 : i32
        %parallel_loop3A_517 = arith.addi %parallel_loop3A_482, %parallel_loop3A_516 : i32
        %parallel_loop3A_518 = arith.index_cast %parallel_loop3A_464 : i32 to index
        %parallel_loop3A_519 = arith.index_cast %parallel_loop3A_517 : i32 to index
        %parallel_loop3A_520 = tpu.vector_load %arg6[%parallel_loop3A_518, %parallel_loop3A_519] {strides = array<i32>} : memref<16x768xf32, #tpu.memory_space<vmem>>, vector<1x16xf32>,
        %parallel_loop3A_521 = vector.shape_cast %parallel_loop3A_520 : vector<1x16xf32> to vector<16xf32>
        %parallel_loop3A_522 = arith.index_cast %parallel_loop3A_464 : i32 to index
        %parallel_loop3A_523 = arith.index_cast %parallel_loop3A_517 : i32 to index
        %parallel_loop3A_524 = tpu.vector_load %arg12[%parallel_loop3A_522, %parallel_loop3A_523] {strides = array<i32>} : memref<16x768xf32, #tpu.memory_space<vmem>>, vector<1x16xf32>,
        %parallel_loop3A_525 = vector.shape_cast %parallel_loop3A_524 : vector<1x16xf32> to vector<16xf32>
        %parallel_loop3A_526 = vector.shape_cast %parallel_loop3A_521 : vector<16xf32> to vector<1x16xf32>
        tpu.vector_store %arg12[%parallel_loop3A_522, %parallel_loop3A_523], %parallel_loop3A_526 {add = true, strides = array<i32>} : memref<16x768xf32, #tpu.memory_space<vmem>>, vector<1x16xf32>,
        %parallel_loop3A_527 = arith.constant 64 : i32
        %parallel_loop3A_528 = arith.addi %parallel_loop3A_482, %parallel_loop3A_527 : i32
        %parallel_loop3A_529 = arith.index_cast %parallel_loop3A_464 : i32 to index
        %parallel_loop3A_530 = arith.index_cast %parallel_loop3A_528 : i32 to index
        %parallel_loop3A_531 = tpu.vector_load %arg6[%parallel_loop3A_529, %parallel_loop3A_530] {strides = array<i32>} : memref<16x768xf32, #tpu.memory_space<vmem>>, vector<1x16xf32>,
        %parallel_loop3A_532 = vector.shape_cast %parallel_loop3A_531 : vector<1x16xf32> to vector<16xf32>
        %parallel_loop3A_533 = arith.index_cast %parallel_loop3A_464 : i32 to index
        %parallel_loop3A_534 = arith.index_cast %parallel_loop3A_528 : i32 to index
        %parallel_loop3A_535 = tpu.vector_load %arg12[%parallel_loop3A_533, %parallel_loop3A_534] {strides = array<i32>} : memref<16x768xf32, #tpu.memory_space<vmem>>, vector<1x16xf32>,
        %parallel_loop3A_536 = vector.shape_cast %parallel_loop3A_535 : vector<1x16xf32> to vector<16xf32>
        %parallel_loop3A_537 = vector.shape_cast %parallel_loop3A_532 : vector<16xf32> to vector<1x16xf32>
        tpu.vector_store %arg12[%parallel_loop3A_533, %parallel_loop3A_534], %parallel_loop3A_537 {add = true, strides = array<i32>} : memref<16x768xf32, #tpu.memory_space<vmem>>, vector<1x16xf32>,
        %parallel_loop3A_538 = arith.constant 80 : i32
        %parallel_loop3A_539 = arith.addi %parallel_loop3A_482, %parallel_loop3A_538 : i32
        %parallel_loop3A_540 = arith.index_cast %parallel_loop3A_464 : i32 to index
        %parallel_loop3A_541 = arith.index_cast %parallel_loop3A_539 : i32 to index
        %parallel_loop3A_542 = tpu.vector_load %arg6[%parallel_loop3A_540, %parallel_loop3A_541] {strides = array<i32>} : memref<16x768xf32, #tpu.memory_space<vmem>>, vector<1x16xf32>,
        %parallel_loop3A_543 = vector.shape_cast %parallel_loop3A_542 : vector<1x16xf32> to vector<16xf32>
        %parallel_loop3A_544 = arith.index_cast %parallel_loop3A_464 : i32 to index
        %parallel_loop3A_545 = arith.index_cast %parallel_loop3A_539 : i32 to index
        %parallel_loop3A_546 = tpu.vector_load %arg12[%parallel_loop3A_544, %parallel_loop3A_545] {strides = array<i32>} : memref<16x768xf32, #tpu.memory_space<vmem>>, vector<1x16xf32>,
        %parallel_loop3A_547 = vector.shape_cast %parallel_loop3A_546 : vector<1x16xf32> to vector<16xf32>
        %parallel_loop3A_548 = vector.shape_cast %parallel_loop3A_543 : vector<16xf32> to vector<1x16xf32>
        tpu.vector_store %arg12[%parallel_loop3A_544, %parallel_loop3A_545], %parallel_loop3A_548 {add = true, strides = array<i32>} : memref<16x768xf32, #tpu.memory_space<vmem>>, vector<1x16xf32>,
      } {sc.loop_unroll_factor = 1 : i64, sc.parallel_access}
      %dma_start3A_414 = arith.constant 2 : i32
      %dma_start3A_415 = arith.constant 0 : i32
      %dma_start3A_416 = tpu.memref_slice %arg4[%dma_start3A_414, %add3A_286, %dma_start3A_415] : memref<4x8192x768xf32, #tpu.memory_space<hbm>> -> memref<1x16x768xf32, #tpu.memory_space<hbm>>
      %dma_start3A_417 = tpu.memref_squeeze %dma_start3A_416 : memref<1x16x768xf32, #tpu.memory_space<hbm>> -> memref<16x768xf32, #tpu.memory_space<hbm>>
      %dma_start3A_418 = arith.constant 0 : i32
      %dma_start3A_419 = tpu.memref_slice %arg4[%dma_start3A_414, %add3A_286, %dma_start3A_418] : memref<4x8192x768xf32, #tpu.memory_space<hbm>> -> memref<1x16x768xf32, #tpu.memory_space<hbm>>
      %dma_start3A_420 = tpu.memref_squeeze %dma_start3A_419 : memref<1x16x768xf32, #tpu.memory_space<hbm>> -> memref<16x768xf32, #tpu.memory_space<hbm>>
      tpu.enqueue_dma source(%arg12 : memref<16x768xf32, #tpu.memory_space<vmem>>) target(%dma_start3A_420 : memref<16x768xf32, #tpu.memory_space<hbm>>) target_semaphore(%arg30 : memref<!tpu.dma_semaphore, #tpu.memory_space<semaphore_mem>>)
      %dma_wait3A_421 = arith.constant 3 : i32
      %dma_wait3A_422 = arith.constant 0 : i32
      %dma_wait3A_423 = arith.constant 0 : i32
      %dma_wait3A_424 = tpu.memref_slice %arg2[%dma_wait3A_421, %dma_wait3A_422, %dma_wait3A_423] : memref<4x8192x768xf32, #tpu.memory_space<hbm>> -> memref<1x16x768xf32, #tpu.memory_space<hbm>>
      %dma_wait3A_425 = tpu.memref_squeeze %dma_wait3A_424 : memref<1x16x768xf32, #tpu.memory_space<hbm>> -> memref<16x768xf32, #tpu.memory_space<hbm>>
      %dma_wait3A_426 = arith.constant 0 : i32
      %dma_wait3A_427 = arith.constant 0 : i32
      %dma_wait3A_428 = tpu.memref_slice %arg2[%dma_wait3A_421, %dma_wait3A_426, %dma_wait3A_427] : memref<4x8192x768xf32, #tpu.memory_space<hbm>> -> memref<1x16x768xf32, #tpu.memory_space<hbm>>
      %dma_wait3A_429 = tpu.memref_squeeze %dma_wait3A_428 : memref<1x16x768xf32, #tpu.memory_space<hbm>> -> memref<16x768xf32, #tpu.memory_space<hbm>>
      tpu.wait_dma2 semaphore(%arg24 : memref<!tpu.dma_semaphore, #tpu.memory_space<semaphore_mem>>) src(%dma_wait3A_429 : memref<16x768xf32, #tpu.memory_space<hbm>>) dst(%arg14 : memref<16x768xf32, #tpu.memory_space<vmem>>)
      %parallel_loop3A_430 = arith.constant 0 : i32
      %parallel_loop3A_431 = arith.constant 128 : i32
      %parallel_loop3A_432 = arith.constant 1 : i32
      scf.for %parallel_loop3A_440 = %parallel_loop3A_430 to %parallel_loop3A_431 step %parallel_loop3A_432  : i32 {
        %parallel_loop3A_441 = arith.constant 8 : i32
        %parallel_loop3A_442 = arith.divsi %parallel_loop3A_440, %parallel_loop3A_441 : i32
        %parallel_loop3A_443 = arith.constant 0 : i32
        %parallel_loop3A_444 = arith.cmpi sgt, %parallel_loop3A_440, %parallel_loop3A_443 : i32
        %parallel_loop3A_445 = arith.extui %parallel_loop3A_444 : i1 to i32
        %parallel_loop3A_446 = arith.constant 0 : i32
        %parallel_loop3A_447 = arith.cmpi slt, %parallel_loop3A_440, %parallel_loop3A_446 : i32
        %parallel_loop3A_448 = arith.extui %parallel_loop3A_447 : i1 to i32
        %parallel_loop3A_449 = arith.subi %parallel_loop3A_445, %parallel_loop3A_448 : i32
        %parallel_loop3A_450 = arith.constant 0 : i32
        %parallel_loop3A_451 = arith.cmpi sgt, %parallel_loop3A_441, %parallel_loop3A_450 : i32
        %parallel_loop3A_452 = arith.extui %parallel_loop3A_451 : i1 to i32
        %parallel_loop3A_453 = arith.constant 0 : i32
        %parallel_loop3A_454 = arith.cmpi slt, %parallel_loop3A_441, %parallel_loop3A_453 : i32
        %parallel_loop3A_455 = arith.extui %parallel_loop3A_454 : i1 to i32
        %parallel_loop3A_456 = arith.subi %parallel_loop3A_452, %parallel_loop3A_455 : i32
        %parallel_loop3A_457 = arith.cmpi ne, %parallel_loop3A_449, %parallel_loop3A_456 : i32
        %parallel_loop3A_458 = arith.remsi %parallel_loop3A_440, %parallel_loop3A_441 : i32
        %parallel_loop3A_459 = arith.constant 0 : i32
        %parallel_loop3A_460 = arith.cmpi ne, %parallel_loop3A_458, %parallel_loop3A_459 : i32
        %parallel_loop3A_461 = arith.andi %parallel_loop3A_457, %parallel_loop3A_460 : i1
        %parallel_loop3A_462 = arith.constant 1 : i32
        %parallel_loop3A_463 = arith.subi %parallel_loop3A_442, %parallel_loop3A_462 : i32
        %parallel_loop3A_464 = arith.select %parallel_loop3A_461, %parallel_loop3A_463, %parallel_loop3A_442 : i32
        %parallel_loop3A_465 = arith.constant 8 : i32
        %parallel_loop3A_466 = arith.constant 0 : i32
        %parallel_loop3A_467 = arith.cmpi eq, %parallel_loop3A_465, %parallel_loop3A_466 : i32
        %parallel_loop3A_468 = arith.constant 1 : i32
        %parallel_loop3A_469 = arith.select %parallel_loop3A_467, %parallel_loop3A_468, %parallel_loop3A_465 : i32
        %parallel_loop3A_470 = arith.remsi %parallel_loop3A_440, %parallel_loop3A_469 : i32
        %parallel_loop3A_471 = arith.constant 0 : i32
        %parallel_loop3A_472 = arith.cmpi ne, %parallel_loop3A_470, %parallel_loop3A_471 : i32
        %parallel_loop3A_473 = arith.constant 0 : i32
        %parallel_loop3A_474 = arith.cmpi slt, %parallel_loop3A_470, %parallel_loop3A_473 : i32
        %parallel_loop3A_475 = arith.constant 0 : i32
        %parallel_loop3A_476 = arith.cmpi slt, %parallel_loop3A_469, %parallel_loop3A_475 : i32
        %parallel_loop3A_477 = arith.xori %parallel_loop3A_474, %parallel_loop3A_476 : i1
        %parallel_loop3A_478 = arith.andi %parallel_loop3A_477, %parallel_loop3A_472 : i1
        %parallel_loop3A_479 = arith.addi %parallel_loop3A_470, %parallel_loop3A_469 : i32
        %parallel_loop3A_480 = arith.select %parallel_loop3A_478, %parallel_loop3A_479, %parallel_loop3A_470 : i32
        %parallel_loop3A_481 = arith.constant 96 : i32
        %parallel_loop3A_482 = arith.muli %parallel_loop3A_480, %parallel_loop3A_481 : i32
        %parallel_loop3A_483 = arith.constant 0 : i32
        %parallel_loop3A_484 = arith.addi %parallel_loop3A_482, %parallel_loop3A_483 : i32
        %parallel_loop3A_485 = arith.index_cast %parallel_loop3A_464 : i32 to index
        %parallel_loop3A_486 = arith.index_cast %parallel_loop3A_484 : i32 to index
        %parallel_loop3A_487 = tpu.vector_load %arg6[%parallel_loop3A_485, %parallel_loop3A_486] {strides = array<i32>} : memref<16x768xf32, #tpu.memory_space<vmem>>, vector<1x16xf32>,
        %parallel_loop3A_488 = vector.shape_cast %parallel_loop3A_487 : vector<1x16xf32> to vector<16xf32>
        %parallel_loop3A_489 = arith.index_cast %parallel_loop3A_464 : i32 to index
        %parallel_loop3A_490 = arith.index_cast %parallel_loop3A_484 : i32 to index
        %parallel_loop3A_491 = tpu.vector_load %arg14[%parallel_loop3A_489, %parallel_loop3A_490] {strides = array<i32>} : memref<16x768xf32, #tpu.memory_space<vmem>>, vector<1x16xf32>,
        %parallel_loop3A_492 = vector.shape_cast %parallel_loop3A_491 : vector<1x16xf32> to vector<16xf32>
        %parallel_loop3A_493 = vector.shape_cast %parallel_loop3A_488 : vector<16xf32> to vector<1x16xf32>
        tpu.vector_store %arg14[%parallel_loop3A_489, %parallel_loop3A_490], %parallel_loop3A_493 {add = true, strides = array<i32>} : memref<16x768xf32, #tpu.memory_space<vmem>>, vector<1x16xf32>,
        %parallel_loop3A_494 = arith.constant 16 : i32
        %parallel_loop3A_495 = arith.addi %parallel_loop3A_482, %parallel_loop3A_494 : i32
        %parallel_loop3A_496 = arith.index_cast %parallel_loop3A_464 : i32 to index
        %parallel_loop3A_497 = arith.index_cast %parallel_loop3A_495 : i32 to index
        %parallel_loop3A_498 = tpu.vector_load %arg6[%parallel_loop3A_496, %parallel_loop3A_497] {strides = array<i32>} : memref<16x768xf32, #tpu.memory_space<vmem>>, vector<1x16xf32>,
        %parallel_loop3A_499 = vector.shape_cast %parallel_loop3A_498 : vector<1x16xf32> to vector<16xf32>
        %parallel_loop3A_500 = arith.index_cast %parallel_loop3A_464 : i32 to index
        %parallel_loop3A_501 = arith.index_cast %parallel_loop3A_495 : i32 to index
        %parallel_loop3A_502 = tpu.vector_load %arg14[%parallel_loop3A_500, %parallel_loop3A_501] {strides = array<i32>} : memref<16x768xf32, #tpu.memory_space<vmem>>, vector<1x16xf32>,
        %parallel_loop3A_503 = vector.shape_cast %parallel_loop3A_502 : vector<1x16xf32> to vector<16xf32>
        %parallel_loop3A_504 = vector.shape_cast %parallel_loop3A_499 : vector<16xf32> to vector<1x16xf32>
        tpu.vector_store %arg14[%parallel_loop3A_500, %parallel_loop3A_501], %parallel_loop3A_504 {add = true, strides = array<i32>} : memref<16x768xf32, #tpu.memory_space<vmem>>, vector<1x16xf32>,
        %parallel_loop3A_505 = arith.constant 32 : i32
        %parallel_loop3A_506 = arith.addi %parallel_loop3A_482, %parallel_loop3A_505 : i32
        %parallel_loop3A_507 = arith.index_cast %parallel_loop3A_464 : i32 to index
        %parallel_loop3A_508 = arith.index_cast %parallel_loop3A_506 : i32 to index
        %parallel_loop3A_509 = tpu.vector_load %arg6[%parallel_loop3A_507, %parallel_loop3A_508] {strides = array<i32>} : memref<16x768xf32, #tpu.memory_space<vmem>>, vector<1x16xf32>,
        %parallel_loop3A_510 = vector.shape_cast %parallel_loop3A_509 : vector<1x16xf32> to vector<16xf32>
        %parallel_loop3A_511 = arith.index_cast %parallel_loop3A_464 : i32 to index
        %parallel_loop3A_512 = arith.index_cast %parallel_loop3A_506 : i32 to index
        %parallel_loop3A_513 = tpu.vector_load %arg14[%parallel_loop3A_511, %parallel_loop3A_512] {strides = array<i32>} : memref<16x768xf32, #tpu.memory_space<vmem>>, vector<1x16xf32>,
        %parallel_loop3A_514 = vector.shape_cast %parallel_loop3A_513 : vector<1x16xf32> to vector<16xf32>
        %parallel_loop3A_515 = vector.shape_cast %parallel_loop3A_510 : vector<16xf32> to vector<1x16xf32>
        tpu.vector_store %arg14[%parallel_loop3A_511, %parallel_loop3A_512], %parallel_loop3A_515 {add = true, strides = array<i32>} : memref<16x768xf32, #tpu.memory_space<vmem>>, vector<1x16xf32>,
        %parallel_loop3A_516 = arith.constant 48 : i32
        %parallel_loop3A_517 = arith.addi %parallel_loop3A_482, %parallel_loop3A_516 : i32
        %parallel_loop3A_518 = arith.index_cast %parallel_loop3A_464 : i32 to index
        %parallel_loop3A_519 = arith.index_cast %parallel_loop3A_517 : i32 to index
        %parallel_loop3A_520 = tpu.vector_load %arg6[%parallel_loop3A_518, %parallel_loop3A_519] {strides = array<i32>} : memref<16x768xf32, #tpu.memory_space<vmem>>, vector<1x16xf32>,
        %parallel_loop3A_521 = vector.shape_cast %parallel_loop3A_520 : vector<1x16xf32> to vector<16xf32>
        %parallel_loop3A_522 = arith.index_cast %parallel_loop3A_464 : i32 to index
        %parallel_loop3A_523 = arith.index_cast %parallel_loop3A_517 : i32 to index
        %parallel_loop3A_524 = tpu.vector_load %arg14[%parallel_loop3A_522, %parallel_loop3A_523] {strides = array<i32>} : memref<16x768xf32, #tpu.memory_space<vmem>>, vector<1x16xf32>,
        %parallel_loop3A_525 = vector.shape_cast %parallel_loop3A_524 : vector<1x16xf32> to vector<16xf32>
        %parallel_loop3A_526 = vector.shape_cast %parallel_loop3A_521 : vector<16xf32> to vector<1x16xf32>
        tpu.vector_store %arg14[%parallel_loop3A_522, %parallel_loop3A_523], %parallel_loop3A_526 {add = true, strides = array<i32>} : memref<16x768xf32, #tpu.memory_space<vmem>>, vector<1x16xf32>,
        %parallel_loop3A_527 = arith.constant 64 : i32
        %parallel_loop3A_528 = arith.addi %parallel_loop3A_482, %parallel_loop3A_527 : i32
        %parallel_loop3A_529 = arith.index_cast %parallel_loop3A_464 : i32 to index
        %parallel_loop3A_530 = arith.index_cast %parallel_loop3A_528 : i32 to index
        %parallel_loop3A_531 = tpu.vector_load %arg6[%parallel_loop3A_529, %parallel_loop3A_530] {strides = array<i32>} : memref<16x768xf32, #tpu.memory_space<vmem>>, vector<1x16xf32>,
        %parallel_loop3A_532 = vector.shape_cast %parallel_loop3A_531 : vector<1x16xf32> to vector<16xf32>
        %parallel_loop3A_533 = arith.index_cast %parallel_loop3A_464 : i32 to index
        %parallel_loop3A_534 = arith.index_cast %parallel_loop3A_528 : i32 to index
        %parallel_loop3A_535 = tpu.vector_load %arg14[%parallel_loop3A_533, %parallel_loop3A_534] {strides = array<i32>} : memref<16x768xf32, #tpu.memory_space<vmem>>, vector<1x16xf32>,
        %parallel_loop3A_536 = vector.shape_cast %parallel_loop3A_535 : vector<1x16xf32> to vector<16xf32>
        %parallel_loop3A_537 = vector.shape_cast %parallel_loop3A_532 : vector<16xf32> to vector<1x16xf32>
        tpu.vector_store %arg14[%parallel_loop3A_533, %parallel_loop3A_534], %parallel_loop3A_537 {add = true, strides = array<i32>} : memref<16x768xf32, #tpu.memory_space<vmem>>, vector<1x16xf32>,
        %parallel_loop3A_538 = arith.constant 80 : i32
        %parallel_loop3A_539 = arith.addi %parallel_loop3A_482, %parallel_loop3A_538 : i32
        %parallel_loop3A_540 = arith.index_cast %parallel_loop3A_464 : i32 to index
        %parallel_loop3A_541 = arith.index_cast %parallel_loop3A_539 : i32 to index
        %parallel_loop3A_542 = tpu.vector_load %arg6[%parallel_loop3A_540, %parallel_loop3A_541] {strides = array<i32>} : memref<16x768xf32, #tpu.memory_space<vmem>>, vector<1x16xf32>,
        %parallel_loop3A_543 = vector.shape_cast %parallel_loop3A_542 : vector<1x16xf32> to vector<16xf32>
        %parallel_loop3A_544 = arith.index_cast %parallel_loop3A_464 : i32 to index
        %parallel_loop3A_545 = arith.index_cast %parallel_loop3A_539 : i32 to index
        %parallel_loop3A_546 = tpu.vector_load %arg14[%parallel_loop3A_544, %parallel_loop3A_545] {strides = array<i32>} : memref<16x768xf32, #tpu.memory_space<vmem>>, vector<1x16xf32>,
        %parallel_loop3A_547 = vector.shape_cast %parallel_loop3A_546 : vector<1x16xf32> to vector<16xf32>
        %parallel_loop3A_548 = vector.shape_cast %parallel_loop3A_543 : vector<16xf32> to vector<1x16xf32>
        tpu.vector_store %arg14[%parallel_loop3A_544, %parallel_loop3A_545], %parallel_loop3A_548 {add = true, strides = array<i32>} : memref<16x768xf32, #tpu.memory_space<vmem>>, vector<1x16xf32>,
      } {sc.loop_unroll_factor = 1 : i64, sc.parallel_access}
      %dma_start3A_433 = arith.constant 3 : i32
      %dma_start3A_434 = arith.constant 0 : i32
      %dma_start3A_435 = tpu.memref_slice %arg4[%dma_start3A_433, %add3A_286, %dma_start3A_434] : memref<4x8192x768xf32, #tpu.memory_space<hbm>> -> memref<1x16x768xf32, #tpu.memory_space<hbm>>
      %dma_start3A_436 = tpu.memref_squeeze %dma_start3A_435 : memref<1x16x768xf32, #tpu.memory_space<hbm>> -> memref<16x768xf32, #tpu.memory_space<hbm>>
      %dma_start3A_437 = arith.constant 0 : i32
      %dma_start3A_438 = tpu.memref_slice %arg4[%dma_start3A_433, %add3A_286, %dma_start3A_437] : memref<4x8192x768xf32, #tpu.memory_space<hbm>> -> memref<1x16x768xf32, #tpu.memory_space<hbm>>
      %dma_start3A_439 = tpu.memref_squeeze %dma_start3A_438 : memref<1x16x768xf32, #tpu.memory_space<hbm>> -> memref<16x768xf32, #tpu.memory_space<hbm>>
      tpu.enqueue_dma source(%arg14 : memref<16x768xf32, #tpu.memory_space<vmem>>) target(%dma_start3A_439 : memref<16x768xf32, #tpu.memory_space<hbm>>) target_semaphore(%arg32 : memref<!tpu.dma_semaphore, #tpu.memory_space<semaphore_mem>>)
    }
    %scan3A_48 = arith.constant 8 : i32
    %dma_wait3A = arith.constant 0 : i32
    %dma_wait3A_49 = arith.constant 0 : i32
    %dma_wait3A_50 = tpu.memref_slice %arg3[%dma_wait3A, %dma_wait3A_49] : memref<8192x768xf32, #tpu.memory_space<hbm>> -> memref<16x768xf32, #tpu.memory_space<hbm>>
    %dma_wait3A_51 = arith.constant 0 : i32
    %dma_wait3A_52 = arith.constant 0 : i32
    %dma_wait3A_53 = tpu.memref_slice %arg3[%dma_wait3A_51, %dma_wait3A_52] : memref<8192x768xf32, #tpu.memory_space<hbm>> -> memref<16x768xf32, #tpu.memory_space<hbm>>
    tpu.wait_dma2 semaphore(%arg15 : memref<!tpu.dma_semaphore, #tpu.memory_space<semaphore_mem>>) src(%dma_wait3A_53 : memref<16x768xf32, #tpu.memory_space<hbm>>) dst(%arg5 : memref<16x768xf32, #tpu.memory_space<vmem>>)
    %dma_wait3A_54 = arith.constant 0 : i32
    %dma_wait3A_55 = arith.constant 0 : i32
    %dma_wait3A_56 = arith.constant 0 : i32
    %dma_wait3A_57 = tpu.memref_slice %arg4[%dma_wait3A_54, %dma_wait3A_55, %dma_wait3A_56] : memref<4x8192x768xf32, #tpu.memory_space<hbm>> -> memref<1x16x768xf32, #tpu.memory_space<hbm>>
    %dma_wait3A_58 = tpu.memref_squeeze %dma_wait3A_57 : memref<1x16x768xf32, #tpu.memory_space<hbm>> -> memref<16x768xf32, #tpu.memory_space<hbm>>
    %dma_wait3A_59 = arith.constant 0 : i32
    %dma_wait3A_60 = arith.constant 0 : i32
    %dma_wait3A_61 = tpu.memref_slice %arg4[%dma_wait3A_54, %dma_wait3A_59, %dma_wait3A_60] : memref<4x8192x768xf32, #tpu.memory_space<hbm>> -> memref<1x16x768xf32, #tpu.memory_space<hbm>>
    %dma_wait3A_62 = tpu.memref_squeeze %dma_wait3A_61 : memref<1x16x768xf32, #tpu.memory_space<hbm>> -> memref<16x768xf32, #tpu.memory_space<hbm>>
    tpu.wait_dma2 semaphore(%arg26 : memref<!tpu.dma_semaphore, #tpu.memory_space<semaphore_mem>>) src(%arg8 : memref<16x768xf32, #tpu.memory_space<vmem>>) dst(%dma_wait3A_62 : memref<16x768xf32, #tpu.memory_space<hbm>>)
    %dma_wait3A_63 = arith.constant 0 : i32
    %dma_wait3A_64 = arith.constant 0 : i32
    %dma_wait3A_65 = arith.constant 0 : i32
    %dma_wait3A_66 = tpu.memref_slice %arg2[%dma_wait3A_63, %dma_wait3A_64, %dma_wait3A_65] : memref<4x8192x768xf32, #tpu.memory_space<hbm>> -> memref<1x16x768xf32, #tpu.memory_space<hbm>>
    %dma_wait3A_67 = tpu.memref_squeeze %dma_wait3A_66 : memref<1x16x768xf32, #tpu.memory_space<hbm>> -> memref<16x768xf32, #tpu.memory_space<hbm>>
    %dma_wait3A_68 = arith.constant 0 : i32
    %dma_wait3A_69 = arith.constant 0 : i32
    %dma_wait3A_70 = tpu.memref_slice %arg2[%dma_wait3A_63, %dma_wait3A_68, %dma_wait3A_69] : memref<4x8192x768xf32, #tpu.memory_space<hbm>> -> memref<1x16x768xf32, #tpu.memory_space<hbm>>
    %dma_wait3A_71 = tpu.memref_squeeze %dma_wait3A_70 : memref<1x16x768xf32, #tpu.memory_space<hbm>> -> memref<16x768xf32, #tpu.memory_space<hbm>>
    tpu.wait_dma2 semaphore(%arg17 : memref<!tpu.dma_semaphore, #tpu.memory_space<semaphore_mem>>) src(%dma_wait3A_71 : memref<16x768xf32, #tpu.memory_space<hbm>>) dst(%arg7 : memref<16x768xf32, #tpu.memory_space<vmem>>)
    %dma_wait3A_72 = arith.constant 1 : i32
    %dma_wait3A_73 = arith.constant 0 : i32
    %dma_wait3A_74 = arith.constant 0 : i32
    %dma_wait3A_75 = tpu.memref_slice %arg4[%dma_wait3A_72, %dma_wait3A_73, %dma_wait3A_74] : memref<4x8192x768xf32, #tpu.memory_space<hbm>> -> memref<1x16x768xf32, #tpu.memory_space<hbm>>
    %dma_wait3A_76 = tpu.memref_squeeze %dma_wait3A_75 : memref<1x16x768xf32, #tpu.memory_space<hbm>> -> memref<16x768xf32, #tpu.memory_space<hbm>>
    %dma_wait3A_77 = arith.constant 0 : i32
    %dma_wait3A_78 = arith.constant 0 : i32
    %dma_wait3A_79 = tpu.memref_slice %arg4[%dma_wait3A_72, %dma_wait3A_77, %dma_wait3A_78] : memref<4x8192x768xf32, #tpu.memory_space<hbm>> -> memref<1x16x768xf32, #tpu.memory_space<hbm>>
    %dma_wait3A_80 = tpu.memref_squeeze %dma_wait3A_79 : memref<1x16x768xf32, #tpu.memory_space<hbm>> -> memref<16x768xf32, #tpu.memory_space<hbm>>
    tpu.wait_dma2 semaphore(%arg28 : memref<!tpu.dma_semaphore, #tpu.memory_space<semaphore_mem>>) src(%arg10 : memref<16x768xf32, #tpu.memory_space<vmem>>) dst(%dma_wait3A_80 : memref<16x768xf32, #tpu.memory_space<hbm>>)
    %dma_wait3A_81 = arith.constant 1 : i32
    %dma_wait3A_82 = arith.constant 0 : i32
    %dma_wait3A_83 = arith.constant 0 : i32
    %dma_wait3A_84 = tpu.memref_slice %arg2[%dma_wait3A_81, %dma_wait3A_82, %dma_wait3A_83] : memref<4x8192x768xf32, #tpu.memory_space<hbm>> -> memref<1x16x768xf32, #tpu.memory_space<hbm>>
    %dma_wait3A_85 = tpu.memref_squeeze %dma_wait3A_84 : memref<1x16x768xf32, #tpu.memory_space<hbm>> -> memref<16x768xf32, #tpu.memory_space<hbm>>
    %dma_wait3A_86 = arith.constant 0 : i32
    %dma_wait3A_87 = arith.constant 0 : i32
    %dma_wait3A_88 = tpu.memref_slice %arg2[%dma_wait3A_81, %dma_wait3A_86, %dma_wait3A_87] : memref<4x8192x768xf32, #tpu.memory_space<hbm>> -> memref<1x16x768xf32, #tpu.memory_space<hbm>>
    %dma_wait3A_89 = tpu.memref_squeeze %dma_wait3A_88 : memref<1x16x768xf32, #tpu.memory_space<hbm>> -> memref<16x768xf32, #tpu.memory_space<hbm>>
    tpu.wait_dma2 semaphore(%arg19 : memref<!tpu.dma_semaphore, #tpu.memory_space<semaphore_mem>>) src(%dma_wait3A_89 : memref<16x768xf32, #tpu.memory_space<hbm>>) dst(%arg9 : memref<16x768xf32, #tpu.memory_space<vmem>>)
    %dma_wait3A_90 = arith.constant 2 : i32
    %dma_wait3A_91 = arith.constant 0 : i32
    %dma_wait3A_92 = arith.constant 0 : i32
    %dma_wait3A_93 = tpu.memref_slice %arg4[%dma_wait3A_90, %dma_wait3A_91, %dma_wait3A_92] : memref<4x8192x768xf32, #tpu.memory_space<hbm>> -> memref<1x16x768xf32, #tpu.memory_space<hbm>>
    %dma_wait3A_94 = tpu.memref_squeeze %dma_wait3A_93 : memref<1x16x768xf32, #tpu.memory_space<hbm>> -> memref<16x768xf32, #tpu.memory_space<hbm>>
    %dma_wait3A_95 = arith.constant 0 : i32
    %dma_wait3A_96 = arith.constant 0 : i32
    %dma_wait3A_97 = tpu.memref_slice %arg4[%dma_wait3A_90, %dma_wait3A_95, %dma_wait3A_96] : memref<4x8192x768xf32, #tpu.memory_space<hbm>> -> memref<1x16x768xf32, #tpu.memory_space<hbm>>
    %dma_wait3A_98 = tpu.memref_squeeze %dma_wait3A_97 : memref<1x16x768xf32, #tpu.memory_space<hbm>> -> memref<16x768xf32, #tpu.memory_space<hbm>>
    tpu.wait_dma2 semaphore(%arg30 : memref<!tpu.dma_semaphore, #tpu.memory_space<semaphore_mem>>) src(%arg12 : memref<16x768xf32, #tpu.memory_space<vmem>>) dst(%dma_wait3A_98 : memref<16x768xf32, #tpu.memory_space<hbm>>)
    %dma_wait3A_99 = arith.constant 2 : i32
    %dma_wait3A_100 = arith.constant 0 : i32
    %dma_wait3A_101 = arith.constant 0 : i32
    %dma_wait3A_102 = tpu.memref_slice %arg2[%dma_wait3A_99, %dma_wait3A_100, %dma_wait3A_101] : memref<4x8192x768xf32, #tpu.memory_space<hbm>> -> memref<1x16x768xf32, #tpu.memory_space<hbm>>
    %dma_wait3A_103 = tpu.memref_squeeze %dma_wait3A_102 : memref<1x16x768xf32, #tpu.memory_space<hbm>> -> memref<16x768xf32, #tpu.memory_space<hbm>>
    %dma_wait3A_104 = arith.constant 0 : i32
    %dma_wait3A_105 = arith.constant 0 : i32
    %dma_wait3A_106 = tpu.memref_slice %arg2[%dma_wait3A_99, %dma_wait3A_104, %dma_wait3A_105] : memref<4x8192x768xf32, #tpu.memory_space<hbm>> -> memref<1x16x768xf32, #tpu.memory_space<hbm>>
    %dma_wait3A_107 = tpu.memref_squeeze %dma_wait3A_106 : memref<1x16x768xf32, #tpu.memory_space<hbm>> -> memref<16x768xf32, #tpu.memory_space<hbm>>
    tpu.wait_dma2 semaphore(%arg21 : memref<!tpu.dma_semaphore, #tpu.memory_space<semaphore_mem>>) src(%dma_wait3A_107 : memref<16x768xf32, #tpu.memory_space<hbm>>) dst(%arg11 : memref<16x768xf32, #tpu.memory_space<vmem>>)
    %dma_wait3A_108 = arith.constant 3 : i32
    %dma_wait3A_109 = arith.constant 0 : i32
    %dma_wait3A_110 = arith.constant 0 : i32
    %dma_wait3A_111 = tpu.memref_slice %arg4[%dma_wait3A_108, %dma_wait3A_109, %dma_wait3A_110] : memref<4x8192x768xf32, #tpu.memory_space<hbm>> -> memref<1x16x768xf32, #tpu.memory_space<hbm>>
    %dma_wait3A_112 = tpu.memref_squeeze %dma_wait3A_111 : memref<1x16x768xf32, #tpu.memory_space<hbm>> -> memref<16x768xf32, #tpu.memory_space<hbm>>
    %dma_wait3A_113 = arith.constant 0 : i32
    %dma_wait3A_114 = arith.constant 0 : i32
    %dma_wait3A_115 = tpu.memref_slice %arg4[%dma_wait3A_108, %dma_wait3A_113, %dma_wait3A_114] : memref<4x8192x768xf32, #tpu.memory_space<hbm>> -> memref<1x16x768xf32, #tpu.memory_space<hbm>>
    %dma_wait3A_116 = tpu.memref_squeeze %dma_wait3A_115 : memref<1x16x768xf32, #tpu.memory_space<hbm>> -> memref<16x768xf32, #tpu.memory_space<hbm>>
    tpu.wait_dma2 semaphore(%arg32 : memref<!tpu.dma_semaphore, #tpu.memory_space<semaphore_mem>>) src(%arg14 : memref<16x768xf32, #tpu.memory_space<vmem>>) dst(%dma_wait3A_116 : memref<16x768xf32, #tpu.memory_space<hbm>>)
    %dma_wait3A_117 = arith.constant 3 : i32
    %dma_wait3A_118 = arith.constant 0 : i32
    %dma_wait3A_119 = arith.constant 0 : i32
    %dma_wait3A_120 = tpu.memref_slice %arg2[%dma_wait3A_117, %dma_wait3A_118, %dma_wait3A_119] : memref<4x8192x768xf32, #tpu.memory_space<hbm>> -> memref<1x16x768xf32, #tpu.memory_space<hbm>>
    %dma_wait3A_121 = tpu.memref_squeeze %dma_wait3A_120 : memref<1x16x768xf32, #tpu.memory_space<hbm>> -> memref<16x768xf32, #tpu.memory_space<hbm>>
    %dma_wait3A_122 = arith.constant 0 : i32
    %dma_wait3A_123 = arith.constant 0 : i32
    %dma_wait3A_124 = tpu.memref_slice %arg2[%dma_wait3A_117, %dma_wait3A_122, %dma_wait3A_123] : memref<4x8192x768xf32, #tpu.memory_space<hbm>> -> memref<1x16x768xf32, #tpu.memory_space<hbm>>
    %dma_wait3A_125 = tpu.memref_squeeze %dma_wait3A_124 : memref<1x16x768xf32, #tpu.memory_space<hbm>> -> memref<16x768xf32, #tpu.memory_space<hbm>>
    tpu.wait_dma2 semaphore(%arg23 : memref<!tpu.dma_semaphore, #tpu.memory_space<semaphore_mem>>) src(%dma_wait3A_125 : memref<16x768xf32, #tpu.memory_space<hbm>>) dst(%arg13 : memref<16x768xf32, #tpu.memory_space<vmem>>)
    return
  }
}

</mosaic_0001>

<sc_bundles>
// kernel: kernel.3.cloned.1.call-start
scs
__scs_entry_jumppad:
0x0: {  	(pc) =	sbr.rel $0x88, $3  }
0x1: {  	(tag) =	ssettag $0x0;
	lr =	simm.s32 $0x1  }
0x2: {  	[smem:$0x3F9F] =	sst lr;
	_ =	strace $0xD0000000  }
0x3: {  	_ = 	snop  }
0x4: {  	_ = 	snop  }
0x5: {  	_ = 	snop  }
0x6: {  	_ = 	snop  }
0x7: {  	_ = 	snop  }
__scs_overlays_trampoline_lowered:
0x8: {  	[smem:$0x3FAE] =	sst s0  }
0x9: {  	[smem:$0x3FAF] =	sst s1  }
0xa: {  	[smem:$0x3FB0] =	sst s2  }
0xb: {  	[smem:$0x3FB1] =	sst s3  }
0xc: {  	[smem:$0x3FB2] =	sst s4  }
0xd: {  	[smem:$0x3FB3] =	sst s5  }
0xe: {  	[smem:$0x3FB4] =	sst s6  }
0xf: {  	[smem:$0x3FB5] =	sst s7  }
0x10: {  	[smem:$0x3FB6] =	sst s8  }
0x11: {  	[smem:$0x3FB7] =	sst s9;
	s0 =	simm.s32 @!p0 $0x0  }
0x12: {  	s1 =	sld [smem:$0x3F9D];
	s0 =	simm.s32 @p0 $0x1  }
0x13: {  	[smem:$0x3FB8] =	sst s0;
	s0 =	simm.s32 @!p1 $0x0  }
0x14: {  	s2 =	sld [smem:$0x3F9C];
	s0 =	simm.s32 @p1 $0x1  }
0x15: {  	[smem:$0x3FB9] =	sst s0;
	s0 =	simm.s32 @!p2 $0x0  }
0x16: {  	s3 =	sld [smem:$0x3FDB];
	s0 =	simm.s32 @p2 $0x1  }
0x17: {  	s4 =	simm.s32 $0x1BF5;
	[smem:$0x3FBB] =	sst s0  }
0x18: {  	s0 =	sld [smem:$0x3F9E];
	_ =	swait.ge [sflag:s4], $0x0  }
0x19: {  	s7 =	sld [smem:$0x3F9F]  }
0x1a: {  	s8 =	sadd.s32 $0xFFFFE003, lr  }
0x1b: {  	s9 =	sadd.s32 $0xFFFFFEF7, lr;
	s5 =	simm.s32 $0xFFFFFFFF;
	p2 =	slt.u32 s8, $0xFFFFF086  }
0x1c: {  	p1 =	slt.u32 s9, $0xF7A;
	s5 =	simm.s32 @!p2 $0x0  }
0x1d: {  	s5 =	simm.s32 @p1 $0x1;
	p0 =	seq.s32 s7, s2  }
0x1e: {  	s7 =	smul.u32 @!p0 $0xF7A, s2;
	p2 =	seq.s32 @!p0 s5, $0x0  }
0x1f: {  	s9 =	smul.u32 $0xF7A, s1;
	s8 =	simm.s32 @!p0 $0x1BF5;
	p2 =	por !p2, p0  }
0x20: {  	[sflag:s8] =	ssyncset.s32 @!p0 $0xFFFFF086;
	s6 =	sadd.s32 @!p0 s3, s7;
	s7 =	simm.s32 @!p0 $0x108  }
0x21: {  	s3 =	sadd.s32 s3, s9;
	s6 =	sadd.s32 @!p0 $0x88, s6;
	s7 =	simm.s32 @p2 $0x1082  }
0x22: {  	[simem:s7], [sflag:s8] =	dma.local @!p0 [hbm:s6], $0xF7A  }
0x23: {  	s9 =	sor.u32 $0xD0000000, s2;
	s6 =	simm.s32 $0x108;
	_ =	swait.ge @!p0 [sflag:s8], $0x0  }
0x24: {  	s3 =	sadd.s32 $0x88, s3;
	s6 =	simm.s32 @!p1 $0x1082;
	[sflag:s4] =	ssyncset.s32 $0xFFFFF086  }
0x25: {  	[simem:s6], [sflag:s4] =	dma.local [hbm:s3], $0xF7A  }
0x26: {  	[smem:$0x3F9F] =	sst s1;
	(tag) =	ssettag s2;
	_ =	strace s9  }
0x27: {  	s1 =	sld [smem:$0x3FAF]  }
0x28: {  	s2 =	sld [smem:$0x3FB0]  }
0x29: {  	s4 =	sld [smem:$0x3FB2]  }
0x2a: {  	p0 =	seq.s32 s5, $0x0;
	s5 =	sld [smem:$0x3FB3]  }
0x2b: {  	s6 =	sld [smem:$0x3FB4]  }
0x2c: {  	s7 =	sld [smem:$0x3FB5]  }
0x2d: {  	s3 =	simm.s32 $0x108;
	s8 =	sld [smem:$0x3FB6]  }
0x2e: {  	s3 =	simm.s32 @!p0 $0x1082;
	s9 =	sld [smem:$0x3FB7]  }
0x2f: {  	lr =	sadd.s32 s0, s3;
	s0 =	sld [smem:$0x3FAE]  }
0x30: {  	s3 =	sld [smem:$0x3FB1]  }
0x31: {  	[smem:$0x3FBA] =	sst s10  }
0x32: {  	s10 =	sld [smem:$0x3FB8];
	_ =	sdelay $0x3  }
0x33: {  	p0 =	seq.s32 s10, $0x1;
	s10 =	sld [smem:$0x3FBA];
	_ =	sdelay $0x3  }
0x34: {  	[smem:$0x3FBA] =	sst s10  }
0x35: {  	s10 =	sld [smem:$0x3FB9];
	_ =	sdelay $0x3  }
0x36: {  	p1 =	seq.s32 s10, $0x1;
	s10 =	sld [smem:$0x3FBA];
	_ =	sdelay $0x3  }
0x37: {  	[smem:$0x3FBA] =	sst s10  }
0x38: {  	s10 =	sld [smem:$0x3FBB]  }
0x39: {  	_ = 	snop;
	(pc) =	sbr.ind lr, $3  }
0x3a: {  	_ = 	snop  }
0x3b: {  	_ = 	snop  }
0x3c: {  	p2 =	seq.s32 s10, $0x1;
	s10 =	sld [smem:$0x3FBA]  }
0x3d: {  	_ =	shalt  }
0x3e: {  	_ =	shalt  }
0x3f: {  	_ =	shalt  }
0x40: {  	_ =	shalt  }
0x41: {  	_ =	shalt  }
0x42: {  	_ =	shalt  }
0x43: {  	_ =	shalt  }
0x44: {  	_ =	shalt  }
0x45: {  	_ =	shalt  }
0x46: {  	_ =	shalt  }
0x47: {  	_ =	shalt  }
0x48: {  	_ =	shalt  }
0x49: {  	_ =	shalt  }
0x4a: {  	_ =	shalt  }
0x4b: {  	_ =	shalt  }
0x4c: {  	_ =	shalt  }
0x4d: {  	_ =	shalt  }
0x4e: {  	_ =	shalt  }
0x4f: {  	_ =	shalt  }
0x50: {  	_ =	shalt  }
0x51: {  	_ =	shalt  }
0x52: {  	_ =	shalt  }
0x53: {  	_ =	shalt  }
0x54: {  	_ =	shalt  }
0x55: {  	_ =	shalt  }
0x56: {  	_ =	shalt  }
0x57: {  	_ =	shalt  }
0x58: {  	_ =	shalt  }
0x59: {  	_ =	shalt  }
0x5a: {  	_ =	shalt  }
0x5b: {  	_ =	shalt  }
0x5c: {  	_ =	shalt  }
0x5d: {  	_ =	shalt  }
0x5e: {  	_ =	shalt  }
0x5f: {  	_ =	shalt  }
0x60: {  	_ =	shalt  }
0x61: {  	_ =	shalt  }
0x62: {  	_ =	shalt  }
0x63: {  	_ =	shalt  }
0x64: {  	_ =	shalt  }
0x65: {  	_ =	shalt  }
0x66: {  	_ =	shalt  }
0x67: {  	_ =	shalt  }
0x68: {  	_ =	shalt  }
0x69: {  	_ =	shalt  }
0x6a: {  	_ =	shalt  }
0x6b: {  	_ =	shalt  }
0x6c: {  	_ =	shalt  }
0x6d: {  	_ =	shalt  }
0x6e: {  	_ =	shalt  }
0x6f: {  	_ =	shalt  }
0x70: {  	_ =	shalt  }
0x71: {  	_ =	shalt  }
0x72: {  	_ =	shalt  }
0x73: {  	_ =	shalt  }
0x74: {  	_ =	shalt  }
0x75: {  	_ =	shalt  }
0x76: {  	_ =	shalt  }
0x77: {  	_ =	shalt  }
0x78: {  	_ =	shalt  }
0x79: {  	_ =	shalt  }
0x7a: {  	_ =	shalt  }
0x7b: {  	_ =	shalt  }
0x7c: {  	_ =	shalt  }
0x7d: {  	_ =	shalt  }
0x7e: {  	_ =	shalt  }
0x7f: {  	_ =	shalt  }
0x80: {  	_ =	shalt  }
0x81: {  	_ =	shalt  }
0x82: {  	_ =	shalt  }
0x83: {  	_ =	shalt  }
0x84: {  	_ =	shalt  }
0x85: {  	_ =	shalt  }
0x86: {  	_ =	shalt  }
0x87: {  	_ =	shalt  }
.Lfunc_end0:
.L_simem_size_0:
called_computation_lowered:
.L_overlay_start_0:
0x88: {  	s2 =	sld [smem:$0x3FD9]  }
0x89: {  	s3 =	sld [smem:$0x3FFE];
	_ =	sdelay $0x1  }
0x8a: {  	s1 =	srdreg.scid  }
0x8b: {  	s0 =	sand.u32 $0x1, s1  }
0x8c: {  	s18 =	sshll.u32 s0, $0xA;
	s2 =	sadd.s32 s3, s2  }
0x8d: {  	s2 =	sadd.s32 s2, s18  }
0x8e: {  	[smem:$0x3FC6] =	sst s2  }
0x8f: {  	_ = 	snop  }
0x90: {  	s2 =	sld [smem:$0x3FC9]  }
0x91: {  	s19 =	sld [smem:$0x3FC8]  }
0x92: {  	s4 =	sld [smem:$0x3FD0];
	(tm) =	ssettm $0x1  }
0x93: {  	s5 =	sld [smem:$0x3FFB];
	_ =	sdelay $0x3  }
0x94: {  	_ =	strace s5  }
0x95: {  	s5 =	sld [smem:$0x3FFC];
	_ =	sdelay $0x3  }
0x96: {  	_ =	strace s5  }
0x97: {  	s5 =	sld [smem:$0x3FFD];
	_ =	sdelay $0x3  }
0x98: {  	_ =	strace s5  }
0x99: {  	_ =	strace $0x8FFFFFFF  }
0x9a: {  	s20 =	sld [smem:$0x3FDB];
	_ =	sdelay $0x1  }
0x9b: {  	s6 =	simm.s32 $_scs_section_size  }
0x9c: {  	s7 =	simm.s32 $_size__tile_overlayer_lowered;
	s8 =	simm.s32 $_tile_overlayer_lowered  }
0x9d: {  	s23 =	simm.s32 $0x1BFF;
	s22 =	sshll.u32 s8, $0x1;
	s5 =	sadd.s32 s6, s20  }
0x9e: {  	s9 =	simm.s32 $0x0;
	s21 =	sshll.u32 s7, $0x1;
	s7 =	sadd.s32 s22, s5  }
0x9f: {  	[timem:s9], [sflag:s23] =	dma.local [hbm:s7], s21  }
0xa0: {  	_ =	swait.ge [sflag:s23], s21  }
0xa1: {  	s6 =	ssub.s32 $0x0, s21;
	[sflag:s23] =	ssyncset.done $0x0  }
0xa2: {  	[sflag:s23] =	ssyncadd.s32 s6;
	_ =	sdelay $0x1  }
0xa3: {  	s24 =	simm.s32 $0x1B8B  }
0xa4: {  	_ =	swait.ge [sflag:s24], $0x1  }
0xa5: {  	[sflag:s24] =	ssyncset.done $0x0  }
0xa6: {  	s25 =	simm.s32 $0x1B8E;
	[sflag:s24] =	ssyncadd.s32 $0xFFFFFFFF  }
0xa7: {  	s26 =	simm.s32 $execute0_lowered;
	[smem:$0x3FD2] =	sst s25  }
0xa8: {  	s6 =	sshll.u32 s26, $0x1;
	_ =	strace $0x80000046;
	[dreg:$0x1] =	wrdreg $0xFFFFFFFF  }
0xa9: {  	s28 =	simm.s32 $_size_execute0_lowered;
	s5 =	sadd.s32 s5, s6;
	[dreg:$0x0] =	wrdreg $0x0  }
0xaa: {  	s6 =	sshll.u32 s28, $0x1;
	[dreg:$0x2] =	wrdreg s5  }
0xab: {  	[dreg:$0x3] =	wrdreg s6  }
0xac: {  	[dreg:$0x4] =	wrdreg $0xC0  }
0xad: {  	_ =	task [dreg:s9], $0x5FFFF  }
0xae: {  	[dreg:$0x1] =	wrdreg $0xFFFFFFFF  }
0xaf: {  	[dreg:$0x0] =	wrdreg $0x60  }
0xb0: {  	[dreg:$0x2] =	wrdreg s2  }
0xb1: {  	[dreg:$0x3] =	wrdreg s19  }
0xb2: {  	[dreg:$0x4] =	wrdreg s4  }
0xb3: {  	[dreg:$0x5] =	wrdreg $0x9  }
0xb4: {  	_ =	task.clear_ibuf [dreg:s9], $0x6FFFF;
	_ =	strace $0x90000046  }
0xb5: {  	s29 =	simm.s32 $0x9;
	_ =	strace $0x80000048  }
0xb6: {  	_ =	swait.ge [sflag:s29], $0x1  }
0xb7: {  	[sflag:s29] =	ssyncadd.s32 $0xFFFFFFFF  }
0xb8: {  	_ =	strace $0x90000048  }
0xb9: {  	_ =	sfence  }
0xba: {  	s30 =	sld [smem:$0x0];
	_ =	sdelay $0x2  }
0xbb: {  	s31 =	sshll.u32 s1, $0xD;
	s1 =	sshrl.u32 s1, $0x2  }
0xbc: {  	s3 =	sand.u32 $0x4000, s31;
	s1 =	sadd.s32 s1, s30  }
0xbd: {  	s0 =	sor.u32 s3, s0;
	s1 =	sshll.u32 s1, $0x11  }
0xbe: {  	s0 =	sor.u32 s1, s0  }
0xbf: {  	s0 =	sadd.s32 $0x8F2B, s0  }
0xc0: {  	[sflag:s0] =	ssyncadd.remote.s32 $0x1  }
0xc1: {  	_ =	sfence.sel $0xFFFF  }
0xc2: {  	[dreg:$0x0] =	wrdreg $0xFFFFFFFF;
	(pc) =	sbr.abs _section_cstart, $3  }
0xc3: {  	[dreg:$0x1] =	wrdreg $0xFFFFFFFF  }
0xc4: {  	_ =	task.clear_ibuf [dreg:s9], $0x2FFFF;
	_ =	strace $0x9FFFFFFF  }
0xc5: {  	(tm) =	ssettm $0x7FFFFFFF  }
tec
execute0_lowered:
.L_overlay_start_1:
0x0: {  	(tag) =	ssettag $0x1  }
0x1: {  	s2 =	rddreg [dreg:$0x0]  }
0x2: {  	s0 =	srdreg.scid;
	s30 =	rddreg [dreg:$0x1]  }
0x3: {  	s1 =	stileid.u32;
	s5 =	rddreg [dreg:$0x2];
	s0 =	sand.u32 $0x1, s0  }
0x4: {  	s6 =	simm.s32 $0x0;
	s1 =	sshll.u32 s1, $0x9;
	s3 =	sshll.u32 s0, $0x8  }
0x5: {  	[smem:$0x7FF] =	sst s6;
	s0 =	ssub.s32 $0x2, s0;
	s4 =	sor.u32 s3, s1  }
0x6: {  	_ =	strace $0x80000047;
	s23 =	sshrl.u32 s0, $0x1;
	s1 =	sshrl.u32 s4, $0x3  }
0x7: {  	s28 =	sor.u32 $0x10, s4;
	[dreg:$0x4] =	wrdreg s4;
	s1 =	smul.u32 $0x1800, s1  }
0x8: {  	s0 =	ssub.s32 s0, s23;
	s31 =	sor.u32 $0x20, s4;
	[dreg:$0xa] =	wrdreg s28  }
0x9: {  	[dreg:$0xb] =	wrdreg s31;
	s0 =	smax.u32 s0, $0x1;
	s1 =	sshrl.u32 s1, $0x3  }
0xa: {  	[dreg:$0xc] =	wrdreg s0;
	s7 =	sadd.s32 s2, s1;
	s1 =	sadd.s32 s30, s1  }
0xb: {  	[dreg:$0x6] =	wrdreg s1  }
0xc: {  	s22 =	simm.s32 $0x18000;
	s24 =	sadd.s32 $0xC0000, s7;
	[dreg:$0x5] =	wrdreg s7  }
0xd: {  	s29 =	simm.s32 $0xF000;
	s25 =	sadd.s32 $0x180000, s7;
	[dreg:$0x7] =	wrdreg s24  }
0xe: {  	s9 =	simm.s32 $0x1B000;
	s26 =	sadd.s32 $0x240000, s7;
	[dreg:$0x8] =	wrdreg s25  }
0xf: {  	s23 =	simm.s32 $0x3;
	s1 =	simm.s32 $0x0;
	[dreg:$0x9] =	wrdreg s26  }
0x10: {  	s24 =	simm.s32 $0x5;
	s25 =	simm.s32 $0x7;
	s26 =	simm.s32 $0x9  }
.LBB2_1:
0x11: {  	[dreg:$0xd] =	wrdreg s1  }
0x12: {  	s0 =	rddreg [dreg:$0x6]  }
0x13: {  	[tilespmem:s6], [sflag:$0x1] =	stream.linear.gather [hbm4b:s0+s6], $0x3000, $0x38;
	[tilespmem:$0x1E000] =	vst v63  }
0x14: {  	s17 =	rddreg [dreg:$0x5];
	s18 =	simm.s32 $0x6000  }
0x15: {  	[tilespmem:s18], [sflag:$0x3] =	stream.linear.gather [hbm4b:s17+s6], $0x3000, $0x38;
	[tilespmem:$0x1E000] =	vst v63  }
0x16: {  	s19 =	rddreg [dreg:$0x7];
	s20 =	simm.s32 $0xC000  }
0x17: {  	[tilespmem:s20], [sflag:$0x5] =	stream.linear.gather [hbm4b:s19+s6], $0x3000, $0x38;
	[tilespmem:$0x1E000] =	vst v63  }
0x18: {  	s21 =	rddreg [dreg:$0x8];
	s28 =	simm.s32 $0x12000  }
0x19: {  	[tilespmem:s28], [sflag:$0x7] =	stream.linear.gather [hbm4b:s21+s6], $0x3000, $0x38;
	[tilespmem:$0x1E000] =	vst v63  }
0x1a: {  	s31 =	rddreg [dreg:$0x9];
	s7 =	simm.s32 $0x0  }
0x1b: {  	[tilespmem:s22], [sflag:$0x9] =	stream.linear.gather [hbm4b:s31+s6], $0x3000, $0x38;
	[tilespmem:$0x1E000] =	vst v63  }
.LBB2_2:
0x1c: {  	s3 =	sshll.u32 s7, $0x5;
	s0 =	rddreg [dreg:$0xa]  }
0x1d: {  	s1 =	sadd.s32 s0, s3  }
0x1e: {  	s1 =	sshrl.u32 s1, $0x3  }
0x1f: {  	s1 =	smul.u32 $0x1800, s1;
	_ =	sdelay $0x1  }
0x20: {  	s11 =	sshrl.u32 s1, $0x3  }
0x21: {  	s15 =	simm.s32 $0x3000;
	p0 =	seq.s32 s7, $0x0;
	s4 =	sadd.s32 s30, s11  }
0x22: {  	[tilespmem:s15], [sflag:$0x2] =	stream.linear.gather [hbm4b:s4+s6], $0x3000, $0x38;
	[tilespmem:$0x1E000] =	vst v63  }
0x23: {  	s12 =	simm.s32 @p0 $0x0;
	s8 =	simm.s32 @p0 $0x9000;
	s4 =	sadd.s32 @p0 s2, s11  }
0x24: {  	[tilespmem:s8], [sflag:$0x4] =	stream.linear.gather @p0 [hbm4b:s4+s12], $0x3000, $0x38;
	[tilespmem:$0x1E000] =	vst v63  }
0x25: {  	s4 =	simm.s32 @!p0 $0xC  }
0x26: {  	_ =	swait.ge @!p0 [sflag:s4], $0x3000  }
0x27: {  	s13 =	simm.s32 @!p0 $0x0;
	[sflag:s4] =	ssyncset.done @!p0 $0x0  }
0x28: {  	s8 =	simm.s32 @!p0 $0x9000;
	[sflag:s4] =	ssyncadd.s32 @!p0 $0xFFFFD000;
	s4 =	sadd.s32 @!p0 s2, s11  }
0x29: {  	[tilespmem:s8], [sflag:$0x4] =	stream.linear.gather @!p0 [hbm4b:s4+s13], $0x3000, $0x38;
	[tilespmem:$0x1E000] =	vst v63  }
0x2a: {  	s4 =	simm.s32 @!p0 $0xE  }
0x2b: {  	_ =	swait.ge @!p0 [sflag:s4], $0x3000  }
0x2c: {  	s8 =	sadd.s32 $0xC0000, s11;
	[sflag:s4] =	ssyncset.done @!p0 $0x0  }
0x2d: {  	s16 =	sadd.s32 s2, s8;
	[sflag:s4] =	ssyncadd.s32 @!p0 $0xFFFFD000;
	s4 =	sshrl.u32 @p0 s1, $0x3  }
0x2e: {  	[tilespmem:s29], [sflag:$0x6] =	stream.linear.gather [hbm4b:s16+s6], $0x3000, $0x38;
	[tilespmem:$0x1E000] =	vst v63  }
0x2f: {  	s4 =	sadd.s32 @p0 s2, s4  }
0x30: {  	s15 =	simm.s32 @p0 $0x15000;
	s4 =	sadd.s32 @p0 $0x180000, s4  }
0x31: {  	[tilespmem:s15], [sflag:$0x8] =	stream.linear.gather @p0 [hbm4b:s4+s12], $0x3000, $0x38;
	[tilespmem:$0x1E000] =	vst v63  }
0x32: {  	s4 =	simm.s32 @!p0 $0x10  }
0x33: {  	s1 =	sshrl.u32 @!p0 s1, $0x3;
	_ =	swait.ge @!p0 [sflag:s4], $0x3000  }
0x34: {  	s1 =	sadd.s32 @!p0 s2, s1;
	[sflag:s4] =	ssyncset.done @!p0 $0x0  }
0x35: {  	s1 =	sadd.s32 @!p0 $0x180000, s1;
	[sflag:s4] =	ssyncadd.s32 @!p0 $0xFFFFD000;
	s4 =	simm.s32 @!p0 $0x15000  }
0x36: {  	[tilespmem:s4], [sflag:$0x8] =	stream.linear.gather @!p0 [hbm4b:s1+s13], $0x3000, $0x38;
	[tilespmem:$0x1E000] =	vst v63  }
0x37: {  	s1 =	simm.s32 @!p0 $0x12  }
0x38: {  	s18 =	simm.s32 $0x0;
	s21 =	simm.s32 $0x1;
	_ =	swait.ge @!p0 [sflag:s1], $0x3000  }
0x39: {  	s20 =	sand.u32 $0x7, s18;
	s19 =	sadd.s32 $0x240000, s11;
	[sflag:s1] =	ssyncset.done @!p0 $0x0  }
0x3a: {  	s17 =	sadd.s32 s2, s19;
	s15 =	smul.u32 $0x60, s20;
	[sflag:s1] =	ssyncadd.s32 @!p0 $0xFFFFD000  }
0x3b: {  	[tilespmem:s9], [sflag:$0xA] =	stream.linear.gather [hbm4b:s17+s18], $0x3000, $0x38;
	[tilespmem:$0x1E000] =	vst v63  }
0x3c: {  	s28 =	simm.s32 $0x0;
	s1 =	smul.u32 $0x300, s20;
	_ =	swait.ge [sflag:s21], $0x3000  }
0x3d: {  	s17 =	smul.u32 $0x1800, s28;
	[sflag:s21] =	ssyncset.done $0x0  }
0x3e: {  	s1 =	sand.u32 $0x1C00, s1;
	[sflag:s21] =	ssyncadd.s32 $0xFFFFD000  }
0x3f: {  	s9 =	sand.u32 $0x60, s15;
	s1 =	sadd.s32 s17, s1;
	_ =	swait.ge [sflag:s23], $0x3000  }
0x40: {  	s16 =	sand.u32 $0x380, s18;
	s1 =	sor.u32 s1, s9;
	[sflag:s23] =	ssyncset.done $0x0  }
0x41: {  	s10 =	sadd.s32 $0x20, s15;
	s1 =	sor.u32 s16, s1;
	[sflag:s23] =	ssyncadd.s32 $0xFFFFD000  }
0x42: {  	s13 =	sshll.u32 s10, $0x3;
	v0 =	vld [tilespmem:s1+$0x0]  }
0x43: {  	s12 =	sand.u32 $0x3C00, s13;
	v1 =	vld [tilespmem:s1+$0x10]  }
0x44: {  	s4 =	sand.u32 $0x60, s10;
	s20 =	simm.s32 $0x0;
	s12 =	sadd.s32 s17, s12  }
0x45: {  	s28 =	sadd.s32 $0x30, s15;
	s4 =	sor.u32 s4, s12;
	s21 =	simm.s32 $0x1  }
0x46: {  	s12 =	smul.u32 $0x1800, s20;
	s14 =	sor.u32 s16, s4;
	s4 =	sand.u32 $0x7, s21  }
0x47: {  	s18 =	sshll.u32 s28, $0x3;
	s21 =	smul.u32 $0x300, s4;
	[tilespmem:s1+$0x6000] =	vst.add.f32.msk $0xffff, v0  }
0x48: {  	s0 =	simm.s32 $0x10;
	s18 =	sand.u32 $0x3C00, s18;
	s13 =	smul.u32 $0x60, s4;
	[tilespmem:s1+$0x6010] =	vst.add.f32.msk $0xffff, v1  }
0x49: {  	s28 =	sand.u32 $0x70, s28;
	s18 =	sadd.s32 s17, s18;
	s21 =	sand.u32 $0x1C00, s21;
	v0 =	vld [tilespmem:s14+$0x0]  }
0x4a: {  	s18 =	sor.u32 s28, s18;
	s9 =	sand.u32 $0x60, s13;
	s21 =	sadd.s32 s12, s21  }
0x4b: {  	s20 =	sand.u32 $0x380, s0;
	s1 =	sor.u32 s16, s18;
	s18 =	sor.u32 s21, s9  }
0x4c: {  	s18 =	sor.u32 s20, s18  }
0x4d: {  	v1 =	vld [tilespmem:s18+$0x0]  }
0x4e: {  	[tilespmem:s14+$0x6000] =	vst.add.f32.msk $0xffff, v0  }
0x4f: {  	s10 =	sadd.s32 $0x40, s15;
	v0 =	vld [tilespmem:s1+$0x0]  }
0x50: {  	s14 =	sshll.u32 s10, $0x3  }
0x51: {  	s22 =	smov.u32 s30;
	v2 =	vld [tilespmem:s18+$0x10];
	s21 =	sand.u32 $0x3C00, s14  }
0x52: {  	s30 =	simm.s32 $0x0;
	s28 =	sand.u32 $0x60, s10;
	s21 =	sadd.s32 s17, s21  }
0x53: {  	s29 =	simm.s32 $0x2;
	s9 =	rddreg [dreg:$0x4];
	[tilespmem:s18+$0x6000] =	vst.add.f32.msk $0xffff, v1;
	s21 =	sor.u32 s28, s21  }
0x54: {  	s4 =	sshll.u32 s7, $0x1;
	s31 =	sadd.s32 $0x20, s13;
	s0 =	sor.u32 s16, s21;
	[tilespmem:s1+$0x6000] =	vst.add.f32.msk $0xffff, v0  }
0x55: {  	s10 =	sshll.u32 s31, $0x3;
	s14 =	sand.u32 $0x7, s29;
	s29 =	sand.u32 $0x60, s31;
	v0 =	vld [tilespmem:s0+$0x0]  }
0x56: {  	[tilespmem:s18+$0x6010] =	vst.add.f32.msk $0xffff, v2;
	s18 =	simm.s32 $0x3;
	s3 =	sadd.s32 s9, s3;
	s31 =	smul.u32 $0x300, s14  }
0x57: {  	s9 =	sand.u32 $0x3C00, s10;
	s21 =	smul.u32 $0x1800, s30;
	s1 =	sadd.s32 $0x50, s15  }
0x58: {  	s30 =	sadd.s32 $0x30, s13;
	s15 =	sadd.s32 s12, s9;
	s10 =	sshll.u32 s1, $0x3  }
0x59: {  	s29 =	sor.u32 s29, s15;
	s15 =	smul.u32 $0x60, s14;
	s28 =	sand.u32 $0x3C00, s10  }
0x5a: {  	s1 =	sand.u32 $0x70, s1;
	s29 =	sor.u32 s20, s29;
	s28 =	sadd.s32 s17, s28;
	[tilespmem:s0+$0x6000] =	vst.add.f32.msk $0xffff, v0  }
0x5b: {  	s17 =	simm.s32 $0x20;
	s14 =	sor.u32 s1, s28;
	s28 =	sshll.u32 s30, $0x3;
	v0 =	vld [tilespmem:s29+$0x0]  }
0x5c: {  	s1 =	sand.u32 $0x1C00, s31;
	s16 =	sor.u32 s16, s14;
	s31 =	sand.u32 $0x3C00, s28  }
.LBB2_3:
0x5d: {  	p0 =	sne.s32 s18, $0x7F;
	s0 =	sand.u32 $0x70, s30;
	s30 =	sadd.s32 s12, s31  }
0x5e: {  	v1 =	vld [tilespmem:s16+$0x0];
	s28 =	smov.u32 s20;
	s31 =	smov.u32 s13;
	s13 =	smov.u32 s15  }
0x5f: {  	s1 =	sadd.s32 s21, s1;
	s15 =	sand.u32 $0x60, s13;
	s0 =	sor.u32 s0, s30  }
0x60: {  	s20 =	sand.u32 $0x380, s17;
	s1 =	sor.u32 s1, s15;
	[tilespmem:s29+$0x6000] =	vst.add.f32.msk $0xffff, v0;
	s0 =	sor.u32 s28, s0  }
0x61: {  	s9 =	smov.u32 s12;
	s15 =	sadd.s32 $0x40, s31;
	s1 =	sor.u32 s20, s1;
	v0 =	vld [tilespmem:s0+$0x0]  }
0x62: {  	s12 =	smov.u32 s21;
	s21 =	sshrl.u32 s18, $0x6;
	s29 =	sshll.u32 s15, $0x3;
	v2 =	vld [tilespmem:s1+$0x0]  }
0x63: {  	s17 =	sadd.s32 $0x10, s17;
	s30 =	sand.u32 $0x7, s18;
	s29 =	sand.u32 $0x3C00, s29;
	[tilespmem:s16+$0x6000] =	vst.add.f32.msk $0xffff, v1  }
0x64: {  	s15 =	sand.u32 $0x60, s15;
	s16 =	sadd.s32 $0x20, s13;
	s29 =	sadd.s32 s9, s29;
	v1 =	vld [tilespmem:s1+$0x10]  }
0x65: {  	s21 =	smul.u32 $0x1800, s21;
	s10 =	sshll.u32 s16, $0x3;
	s29 =	sor.u32 s15, s29  }
0x66: {  	s15 =	smul.u32 $0x60, s30;
	s10 =	sand.u32 $0x3C00, s10;
	[tilespmem:s0+$0x6000] =	vst.add.f32.msk $0xffff, v0;
	s0 =	sor.u32 s28, s29  }
0x67: {  	s31 =	sadd.s32 $0x50, s31;
	s16 =	sand.u32 $0x60, s16;
	s10 =	sadd.s32 s12, s10;
	v3 =	vld [tilespmem:s0+$0x0]  }
.Ltmp0:
0x68: {  	s10 =	sor.u32 s16, s10;
	s16 =	sshll.u32 s31, $0x3;
	[tilespmem:s1+$0x6000] =	vst.add.f32.msk $0xffff, v2;
	(pc) =	sbr.rel @p0 .LBB2_3-.Ltmp0, $4  }
0x69: {  	s14 =	smul.u32 $0x300, s30;
	s29 =	sor.u32 s20, s10;
	[tilespmem:s1+$0x6010] =	vst.add.f32.msk $0xffff, v1;
	s1 =	sand.u32 $0x3C00, s16  }
0x6a: {  	s30 =	sadd.s32 $0x30, s13;
	s10 =	sand.u32 $0x70, s31;
	v0 =	vld [tilespmem:s29+$0x0];
	s9 =	sadd.s32 s9, s1  }
0x6b: {  	s1 =	sand.u32 $0x1C00, s14;
	s14 =	sshll.u32 s30, $0x3;
	s9 =	sor.u32 s10, s9  }
0x6c: {  	s18 =	sadd.s32 $0x1, s18;
	s31 =	sand.u32 $0x3C00, s14;
	[tilespmem:s0+$0x6000] =	vst.add.f32.msk $0xffff, v3;
	s16 =	sor.u32 s28, s9  }
0x6d: {  	s0 =	sand.u32 $0x60, s15;
	s1 =	sadd.s32 s21, s1  }
0x6e: {  	s17 =	sand.u32 $0x380, s17;
	s0 =	sor.u32 s1, s0  }
0x6f: {  	s0 =	sor.u32 s17, s0  }
0x70: {  	v1 =	vld [tilespmem:s0+$0x0]  }
0x71: {  	s14 =	sadd.s32 $0x20, s15;
	v2 =	vld [tilespmem:s0+$0x10]  }
0x72: {  	s9 =	sshll.u32 s14, $0x3  }
0x73: {  	s9 =	sand.u32 $0x3C00, s9  }
0x74: {  	s1 =	sand.u32 $0x60, s14;
	s9 =	sadd.s32 s21, s9  }
0x75: {  	s1 =	sor.u32 s1, s9;
	[tilespmem:s0+$0x6000] =	vst.add.f32.msk $0xffff, v1  }
0x76: {  	[tilespmem:s0+$0x6010] =	vst.add.f32.msk $0xffff, v2;
	s0 =	sor.u32 s17, s1  }
0x77: {  	s1 =	sadd.s32 $0x30, s15;
	v1 =	vld [tilespmem:s0+$0x0]  }
0x78: {  	s18 =	sand.u32 $0x70, s30;
	s10 =	sadd.s32 s12, s31;
	s14 =	sshll.u32 s1, $0x3  }
0x79: {  	s9 =	sor.u32 s18, s10;
	s18 =	sand.u32 $0x3C00, s14  }
0x7a: {  	[tilespmem:s29+$0x6000] =	vst.add.f32.msk $0xffff, v0;
	s9 =	sor.u32 s20, s9;
	s1 =	sand.u32 $0x70, s1;
	s10 =	sadd.s32 s21, s18  }
0x7b: {  	v0 =	vld [tilespmem:s9+$0x0];
	s14 =	sadd.s32 $0x40, s13;
	s1 =	sor.u32 s1, s10  }
0x7c: {  	s29 =	sshll.u32 s14, $0x3;
	[tilespmem:s0+$0x6000] =	vst.add.f32.msk $0xffff, v1;
	s0 =	sor.u32 s17, s1  }
0x7d: {  	s18 =	sand.u32 $0x3C00, s29;
	s10 =	sadd.s32 $0x40, s15;
	v1 =	vld [tilespmem:s0+$0x0]  }
0x7e: {  	s14 =	sand.u32 $0x60, s14;
	s1 =	sadd.s32 s12, s18;
	s18 =	sshll.u32 s10, $0x3  }
0x7f: {  	s1 =	sor.u32 s14, s1;
	s29 =	sand.u32 $0x3C00, s18  }
0x80: {  	[tilespmem:s9+$0x6000] =	vst.add.f32.msk $0xffff, v0;
	s10 =	sand.u32 $0x60, s10;
	s1 =	sor.u32 s20, s1;
	s14 =	sadd.s32 s21, s29  }
0x81: {  	s13 =	sadd.s32 $0x50, s13;
	v0 =	vld [tilespmem:s1+$0x0];
	s9 =	sor.u32 s10, s14  }
0x82: {  	s18 =	sshll.u32 s13, $0x3;
	s29 =	sor.u32 s17, s9;
	[tilespmem:s0+$0x6000] =	vst.add.f32.msk $0xffff, v1  }
0x83: {  	s10 =	sand.u32 $0x3C00, s18;
	s14 =	sadd.s32 $0x50, s15;
	v1 =	vld [tilespmem:s29+$0x0]  }
0x84: {  	s13 =	sand.u32 $0x70, s13;
	s9 =	sadd.s32 s12, s10;
	s15 =	sshll.u32 s14, $0x3  }
0x85: {  	v2 =	vld [tilespmem:s16+$0x0];
	s9 =	sor.u32 s13, s9;
	s12 =	sand.u32 $0x3C00, s15  }
0x86: {  	s18 =	sor.u32 s20, s9;
	s20 =	sand.u32 $0x70, s14;
	s21 =	sadd.s32 s21, s12;
	[tilespmem:s1+$0x6000] =	vst.add.f32.msk $0xffff, v0  }
0x87: {  	s9 =	sor.u32 s20, s21;
	v0 =	vld [tilespmem:s18+$0x0]  }
0x88: {  	[tilespmem:s29+$0x6000] =	vst.add.f32.msk $0xffff, v1;
	s29 =	sor.u32 s17, s9  }
0x89: {  	v1 =	vld [tilespmem:s29+$0x0]  }
0x8a: {  	s3 =	sshrl.u32 s3, $0x3;
	s10 =	simm.s32 $0x0  }
0x8b: {  	s3 =	smul.u32 $0x1800, s3;
	s13 =	sand.u32 $0x7, s10  }
0x8c: {  	[tilespmem:s16+$0x6000] =	vst.add.f32.msk $0xffff, v2;
	s12 =	simm.s32 $0x6000;
	s1 =	smul.u32 $0x300, s13  }
0x8d: {  	s14 =	simm.s32 $0x0;
	s21 =	smul.u32 $0x60, s13;
	s9 =	sshrl.u32 s3, $0x3;
	[tilespmem:s18+$0x6000] =	vst.add.f32.msk $0xffff, v0  }
0x8e: {  	s1 =	sand.u32 $0x1C00, s1;
	s3 =	sadd.s32 s5, s9;
	s18 =	smul.u32 $0x1800, s14;
	[tilespmem:s29+$0x6000] =	vst.add.f32.msk $0xffff, v1  }
0x8f: {  	[hbm4b:s3+s10] =	stream.linear.scatter [tilespmem:s12], [sflag:$0xB], $0x3000, $0x38;
	[tilespmem:$0x1E000] =	vst v63  }
0x90: {  	s15 =	sand.u32 $0x60, s21;
	s1 =	sadd.s32 s18, s1;
	_ =	swait.ge [sflag:s24], $0x3000  }
0x91: {  	s17 =	sand.u32 $0x380, s10;
	s16 =	sor.u32 s1, s15;
	[sflag:s24] =	ssyncset.done $0x0  }
0x92: {  	s0 =	sor.u32 s17, s16;
	[sflag:s24] =	ssyncadd.s32 $0xFFFFD000  }
0x93: {  	v0 =	vld [tilespmem:s0+$0x0]  }
0x94: {  	s20 =	sadd.s32 $0x20, s21;
	v1 =	vld [tilespmem:s0+$0x10]  }
0x95: {  	s29 =	sshll.u32 s20, $0x3  }
0x96: {  	s9 =	sand.u32 $0x3C00, s29  }
0x97: {  	s1 =	sand.u32 $0x60, s20;
	s9 =	sadd.s32 s18, s9  }
0x98: {  	s1 =	sor.u32 s1, s9;
	[tilespmem:s0+$0xC000] =	vst.add.f32.msk $0xffff, v0  }
0x99: {  	[tilespmem:s0+$0xC010] =	vst.add.f32.msk $0xffff, v1;
	s0 =	sor.u32 s17, s1  }
0x9a: {  	s14 =	sadd.s32 $0x30, s21;
	s10 =	simm.s32 $0x1;
	v0 =	vld [tilespmem:s0+$0x0]  }
0x9b: {  	s28 =	simm.s32 $0x0;
	s15 =	sshll.u32 s14, $0x3;
	s12 =	sand.u32 $0x7, s10  }
0x9c: {  	s16 =	simm.s32 $0x0;
	s10 =	sand.u32 $0x3C00, s15;
	s13 =	smul.u32 $0x60, s12  }
0x9d: {  	s9 =	sand.u32 $0x70, s14;
	s10 =	sadd.s32 s18, s10;
	s1 =	smul.u32 $0x300, s12  }
0x9e: {  	s20 =	simm.s32 $0x10;
	s9 =	sor.u32 s9, s10;
	s12 =	smul.u32 $0x1800, s16  }
0x9f: {  	s20 =	sand.u32 $0x380, s20;
	s1 =	sand.u32 $0x1C00, s1;
	[tilespmem:s0+$0xC000] =	vst.add.f32.msk $0xffff, v0;
	s0 =	sor.u32 s17, s9  }
0xa0: {  	s29 =	sand.u32 $0x60, s13;
	s1 =	sadd.s32 s12, s1;
	s9 =	sadd.s32 $0x40, s21;
	v0 =	vld [tilespmem:s0+$0x0]  }
0xa1: {  	s10 =	simm.s32 $0x2;
	s1 =	sor.u32 s1, s29;
	s15 =	sshll.u32 s9, $0x3  }
0xa2: {  	s10 =	sand.u32 $0x7, s10;
	s1 =	sor.u32 s20, s1;
	s14 =	sand.u32 $0x3C00, s15  }
0xa3: {  	s29 =	sadd.s32 $0x20, s13;
	v1 =	vld [tilespmem:s1+$0x0];
	s9 =	sand.u32 $0x60, s9;
	s14 =	sadd.s32 s18, s14  }
0xa4: {  	s16 =	simm.s32 $0x20;
	s30 =	sshll.u32 s29, $0x3;
	v2 =	vld [tilespmem:s1+$0x10];
	s9 =	sor.u32 s9, s14  }
0xa5: {  	s15 =	smul.u32 $0x60, s10;
	s14 =	sand.u32 $0x3C00, s30;
	[tilespmem:s0+$0xC000] =	vst.add.f32.msk $0xffff, v0;
	s0 =	sor.u32 s17, s9  }
0xa6: {  	s14 =	sadd.s32 s12, s14;
	s9 =	sand.u32 $0x60, s29;
	s29 =	sadd.s32 $0x50, s21;
	v3 =	vld [tilespmem:s0+$0x0]  }
0xa7: {  	s10 =	smul.u32 $0x300, s10;
	s9 =	sor.u32 s9, s14;
	s14 =	sshll.u32 s29, $0x3  }
0xa8: {  	[tilespmem:s1+$0xC000] =	vst.add.f32.msk $0xffff, v1;
	s21 =	smul.u32 $0x1800, s28;
	s28 =	sor.u32 s20, s9;
	s9 =	sand.u32 $0x3C00, s14  }
0xa9: {  	s30 =	sadd.s32 $0x30, s13;
	[tilespmem:s1+$0xC010] =	vst.add.f32.msk $0xffff, v2;
	s14 =	sand.u32 $0x70, s29;
	s9 =	sadd.s32 s18, s9  }
0xaa: {  	s1 =	sand.u32 $0x1C00, s10;
	s29 =	sshll.u32 s30, $0x3;
	v0 =	vld [tilespmem:s28+$0x0];
	s9 =	sor.u32 s14, s9  }
0xab: {  	s18 =	simm.s32 $0x3;
	s31 =	sand.u32 $0x3C00, s29;
	s17 =	sor.u32 s17, s9;
	[tilespmem:s0+$0xC000] =	vst.add.f32.msk $0xffff, v3  }
.LBB2_5:
0xac: {  	p0 =	sne.s32 s18, $0x7F;
	s0 =	sand.u32 $0x70, s30;
	s9 =	sadd.s32 s12, s31  }
0xad: {  	v1 =	vld [tilespmem:s17+$0x0];
	s29 =	smov.u32 s20;
	s10 =	smov.u32 s13;
	s13 =	smov.u32 s15  }
0xae: {  	s1 =	sadd.s32 s21, s1;
	s14 =	sand.u32 $0x60, s13;
	s0 =	sor.u32 s0, s9  }
0xaf: {  	s20 =	sand.u32 $0x380, s16;
	s1 =	sor.u32 s1, s14;
	[tilespmem:s28+$0xC000] =	vst.add.f32.msk $0xffff, v0;
	s0 =	sor.u32 s29, s0  }
0xb0: {  	s9 =	sadd.s32 $0x40, s10;
	s14 =	smov.u32 s12;
	s1 =	sor.u32 s20, s1;
	v0 =	vld [tilespmem:s0+$0x0]  }
0xb1: {  	s16 =	sadd.s32 $0x10, s16;
	s15 =	sshll.u32 s9, $0x3;
	s12 =	smov.u32 s21;
	v2 =	vld [tilespmem:s1+$0x0]  }
0xb2: {  	s10 =	sadd.s32 $0x50, s10;
	s21 =	sshrl.u32 s18, $0x6;
	s15 =	sand.u32 $0x3C00, s15;
	[tilespmem:s17+$0xC000] =	vst.add.f32.msk $0xffff, v1  }
0xb3: {  	s9 =	sand.u32 $0x60, s9;
	s15 =	sadd.s32 s14, s15;
	s17 =	sadd.s32 $0x20, s13;
	v1 =	vld [tilespmem:s1+$0x10]  }
0xb4: {  	s28 =	sand.u32 $0x7, s18;
	s9 =	sor.u32 s9, s15;
	s30 =	sshll.u32 s17, $0x3  }
0xb5: {  	s15 =	smul.u32 $0x60, s28;
	s30 =	sand.u32 $0x3C00, s30;
	[tilespmem:s0+$0xC000] =	vst.add.f32.msk $0xffff, v0;
	s0 =	sor.u32 s29, s9  }
0xb6: {  	s21 =	smul.u32 $0x1800, s21;
	s9 =	sand.u32 $0x60, s17;
	s17 =	sadd.s32 s12, s30;
	v3 =	vld [tilespmem:s0+$0x0]  }
.Ltmp1:
0xb7: {  	s9 =	sor.u32 s9, s17;
	s17 =	sshll.u32 s10, $0x3;
	[tilespmem:s1+$0xC000] =	vst.add.f32.msk $0xffff, v2;
	(pc) =	sbr.rel @p0 .LBB2_5-.Ltmp1, $4  }
0xb8: {  	s31 =	smul.u32 $0x300, s28;
	s28 =	sor.u32 s20, s9;
	[tilespmem:s1+$0xC010] =	vst.add.f32.msk $0xffff, v1;
	s1 =	sand.u32 $0x3C00, s17  }
0xb9: {  	s30 =	sadd.s32 $0x30, s13;
	s9 =	sand.u32 $0x70, s10;
	v0 =	vld [tilespmem:s28+$0x0];
	s10 =	sadd.s32 s14, s1  }
0xba: {  	s1 =	sand.u32 $0x1C00, s31;
	s14 =	sshll.u32 s30, $0x3;
	s9 =	sor.u32 s9, s10  }
0xbb: {  	s18 =	sadd.s32 $0x1, s18;
	s31 =	sand.u32 $0x3C00, s14;
	[tilespmem:s0+$0xC000] =	vst.add.f32.msk $0xffff, v3;
	s17 =	sor.u32 s29, s9  }
0xbc: {  	s0 =	sand.u32 $0x60, s15;
	s1 =	sadd.s32 s21, s1  }
0xbd: {  	s16 =	sand.u32 $0x380, s16;
	s0 =	sor.u32 s1, s0  }
0xbe: {  	s0 =	sor.u32 s16, s0  }
0xbf: {  	v1 =	vld [tilespmem:s0+$0x0]  }
0xc0: {  	s18 =	sadd.s32 $0x20, s15;
	v2 =	vld [tilespmem:s0+$0x10]  }
0xc1: {  	s9 =	sshll.u32 s18, $0x3  }
0xc2: {  	s9 =	sand.u32 $0x3C00, s9  }
0xc3: {  	s1 =	sand.u32 $0x60, s18;
	s9 =	sadd.s32 s21, s9  }
0xc4: {  	s1 =	sor.u32 s1, s9;
	[tilespmem:s0+$0xC000] =	vst.add.f32.msk $0xffff, v1  }
0xc5: {  	[tilespmem:s0+$0xC010] =	vst.add.f32.msk $0xffff, v2;
	s0 =	sor.u32 s16, s1  }
0xc6: {  	s1 =	sadd.s32 $0x30, s15;
	v1 =	vld [tilespmem:s0+$0x0]  }
0xc7: {  	s29 =	sand.u32 $0x70, s30;
	s10 =	sadd.s32 s12, s31;
	s14 =	sshll.u32 s1, $0x3  }
0xc8: {  	s9 =	sor.u32 s29, s10;
	s18 =	sand.u32 $0x3C00, s14  }
0xc9: {  	[tilespmem:s28+$0xC000] =	vst.add.f32.msk $0xffff, v0;
	s9 =	sor.u32 s20, s9;
	s1 =	sand.u32 $0x70, s1;
	s10 =	sadd.s32 s21, s18  }
0xca: {  	v0 =	vld [tilespmem:s9+$0x0];
	s14 =	sadd.s32 $0x40, s13;
	s1 =	sor.u32 s1, s10  }
0xcb: {  	s29 =	sshll.u32 s14, $0x3;
	[tilespmem:s0+$0xC000] =	vst.add.f32.msk $0xffff, v1;
	s0 =	sor.u32 s16, s1  }
0xcc: {  	s18 =	sand.u32 $0x3C00, s29;
	s10 =	sadd.s32 $0x40, s15;
	v1 =	vld [tilespmem:s0+$0x0]  }
0xcd: {  	s14 =	sand.u32 $0x60, s14;
	s1 =	sadd.s32 s12, s18;
	s18 =	sshll.u32 s10, $0x3  }
0xce: {  	s1 =	sor.u32 s14, s1;
	s29 =	sand.u32 $0x3C00, s18  }
0xcf: {  	[tilespmem:s9+$0xC000] =	vst.add.f32.msk $0xffff, v0;
	s10 =	sand.u32 $0x60, s10;
	s1 =	sor.u32 s20, s1;
	s14 =	sadd.s32 s21, s29  }
0xd0: {  	s18 =	sadd.s32 $0x50, s13;
	v0 =	vld [tilespmem:s1+$0x0];
	s9 =	sor.u32 s10, s14  }
0xd1: {  	s29 =	sshll.u32 s18, $0x3;
	[tilespmem:s0+$0xC000] =	vst.add.f32.msk $0xffff, v1;
	s0 =	sor.u32 s16, s9  }
0xd2: {  	s10 =	sand.u32 $0x3C00, s29;
	s14 =	sadd.s32 $0x50, s15;
	v1 =	vld [tilespmem:s0+$0x0]  }
0xd3: {  	s13 =	sand.u32 $0x70, s18;
	s15 =	sshll.u32 s14, $0x3;
	s9 =	sadd.s32 s12, s10  }
0xd4: {  	v2 =	vld [tilespmem:s17+$0x0];
	s12 =	sand.u32 $0x3C00, s15;
	s9 =	sor.u32 s13, s9  }
0xd5: {  	s29 =	sadd.s32 s21, s12;
	[tilespmem:s1+$0xC000] =	vst.add.f32.msk $0xffff, v0;
	s18 =	sor.u32 s20, s9;
	s20 =	sand.u32 $0x70, s14  }
0xd6: {  	v0 =	vld [tilespmem:s18+$0x0];
	s9 =	sor.u32 s20, s29  }
0xd7: {  	s9 =	sor.u32 s16, s9;
	[tilespmem:s0+$0xC000] =	vst.add.f32.msk $0xffff, v1  }
0xd8: {  	v1 =	vld [tilespmem:s9+$0x0]  }
0xd9: {  	s12 =	simm.s32 $0x0  }
0xda: {  	s14 =	sand.u32 $0x7, s12  }
0xdb: {  	[tilespmem:s17+$0xC000] =	vst.add.f32.msk $0xffff, v2;
	s0 =	smul.u32 $0x300, s14  }
0xdc: {  	s10 =	sadd.s32 $0xC0000, s3;
	s15 =	simm.s32 $0x0;
	s21 =	smul.u32 $0x60, s14;
	[tilespmem:s18+$0xC000] =	vst.add.f32.msk $0xffff, v0  }
0xdd: {  	s13 =	simm.s32 $0xC000;
	s18 =	smul.u32 $0x1800, s15;
	s0 =	sand.u32 $0x1C00, s0;
	[tilespmem:s9+$0xC000] =	vst.add.f32.msk $0xffff, v1  }
0xde: {  	[hbm4b:s10+s12] =	stream.linear.scatter [tilespmem:s13], [sflag:$0xD], $0x3000, $0x38;
	[tilespmem:$0x1E000] =	vst v63  }
0xdf: {  	s16 =	sand.u32 $0x60, s21;
	s0 =	sadd.s32 s18, s0;
	_ =	swait.ge [sflag:s25], $0x3000  }
0xe0: {  	s17 =	sand.u32 $0x380, s12;
	s0 =	sor.u32 s0, s16;
	[sflag:s25] =	ssyncset.done $0x0  }
0xe1: {  	s0 =	sor.u32 s17, s0;
	[sflag:s25] =	ssyncadd.s32 $0xFFFFD000  }
0xe2: {  	v0 =	vld [tilespmem:s0+$0x0]  }
0xe3: {  	s20 =	sadd.s32 $0x20, s21;
	v1 =	vld [tilespmem:s0+$0x10]  }
0xe4: {  	s29 =	sshll.u32 s20, $0x3  }
0xe5: {  	s9 =	sand.u32 $0x3C00, s29  }
0xe6: {  	s1 =	sand.u32 $0x60, s20;
	s9 =	sadd.s32 s18, s9  }
0xe7: {  	s1 =	sor.u32 s1, s9;
	[tilespmem:s0+$0x12000] =	vst.add.f32.msk $0xffff, v0  }
0xe8: {  	[tilespmem:s0+$0x12010] =	vst.add.f32.msk $0xffff, v1;
	s0 =	sor.u32 s17, s1  }
0xe9: {  	s14 =	sadd.s32 $0x30, s21;
	s10 =	simm.s32 $0x1;
	v0 =	vld [tilespmem:s0+$0x0]  }
0xea: {  	s28 =	simm.s32 $0x0;
	s15 =	sshll.u32 s14, $0x3;
	s12 =	sand.u32 $0x7, s10  }
0xeb: {  	s16 =	simm.s32 $0x0;
	s10 =	sand.u32 $0x3C00, s15;
	s13 =	smul.u32 $0x60, s12  }
0xec: {  	s9 =	sand.u32 $0x70, s14;
	s10 =	sadd.s32 s18, s10;
	s1 =	smul.u32 $0x300, s12  }
0xed: {  	s20 =	simm.s32 $0x10;
	s9 =	sor.u32 s9, s10;
	s12 =	smul.u32 $0x1800, s16  }
0xee: {  	s20 =	sand.u32 $0x380, s20;
	s1 =	sand.u32 $0x1C00, s1;
	[tilespmem:s0+$0x12000] =	vst.add.f32.msk $0xffff, v0;
	s0 =	sor.u32 s17, s9  }
0xef: {  	s29 =	sand.u32 $0x60, s13;
	s1 =	sadd.s32 s12, s1;
	s9 =	sadd.s32 $0x40, s21;
	v0 =	vld [tilespmem:s0+$0x0]  }
0xf0: {  	s10 =	simm.s32 $0x2;
	s1 =	sor.u32 s1, s29;
	s15 =	sshll.u32 s9, $0x3  }
0xf1: {  	s10 =	sand.u32 $0x7, s10;
	s1 =	sor.u32 s20, s1;
	s14 =	sand.u32 $0x3C00, s15  }
0xf2: {  	s29 =	sadd.s32 $0x20, s13;
	v1 =	vld [tilespmem:s1+$0x0];
	s9 =	sand.u32 $0x60, s9;
	s14 =	sadd.s32 s18, s14  }
0xf3: {  	s16 =	simm.s32 $0x20;
	s30 =	sshll.u32 s29, $0x3;
	v2 =	vld [tilespmem:s1+$0x10];
	s9 =	sor.u32 s9, s14  }
0xf4: {  	s15 =	smul.u32 $0x60, s10;
	s14 =	sand.u32 $0x3C00, s30;
	[tilespmem:s0+$0x12000] =	vst.add.f32.msk $0xffff, v0;
	s0 =	sor.u32 s17, s9  }
0xf5: {  	s14 =	sadd.s32 s12, s14;
	s9 =	sand.u32 $0x60, s29;
	s29 =	sadd.s32 $0x50, s21;
	v3 =	vld [tilespmem:s0+$0x0]  }
0xf6: {  	s10 =	smul.u32 $0x300, s10;
	s9 =	sor.u32 s9, s14;
	s14 =	sshll.u32 s29, $0x3  }
0xf7: {  	[tilespmem:s1+$0x12000] =	vst.add.f32.msk $0xffff, v1;
	s21 =	smul.u32 $0x1800, s28;
	s28 =	sor.u32 s20, s9;
	s9 =	sand.u32 $0x3C00, s14  }
0xf8: {  	s30 =	sadd.s32 $0x30, s13;
	[tilespmem:s1+$0x12010] =	vst.add.f32.msk $0xffff, v2;
	s14 =	sand.u32 $0x70, s29;
	s9 =	sadd.s32 s18, s9  }
0xf9: {  	s1 =	sand.u32 $0x1C00, s10;
	s29 =	sshll.u32 s30, $0x3;
	v0 =	vld [tilespmem:s28+$0x0];
	s9 =	sor.u32 s14, s9  }
0xfa: {  	s18 =	simm.s32 $0x3;
	s31 =	sand.u32 $0x3C00, s29;
	s17 =	sor.u32 s17, s9;
	[tilespmem:s0+$0x12000] =	vst.add.f32.msk $0xffff, v3  }
.LBB2_7:
0xfb: {  	p0 =	sne.s32 s18, $0x7F;
	s0 =	sand.u32 $0x70, s30;
	s9 =	sadd.s32 s12, s31  }
0xfc: {  	v1 =	vld [tilespmem:s17+$0x0];
	s29 =	smov.u32 s20;
	s10 =	smov.u32 s13;
	s13 =	smov.u32 s15  }
0xfd: {  	s1 =	sadd.s32 s21, s1;
	s14 =	sand.u32 $0x60, s13;
	s0 =	sor.u32 s0, s9  }
0xfe: {  	s20 =	sand.u32 $0x380, s16;
	s1 =	sor.u32 s1, s14;
	[tilespmem:s28+$0x12000] =	vst.add.f32.msk $0xffff, v0;
	s0 =	sor.u32 s29, s0  }
0xff: {  	s9 =	sadd.s32 $0x40, s10;
	s14 =	smov.u32 s12;
	s1 =	sor.u32 s20, s1;
	v0 =	vld [tilespmem:s0+$0x0]  }
0x100: {  	s16 =	sadd.s32 $0x10, s16;
	s15 =	sshll.u32 s9, $0x3;
	s12 =	smov.u32 s21;
	v2 =	vld [tilespmem:s1+$0x0]  }
0x101: {  	s10 =	sadd.s32 $0x50, s10;
	s21 =	sshrl.u32 s18, $0x6;
	s15 =	sand.u32 $0x3C00, s15;
	[tilespmem:s17+$0x12000] =	vst.add.f32.msk $0xffff, v1  }
0x102: {  	s9 =	sand.u32 $0x60, s9;
	s15 =	sadd.s32 s14, s15;
	s17 =	sadd.s32 $0x20, s13;
	v1 =	vld [tilespmem:s1+$0x10]  }
0x103: {  	s28 =	sand.u32 $0x7, s18;
	s9 =	sor.u32 s9, s15;
	s30 =	sshll.u32 s17, $0x3  }
0x104: {  	s15 =	smul.u32 $0x60, s28;
	s30 =	sand.u32 $0x3C00, s30;
	[tilespmem:s0+$0x12000] =	vst.add.f32.msk $0xffff, v0;
	s0 =	sor.u32 s29, s9  }
0x105: {  	s21 =	smul.u32 $0x1800, s21;
	s9 =	sand.u32 $0x60, s17;
	s17 =	sadd.s32 s12, s30;
	v3 =	vld [tilespmem:s0+$0x0]  }
.Ltmp2:
0x106: {  	s9 =	sor.u32 s9, s17;
	s17 =	sshll.u32 s10, $0x3;
	[tilespmem:s1+$0x12000] =	vst.add.f32.msk $0xffff, v2;
	(pc) =	sbr.rel @p0 .LBB2_7-.Ltmp2, $4  }
0x107: {  	s31 =	smul.u32 $0x300, s28;
	s28 =	sor.u32 s20, s9;
	[tilespmem:s1+$0x12010] =	vst.add.f32.msk $0xffff, v1;
	s1 =	sand.u32 $0x3C00, s17  }
0x108: {  	s30 =	sadd.s32 $0x30, s13;
	s9 =	sand.u32 $0x70, s10;
	v0 =	vld [tilespmem:s28+$0x0];
	s10 =	sadd.s32 s14, s1  }
0x109: {  	s1 =	sand.u32 $0x1C00, s31;
	s14 =	sshll.u32 s30, $0x3;
	s9 =	sor.u32 s9, s10  }
0x10a: {  	s18 =	sadd.s32 $0x1, s18;
	s31 =	sand.u32 $0x3C00, s14;
	[tilespmem:s0+$0x12000] =	vst.add.f32.msk $0xffff, v3;
	s17 =	sor.u32 s29, s9  }
0x10b: {  	s0 =	sand.u32 $0x60, s15;
	s1 =	sadd.s32 s21, s1  }
0x10c: {  	s16 =	sand.u32 $0x380, s16;
	s0 =	sor.u32 s1, s0  }
0x10d: {  	s0 =	sor.u32 s16, s0  }
0x10e: {  	v1 =	vld [tilespmem:s0+$0x0]  }
0x10f: {  	s18 =	sadd.s32 $0x20, s15;
	v2 =	vld [tilespmem:s0+$0x10]  }
0x110: {  	s9 =	sshll.u32 s18, $0x3  }
0x111: {  	s9 =	sand.u32 $0x3C00, s9  }
0x112: {  	s1 =	sand.u32 $0x60, s18;
	s9 =	sadd.s32 s21, s9  }
0x113: {  	s1 =	sor.u32 s1, s9;
	[tilespmem:s0+$0x12000] =	vst.add.f32.msk $0xffff, v1  }
0x114: {  	[tilespmem:s0+$0x12010] =	vst.add.f32.msk $0xffff, v2;
	s0 =	sor.u32 s16, s1  }
0x115: {  	s1 =	sadd.s32 $0x30, s15;
	v1 =	vld [tilespmem:s0+$0x0]  }
0x116: {  	s29 =	sand.u32 $0x70, s30;
	s10 =	sadd.s32 s12, s31;
	s14 =	sshll.u32 s1, $0x3  }
0x117: {  	s9 =	sor.u32 s29, s10;
	s18 =	sand.u32 $0x3C00, s14  }
0x118: {  	[tilespmem:s28+$0x12000] =	vst.add.f32.msk $0xffff, v0;
	s9 =	sor.u32 s20, s9;
	s1 =	sand.u32 $0x70, s1;
	s10 =	sadd.s32 s21, s18  }
0x119: {  	v0 =	vld [tilespmem:s9+$0x0];
	s14 =	sadd.s32 $0x40, s13;
	s1 =	sor.u32 s1, s10  }
0x11a: {  	s29 =	sshll.u32 s14, $0x3;
	[tilespmem:s0+$0x12000] =	vst.add.f32.msk $0xffff, v1;
	s0 =	sor.u32 s16, s1  }
0x11b: {  	s18 =	sand.u32 $0x3C00, s29;
	s10 =	sadd.s32 $0x40, s15;
	v1 =	vld [tilespmem:s0+$0x0]  }
0x11c: {  	s14 =	sand.u32 $0x60, s14;
	s1 =	sadd.s32 s12, s18;
	s18 =	sshll.u32 s10, $0x3  }
0x11d: {  	s1 =	sor.u32 s14, s1;
	s29 =	sand.u32 $0x3C00, s18  }
0x11e: {  	[tilespmem:s9+$0x12000] =	vst.add.f32.msk $0xffff, v0;
	s10 =	sand.u32 $0x60, s10;
	s1 =	sor.u32 s20, s1;
	s14 =	sadd.s32 s21, s29  }
0x11f: {  	s18 =	sadd.s32 $0x50, s13;
	v0 =	vld [tilespmem:s1+$0x0];
	s9 =	sor.u32 s10, s14  }
0x120: {  	s29 =	sshll.u32 s18, $0x3;
	[tilespmem:s0+$0x12000] =	vst.add.f32.msk $0xffff, v1;
	s0 =	sor.u32 s16, s9  }
0x121: {  	s10 =	sand.u32 $0x3C00, s29;
	s14 =	sadd.s32 $0x50, s15;
	v1 =	vld [tilespmem:s0+$0x0]  }
0x122: {  	s13 =	sand.u32 $0x70, s18;
	s15 =	sshll.u32 s14, $0x3;
	s9 =	sadd.s32 s12, s10  }
0x123: {  	v2 =	vld [tilespmem:s17+$0x0];
	s12 =	sand.u32 $0x3C00, s15;
	s9 =	sor.u32 s13, s9  }
0x124: {  	s29 =	sadd.s32 s21, s12;
	[tilespmem:s1+$0x12000] =	vst.add.f32.msk $0xffff, v0;
	s18 =	sor.u32 s20, s9;
	s20 =	sand.u32 $0x70, s14  }
0x125: {  	v0 =	vld [tilespmem:s18+$0x0];
	s9 =	sor.u32 s20, s29  }
0x126: {  	s9 =	sor.u32 s16, s9;
	[tilespmem:s0+$0x12000] =	vst.add.f32.msk $0xffff, v1  }
0x127: {  	v1 =	vld [tilespmem:s9+$0x0]  }
0x128: {  	s12 =	simm.s32 $0x0  }
0x129: {  	s14 =	sand.u32 $0x7, s12  }
0x12a: {  	[tilespmem:s17+$0x12000] =	vst.add.f32.msk $0xffff, v2;
	s0 =	smul.u32 $0x300, s14  }
0x12b: {  	s10 =	sadd.s32 $0x180000, s3;
	s15 =	simm.s32 $0x0;
	s21 =	smul.u32 $0x60, s14;
	[tilespmem:s18+$0x12000] =	vst.add.f32.msk $0xffff, v0  }
0x12c: {  	s13 =	simm.s32 $0x12000;
	s18 =	smul.u32 $0x1800, s15;
	s0 =	sand.u32 $0x1C00, s0;
	[tilespmem:s9+$0x12000] =	vst.add.f32.msk $0xffff, v1  }
0x12d: {  	[hbm4b:s10+s12] =	stream.linear.scatter [tilespmem:s13], [sflag:$0xF], $0x3000, $0x38;
	[tilespmem:$0x1E000] =	vst v63  }
0x12e: {  	s16 =	sand.u32 $0x60, s21;
	s0 =	sadd.s32 s18, s0;
	_ =	swait.ge [sflag:s26], $0x3000  }
0x12f: {  	s17 =	sand.u32 $0x380, s12;
	s0 =	sor.u32 s0, s16;
	[sflag:s26] =	ssyncset.done $0x0  }
0x130: {  	s0 =	sor.u32 s17, s0;
	[sflag:s26] =	ssyncadd.s32 $0xFFFFD000  }
0x131: {  	v0 =	vld [tilespmem:s0+$0x0]  }
0x132: {  	s20 =	sadd.s32 $0x20, s21;
	v1 =	vld [tilespmem:s0+$0x10]  }
0x133: {  	s29 =	sshll.u32 s20, $0x3  }
0x134: {  	s9 =	sand.u32 $0x3C00, s29  }
0x135: {  	s1 =	sand.u32 $0x60, s20;
	s9 =	sadd.s32 s18, s9  }
0x136: {  	s1 =	sor.u32 s1, s9;
	[tilespmem:s0+$0x18000] =	vst.add.f32.msk $0xffff, v0  }
0x137: {  	[tilespmem:s0+$0x18010] =	vst.add.f32.msk $0xffff, v1;
	s0 =	sor.u32 s17, s1  }
0x138: {  	s14 =	sadd.s32 $0x30, s21;
	s10 =	simm.s32 $0x1;
	v0 =	vld [tilespmem:s0+$0x0]  }
0x139: {  	s28 =	simm.s32 $0x0;
	s15 =	sshll.u32 s14, $0x3;
	s12 =	sand.u32 $0x7, s10  }
0x13a: {  	s16 =	simm.s32 $0x0;
	s10 =	sand.u32 $0x3C00, s15;
	s13 =	smul.u32 $0x60, s12  }
0x13b: {  	s9 =	sand.u32 $0x70, s14;
	s10 =	sadd.s32 s18, s10;
	s1 =	smul.u32 $0x300, s12  }
0x13c: {  	s20 =	simm.s32 $0x10;
	s9 =	sor.u32 s9, s10;
	s12 =	smul.u32 $0x1800, s16  }
0x13d: {  	s20 =	sand.u32 $0x380, s20;
	s1 =	sand.u32 $0x1C00, s1;
	[tilespmem:s0+$0x18000] =	vst.add.f32.msk $0xffff, v0;
	s0 =	sor.u32 s17, s9  }
0x13e: {  	s29 =	sand.u32 $0x60, s13;
	s1 =	sadd.s32 s12, s1;
	s9 =	sadd.s32 $0x40, s21;
	v0 =	vld [tilespmem:s0+$0x0]  }
0x13f: {  	s10 =	simm.s32 $0x2;
	s1 =	sor.u32 s1, s29;
	s15 =	sshll.u32 s9, $0x3  }
0x140: {  	s10 =	sand.u32 $0x7, s10;
	s1 =	sor.u32 s20, s1;
	s14 =	sand.u32 $0x3C00, s15  }
0x141: {  	s29 =	sadd.s32 $0x20, s13;
	v1 =	vld [tilespmem:s1+$0x0];
	s9 =	sand.u32 $0x60, s9;
	s14 =	sadd.s32 s18, s14  }
0x142: {  	s16 =	simm.s32 $0x20;
	s30 =	sshll.u32 s29, $0x3;
	v2 =	vld [tilespmem:s1+$0x10];
	s9 =	sor.u32 s9, s14  }
0x143: {  	s15 =	smul.u32 $0x60, s10;
	s14 =	sand.u32 $0x3C00, s30;
	[tilespmem:s0+$0x18000] =	vst.add.f32.msk $0xffff, v0;
	s0 =	sor.u32 s17, s9  }
0x144: {  	s14 =	sadd.s32 s12, s14;
	s9 =	sand.u32 $0x60, s29;
	s29 =	sadd.s32 $0x50, s21;
	v3 =	vld [tilespmem:s0+$0x0]  }
0x145: {  	s10 =	smul.u32 $0x300, s10;
	s9 =	sor.u32 s9, s14;
	s14 =	sshll.u32 s29, $0x3  }
0x146: {  	[tilespmem:s1+$0x18000] =	vst.add.f32.msk $0xffff, v1;
	s21 =	smul.u32 $0x1800, s28;
	s28 =	sor.u32 s20, s9;
	s9 =	sand.u32 $0x3C00, s14  }
0x147: {  	s30 =	sadd.s32 $0x30, s13;
	[tilespmem:s1+$0x18010] =	vst.add.f32.msk $0xffff, v2;
	s14 =	sand.u32 $0x70, s29;
	s9 =	sadd.s32 s18, s9  }
0x148: {  	s1 =	sand.u32 $0x1C00, s10;
	s29 =	sshll.u32 s30, $0x3;
	v0 =	vld [tilespmem:s28+$0x0];
	s9 =	sor.u32 s14, s9  }
0x149: {  	s18 =	simm.s32 $0x3;
	s31 =	sand.u32 $0x3C00, s29;
	s17 =	sor.u32 s17, s9;
	[tilespmem:s0+$0x18000] =	vst.add.f32.msk $0xffff, v3  }
.LBB2_9:
0x14a: {  	p0 =	sne.s32 s18, $0x7F;
	s0 =	sand.u32 $0x70, s30;
	s9 =	sadd.s32 s12, s31  }
0x14b: {  	v1 =	vld [tilespmem:s17+$0x0];
	s29 =	smov.u32 s20;
	s10 =	smov.u32 s13;
	s13 =	smov.u32 s15  }
0x14c: {  	s1 =	sadd.s32 s21, s1;
	s14 =	sand.u32 $0x60, s13;
	s0 =	sor.u32 s0, s9  }
0x14d: {  	s20 =	sand.u32 $0x380, s16;
	s1 =	sor.u32 s1, s14;
	[tilespmem:s28+$0x18000] =	vst.add.f32.msk $0xffff, v0;
	s0 =	sor.u32 s29, s0  }
0x14e: {  	s9 =	sadd.s32 $0x40, s10;
	s14 =	smov.u32 s12;
	s1 =	sor.u32 s20, s1;
	v0 =	vld [tilespmem:s0+$0x0]  }
0x14f: {  	s16 =	sadd.s32 $0x10, s16;
	s15 =	sshll.u32 s9, $0x3;
	s12 =	smov.u32 s21;
	v2 =	vld [tilespmem:s1+$0x0]  }
0x150: {  	s10 =	sadd.s32 $0x50, s10;
	s21 =	sshrl.u32 s18, $0x6;
	s15 =	sand.u32 $0x3C00, s15;
	[tilespmem:s17+$0x18000] =	vst.add.f32.msk $0xffff, v1  }
0x151: {  	s9 =	sand.u32 $0x60, s9;
	s15 =	sadd.s32 s14, s15;
	s17 =	sadd.s32 $0x20, s13;
	v1 =	vld [tilespmem:s1+$0x10]  }
0x152: {  	s28 =	sand.u32 $0x7, s18;
	s9 =	sor.u32 s9, s15;
	s30 =	sshll.u32 s17, $0x3  }
0x153: {  	s15 =	smul.u32 $0x60, s28;
	s30 =	sand.u32 $0x3C00, s30;
	[tilespmem:s0+$0x18000] =	vst.add.f32.msk $0xffff, v0;
	s0 =	sor.u32 s29, s9  }
0x154: {  	s21 =	smul.u32 $0x1800, s21;
	s9 =	sand.u32 $0x60, s17;
	s17 =	sadd.s32 s12, s30;
	v3 =	vld [tilespmem:s0+$0x0]  }
.Ltmp3:
0x155: {  	s9 =	sor.u32 s9, s17;
	s17 =	sshll.u32 s10, $0x3;
	[tilespmem:s1+$0x18000] =	vst.add.f32.msk $0xffff, v2;
	(pc) =	sbr.rel @p0 .LBB2_9-.Ltmp3, $4  }
0x156: {  	s31 =	smul.u32 $0x300, s28;
	s28 =	sor.u32 s20, s9;
	[tilespmem:s1+$0x18010] =	vst.add.f32.msk $0xffff, v1;
	s1 =	sand.u32 $0x3C00, s17  }
0x157: {  	s30 =	sadd.s32 $0x30, s13;
	s9 =	sand.u32 $0x70, s10;
	v0 =	vld [tilespmem:s28+$0x0];
	s10 =	sadd.s32 s14, s1  }
0x158: {  	s1 =	sand.u32 $0x1C00, s31;
	s14 =	sshll.u32 s30, $0x3;
	s9 =	sor.u32 s9, s10  }
0x159: {  	s18 =	sadd.s32 $0x1, s18;
	s31 =	sand.u32 $0x3C00, s14;
	[tilespmem:s0+$0x18000] =	vst.add.f32.msk $0xffff, v3;
	s17 =	sor.u32 s29, s9  }
0x15a: {  	s0 =	sand.u32 $0x60, s15;
	s1 =	sadd.s32 s21, s1  }
0x15b: {  	s16 =	sand.u32 $0x380, s16;
	s0 =	sor.u32 s1, s0  }
0x15c: {  	s0 =	sor.u32 s16, s0  }
0x15d: {  	v1 =	vld [tilespmem:s0+$0x0]  }
0x15e: {  	s14 =	sadd.s32 $0x20, s15;
	v2 =	vld [tilespmem:s0+$0x10]  }
0x15f: {  	s9 =	sshll.u32 s14, $0x3  }
0x160: {  	s9 =	sand.u32 $0x3C00, s9  }
0x161: {  	s1 =	sand.u32 $0x60, s14;
	s9 =	sadd.s32 s21, s9  }
0x162: {  	s1 =	sor.u32 s1, s9;
	[tilespmem:s0+$0x18000] =	vst.add.f32.msk $0xffff, v1  }
0x163: {  	[tilespmem:s0+$0x18010] =	vst.add.f32.msk $0xffff, v2;
	s0 =	sor.u32 s16, s1  }
0x164: {  	s1 =	sadd.s32 $0x30, s15;
	v1 =	vld [tilespmem:s0+$0x0]  }
0x165: {  	s18 =	sand.u32 $0x70, s30;
	s10 =	sadd.s32 s12, s31;
	s14 =	sshll.u32 s1, $0x3  }
0x166: {  	s9 =	sor.u32 s18, s10;
	s18 =	sand.u32 $0x3C00, s14  }
0x167: {  	[tilespmem:s28+$0x18000] =	vst.add.f32.msk $0xffff, v0;
	s9 =	sor.u32 s20, s9;
	s1 =	sand.u32 $0x70, s1;
	s10 =	sadd.s32 s21, s18  }
0x168: {  	v0 =	vld [tilespmem:s9+$0x0];
	s14 =	sadd.s32 $0x40, s13;
	s1 =	sor.u32 s1, s10  }
0x169: {  	s31 =	sshll.u32 s14, $0x3;
	[tilespmem:s0+$0x18000] =	vst.add.f32.msk $0xffff, v1;
	s0 =	sor.u32 s16, s1  }
0x16a: {  	s18 =	sand.u32 $0x3C00, s31;
	s10 =	sadd.s32 $0x40, s15;
	v1 =	vld [tilespmem:s0+$0x0]  }
0x16b: {  	s14 =	sand.u32 $0x60, s14;
	s1 =	sadd.s32 s12, s18;
	s18 =	sshll.u32 s10, $0x3  }
0x16c: {  	v2 =	vld [tilespmem:s17+$0x0];
	s1 =	sor.u32 s14, s1;
	s31 =	sand.u32 $0x3C00, s18  }
0x16d: {  	[tilespmem:s9+$0x18000] =	vst.add.f32.msk $0xffff, v0;
	s10 =	sand.u32 $0x60, s10;
	s1 =	sor.u32 s20, s1;
	s14 =	sadd.s32 s21, s31  }
0x16e: {  	s18 =	sadd.s32 $0x50, s13;
	v0 =	vld [tilespmem:s1+$0x0];
	s9 =	sor.u32 s10, s14  }
0x16f: {  	s31 =	sshll.u32 s18, $0x3;
	[tilespmem:s0+$0x18000] =	vst.add.f32.msk $0xffff, v1;
	s0 =	sor.u32 s16, s9  }
0x170: {  	s10 =	sand.u32 $0x3C00, s31;
	s14 =	sadd.s32 $0x50, s15;
	v1 =	vld [tilespmem:s0+$0x0]  }
0x171: {  	s13 =	sand.u32 $0x70, s18;
	s15 =	sshll.u32 s14, $0x3;
	s9 =	sadd.s32 s12, s10  }
0x172: {  	[tilespmem:s17+$0x18000] =	vst.add.f32.msk $0xffff, v2;
	s12 =	sand.u32 $0x3C00, s15;
	s9 =	sor.u32 s13, s9  }
0x173: {  	s31 =	sadd.s32 s21, s12;
	[tilespmem:s1+$0x18000] =	vst.add.f32.msk $0xffff, v0;
	s18 =	sor.u32 s20, s9;
	s20 =	sand.u32 $0x70, s14  }
0x174: {  	v0 =	vld [tilespmem:s18+$0x0];
	s9 =	sor.u32 s20, s31  }
0x175: {  	s4 =	smin.u32 s4, $0xD;
	s10 =	sor.u32 s16, s9;
	[tilespmem:s0+$0x18000] =	vst.add.f32.msk $0xffff, v1  }
0x176: {  	s4 =	sshll.u32 s4, $0x4;
	v1 =	vld [tilespmem:s10+$0x0];
	s12 =	rddreg [dreg:$0xb]  }
0x177: {  	s4 =	sadd.s32 s4, s12  }
0x178: {  	s13 =	sshrl.u32 s4, $0x3  }
0x179: {  	s1 =	smul.u32 $0x1800, s13  }
0x17a: {  	s15 =	simm.s32 $0x18000;
	[tilespmem:s18+$0x18000] =	vst.add.f32.msk $0xffff, v0  }
0x17b: {  	s14 =	sadd.s32 $0x240000, s3;
	s3 =	simm.s32 $0x0;
	[tilespmem:s10+$0x18000] =	vst.add.f32.msk $0xffff, v1;
	s16 =	sshrl.u32 s1, $0x3  }
0x17c: {  	[hbm4b:s14+s3] =	stream.linear.scatter [tilespmem:s15], [sflag:$0x11], $0x3000, $0x38;
	[tilespmem:$0x1E000] =	vst v63  }
0x17d: {  	s17 =	simm.s32 $0xB;
	s1 =	sadd.s32 s22, s16  }
0x17e: {  	[tilespmem:s3], [sflag:$0x1] =	stream.linear.gather [hbm4b:s1+s3], $0x3000, $0x38;
	[tilespmem:$0x1E000] =	vst v63  }
0x17f: {  	_ =	swait.ge [sflag:s17], $0x3000  }
0x180: {  	s20 =	simm.s32 $0xD;
	[sflag:s17] =	ssyncset.done $0x0  }
0x181: {  	s18 =	simm.s32 $0x6000;
	s0 =	sadd.s32 s2, s16;
	[sflag:s17] =	ssyncadd.s32 $0xFFFFD000  }
0x182: {  	[tilespmem:s18], [sflag:$0x3] =	stream.linear.gather [hbm4b:s0+s3], $0x3000, $0x38;
	[tilespmem:$0x1E000] =	vst v63  }
0x183: {  	_ =	swait.ge [sflag:s20], $0x3000  }
0x184: {  	s30 =	smov.u32 s22;
	s31 =	simm.s32 $0xF;
	[sflag:s20] =	ssyncset.done $0x0  }
0x185: {  	s22 =	simm.s32 $0xC000;
	s21 =	sadd.s32 $0xC0000, s0;
	[sflag:s20] =	ssyncadd.s32 $0xFFFFD000  }
0x186: {  	[tilespmem:s22], [sflag:$0x5] =	stream.linear.gather [hbm4b:s21+s3], $0x3000, $0x38;
	[tilespmem:$0x1E000] =	vst v63  }
0x187: {  	_ =	swait.ge [sflag:s31], $0x3000  }
0x188: {  	s12 =	simm.s32 $0x11;
	[sflag:s31] =	ssyncset.done $0x0  }
0x189: {  	s10 =	simm.s32 $0x12000;
	s4 =	sadd.s32 $0x180000, s0;
	[sflag:s31] =	ssyncadd.s32 $0xFFFFD000  }
0x18a: {  	[tilespmem:s10], [sflag:$0x7] =	stream.linear.gather [hbm4b:s4+s3], $0x3000, $0x38;
	[tilespmem:$0x1E000] =	vst v63  }
0x18b: {  	_ =	swait.ge [sflag:s12], $0x3000  }
0x18c: {  	[sflag:s12] =	ssyncset.done $0x0  }
0x18d: {  	s13 =	sand.u32 $0x7, s3;
	s0 =	sadd.s32 $0x240000, s0;
	[sflag:s12] =	ssyncadd.s32 $0xFFFFD000  }
0x18e: {  	[tilespmem:s15], [sflag:$0x9] =	stream.linear.gather [hbm4b:s0+s3], $0x3000, $0x38;
	[tilespmem:$0x1E000] =	vst v63  }
0x18f: {  	s14 =	simm.s32 $0x2;
	s15 =	smul.u32 $0x60, s13  }
0x190: {  	s16 =	simm.s32 $0x0;
	s0 =	smul.u32 $0x300, s13;
	_ =	swait.ge [sflag:s14], $0x3000  }
0x191: {  	s13 =	smul.u32 $0x1800, s16;
	[sflag:s14] =	ssyncset.done $0x0  }
0x192: {  	s17 =	simm.s32 $0x4;
	s0 =	sand.u32 $0x1C00, s0;
	[sflag:s14] =	ssyncadd.s32 $0xFFFFD000  }
0x193: {  	s18 =	sand.u32 $0x60, s15;
	s0 =	sadd.s32 s13, s0;
	_ =	swait.ge [sflag:s17], $0x3000  }
0x194: {  	s16 =	sand.u32 $0x380, s3;
	s0 =	sor.u32 s0, s18;
	[sflag:s17] =	ssyncset.done $0x0  }
0x195: {  	s0 =	sor.u32 s16, s0;
	[sflag:s17] =	ssyncadd.s32 $0xFFFFD000  }
0x196: {  	v0 =	vld [tilespmem:s0+$0x3000]  }
0x197: {  	s20 =	sadd.s32 $0x20, s15;
	v1 =	vld [tilespmem:s0+$0x3010]  }
0x198: {  	s21 =	sshll.u32 s20, $0x3  }
0x199: {  	s3 =	sand.u32 $0x3C00, s21  }
0x19a: {  	s1 =	sand.u32 $0x60, s20;
	s3 =	sadd.s32 s13, s3  }
0x19b: {  	s1 =	sor.u32 s1, s3;
	[tilespmem:s0+$0x9000] =	vst.add.f32.msk $0xffff, v0  }
0x19c: {  	s31 =	sor.u32 s16, s1;
	[tilespmem:s0+$0x9010] =	vst.add.f32.msk $0xffff, v1  }
0x19d: {  	s10 =	simm.s32 $0x1;
	s12 =	sadd.s32 $0x30, s15;
	v0 =	vld [tilespmem:s31+$0x3000]  }
0x19e: {  	s14 =	sshll.u32 s12, $0x3;
	s1 =	sand.u32 $0x7, s10  }
0x19f: {  	s9 =	sand.u32 $0x3C00, s14;
	s18 =	sand.u32 $0x70, s12;
	s4 =	smul.u32 $0x60, s1  }
0x1a0: {  	s9 =	sadd.s32 s13, s9;
	s17 =	simm.s32 $0x0;
	s1 =	smul.u32 $0x300, s1  }
0x1a1: {  	s9 =	sor.u32 s18, s9;
	s3 =	smul.u32 $0x1800, s17  }
0x1a2: {  	s20 =	simm.s32 $0x10;
	s1 =	sand.u32 $0x1C00, s1;
	s0 =	sor.u32 s16, s9;
	[tilespmem:s31+$0x9000] =	vst.add.f32.msk $0xffff, v0  }
0x1a3: {  	s21 =	sand.u32 $0x60, s4;
	s1 =	sadd.s32 s3, s1;
	s31 =	sadd.s32 $0x40, s15;
	v0 =	vld [tilespmem:s0+$0x3000]  }
0x1a4: {  	s12 =	sand.u32 $0x380, s20;
	s1 =	sor.u32 s1, s21;
	s10 =	sshll.u32 s31, $0x3  }
0x1a5: {  	s1 =	sor.u32 s12, s1;
	s9 =	sand.u32 $0x3C00, s10  }
0x1a6: {  	v1 =	vld [tilespmem:s1+$0x3000];
	s14 =	sand.u32 $0x60, s31;
	s9 =	sadd.s32 s13, s9  }
0x1a7: {  	s22 =	simm.s32 $0x18000;
	v2 =	vld [tilespmem:s1+$0x3010];
	s9 =	sor.u32 s14, s9  }
0x1a8: {  	s18 =	simm.s32 $0x0;
	s21 =	sadd.s32 $0x50, s15;
	[tilespmem:s0+$0x9000] =	vst.add.f32.msk $0xffff, v0;
	s0 =	sor.u32 s16, s9  }
0x1a9: {  	s17 =	simm.s32 $0x2;
	s15 =	sshll.u32 s21, $0x3;
	s31 =	sadd.s32 $0x20, s4;
	v0 =	vld [tilespmem:s0+$0x3000]  }
0x1aa: {  	s20 =	sshll.u32 s31, $0x3;
	s10 =	sand.u32 $0x7, s17;
	s17 =	sand.u32 $0x60, s31  }
0x1ab: {  	s31 =	sand.u32 $0x3C00, s15;
	s15 =	smul.u32 $0x60, s10;
	s14 =	sand.u32 $0x3C00, s20  }
0x1ac: {  	s28 =	sadd.s32 $0x30, s4;
	[tilespmem:s1+$0x9000] =	vst.add.f32.msk $0xffff, v1;
	s10 =	smul.u32 $0x300, s10;
	s14 =	sadd.s32 s3, s14  }
0x1ad: {  	[tilespmem:s1+$0x9010] =	vst.add.f32.msk $0xffff, v2;
	s20 =	sadd.s32 s13, s31;
	s13 =	smul.u32 $0x1800, s18;
	s14 =	sor.u32 s17, s14  }
0x1ae: {  	s31 =	sshll.u32 s28, $0x3;
	s9 =	sand.u32 $0x70, s21;
	s21 =	sor.u32 s12, s14;
	[tilespmem:s0+$0x9000] =	vst.add.f32.msk $0xffff, v0  }
0x1af: {  	s18 =	simm.s32 $0x3;
	s29 =	sand.u32 $0x1C00, s10;
	s20 =	sor.u32 s9, s20;
	v0 =	vld [tilespmem:s21+$0x3000]  }
0x1b0: {  	s1 =	sand.u32 $0x3C00, s31;
	s17 =	simm.s32 $0x20;
	s16 =	sor.u32 s16, s20  }
.LBB2_11:
0x1b1: {  	p0 =	sne.s32 s18, $0x7F;
	s0 =	sand.u32 $0x70, s28;
	s1 =	sadd.s32 s3, s1  }
0x1b2: {  	v1 =	vld [tilespmem:s16+$0x3000];
	s20 =	smov.u32 s12;
	s9 =	smov.u32 s4;
	s4 =	smov.u32 s15  }
0x1b3: {  	s14 =	sadd.s32 s13, s29;
	s10 =	sand.u32 $0x60, s4;
	s0 =	sor.u32 s0, s1  }
0x1b4: {  	s12 =	sand.u32 $0x380, s17;
	s1 =	sor.u32 s14, s10;
	[tilespmem:s21+$0x9000] =	vst.add.f32.msk $0xffff, v0;
	s0 =	sor.u32 s20, s0  }
0x1b5: {  	s10 =	sadd.s32 $0x40, s9;
	s14 =	smov.u32 s3;
	s1 =	sor.u32 s12, s1;
	v0 =	vld [tilespmem:s0+$0x3000]  }
0x1b6: {  	s17 =	sadd.s32 $0x10, s17;
	s3 =	smov.u32 s13;
	s15 =	sshll.u32 s10, $0x3;
	v2 =	vld [tilespmem:s1+$0x3000]  }
0x1b7: {  	s13 =	sshrl.u32 s18, $0x6;
	s21 =	sand.u32 $0x7, s18;
	s15 =	sand.u32 $0x3C00, s15;
	[tilespmem:s16+$0x9000] =	vst.add.f32.msk $0xffff, v1  }
0x1b8: {  	s10 =	sand.u32 $0x60, s10;
	s16 =	sadd.s32 $0x20, s4;
	s15 =	sadd.s32 s14, s15;
	v1 =	vld [tilespmem:s1+$0x3010]  }
0x1b9: {  	s9 =	sadd.s32 $0x50, s9;
	s28 =	sshll.u32 s16, $0x3;
	s10 =	sor.u32 s10, s15  }
0x1ba: {  	s15 =	smul.u32 $0x60, s21;
	s28 =	sand.u32 $0x3C00, s28;
	[tilespmem:s0+$0x9000] =	vst.add.f32.msk $0xffff, v0;
	s0 =	sor.u32 s20, s10  }
0x1bb: {  	s13 =	smul.u32 $0x1800, s13;
	s10 =	sand.u32 $0x60, s16;
	s16 =	sadd.s32 s3, s28;
	v3 =	vld [tilespmem:s0+$0x3000]  }
.Ltmp4:
0x1bc: {  	s10 =	sor.u32 s10, s16;
	s16 =	sshll.u32 s9, $0x3;
	[tilespmem:s1+$0x9000] =	vst.add.f32.msk $0xffff, v2;
	(pc) =	sbr.rel @p0 .LBB2_11-.Ltmp4, $4  }
0x1bd: {  	s29 =	smul.u32 $0x300, s21;
	s21 =	sor.u32 s12, s10;
	[tilespmem:s1+$0x9010] =	vst.add.f32.msk $0xffff, v1;
	s1 =	sand.u32 $0x3C00, s16  }
0x1be: {  	s28 =	sadd.s32 $0x30, s4;
	s9 =	sand.u32 $0x70, s9;
	v0 =	vld [tilespmem:s21+$0x3000];
	s1 =	sadd.s32 s14, s1  }
0x1bf: {  	s29 =	sand.u32 $0x1C00, s29;
	s10 =	sshll.u32 s28, $0x3;
	s9 =	sor.u32 s9, s1  }
0x1c0: {  	s18 =	sadd.s32 $0x1, s18;
	s1 =	sand.u32 $0x3C00, s10;
	[tilespmem:s0+$0x9000] =	vst.add.f32.msk $0xffff, v3;
	s16 =	sor.u32 s20, s9  }
0x1c1: {  	s0 =	sand.u32 $0x60, s15;
	s9 =	sadd.s32 s13, s29  }
0x1c2: {  	s17 =	sand.u32 $0x380, s17;
	s0 =	sor.u32 s9, s0  }
0x1c3: {  	s0 =	sor.u32 s17, s0  }
0x1c4: {  	v1 =	vld [tilespmem:s0+$0x3000]  }
0x1c5: {  	s20 =	sadd.s32 $0x20, s15;
	v2 =	vld [tilespmem:s0+$0x3010]  }
0x1c6: {  	s10 =	sshll.u32 s20, $0x3  }
0x1c7: {  	s10 =	sand.u32 $0x3C00, s10  }
0x1c8: {  	s9 =	sand.u32 $0x60, s20;
	s10 =	sadd.s32 s13, s10  }
0x1c9: {  	s9 =	sor.u32 s9, s10;
	[tilespmem:s0+$0x9000] =	vst.add.f32.msk $0xffff, v1  }
0x1ca: {  	[tilespmem:s0+$0x9010] =	vst.add.f32.msk $0xffff, v2;
	s0 =	sor.u32 s17, s9  }
0x1cb: {  	s31 =	sadd.s32 $0x30, s15;
	v1 =	vld [tilespmem:s0+$0x3000]  }
0x1cc: {  	s18 =	sand.u32 $0x70, s28;
	s1 =	sadd.s32 s3, s1;
	s14 =	sshll.u32 s31, $0x3  }
0x1cd: {  	s1 =	sor.u32 s18, s1;
	s20 =	sand.u32 $0x3C00, s14  }
0x1ce: {  	[tilespmem:s21+$0x9000] =	vst.add.f32.msk $0xffff, v0;
	s1 =	sor.u32 s12, s1;
	s10 =	sadd.s32 s13, s20;
	s9 =	sand.u32 $0x70, s31  }
0x1cf: {  	v0 =	vld [tilespmem:s1+$0x3000];
	s31 =	sadd.s32 $0x40, s4;
	s9 =	sor.u32 s9, s10  }
0x1d0: {  	s18 =	sshll.u32 s31, $0x3;
	[tilespmem:s0+$0x9000] =	vst.add.f32.msk $0xffff, v1;
	s0 =	sor.u32 s17, s9  }
0x1d1: {  	s21 =	sadd.s32 $0x40, s15;
	s20 =	sand.u32 $0x3C00, s18;
	v1 =	vld [tilespmem:s0+$0x3000]  }
0x1d2: {  	s14 =	sand.u32 $0x60, s31;
	s18 =	sshll.u32 s21, $0x3;
	s9 =	sadd.s32 s3, s20  }
0x1d3: {  	s31 =	sand.u32 $0x3C00, s18;
	s9 =	sor.u32 s14, s9  }
0x1d4: {  	[tilespmem:s1+$0x9000] =	vst.add.f32.msk $0xffff, v0;
	s18 =	sand.u32 $0x60, s21;
	s20 =	sadd.s32 s13, s31;
	s1 =	sor.u32 s12, s9  }
0x1d5: {  	s21 =	sadd.s32 $0x50, s4;
	s9 =	sor.u32 s18, s20;
	v0 =	vld [tilespmem:s1+$0x3000]  }
0x1d6: {  	s31 =	sshll.u32 s21, $0x3;
	[tilespmem:s0+$0x9000] =	vst.add.f32.msk $0xffff, v1;
	s0 =	sor.u32 s17, s9  }
0x1d7: {  	s10 =	sand.u32 $0x3C00, s31;
	s14 =	sadd.s32 $0x50, s15;
	v1 =	vld [tilespmem:s0+$0x3000]  }
0x1d8: {  	s4 =	sand.u32 $0x70, s21;
	s15 =	sadd.s32 s3, s10;
	s18 =	sshll.u32 s14, $0x3  }
0x1d9: {  	v2 =	vld [tilespmem:s16+$0x3000];
	s3 =	sor.u32 s4, s15;
	s20 =	sand.u32 $0x3C00, s18  }
0x1da: {  	s31 =	sand.u32 $0x70, s14;
	s21 =	sor.u32 s12, s3;
	s4 =	sadd.s32 s13, s20;
	[tilespmem:s1+$0x9000] =	vst.add.f32.msk $0xffff, v0  }
0x1db: {  	s3 =	sor.u32 s31, s4;
	v0 =	vld [tilespmem:s21+$0x3000]  }
0x1dc: {  	s9 =	sor.u32 s17, s3;
	[tilespmem:s0+$0x9000] =	vst.add.f32.msk $0xffff, v1  }
0x1dd: {  	v1 =	vld [tilespmem:s9+$0x3000]  }
0x1de: {  	s10 =	simm.s32 $0x0;
	s14 =	simm.s32 $0x0  }
0x1df: {  	s18 =	smul.u32 $0x1800, s14;
	s12 =	sand.u32 $0x7, s10  }
0x1e0: {  	[tilespmem:s16+$0x9000] =	vst.add.f32.msk $0xffff, v2;
	s1 =	smul.u32 $0x300, s12  }
0x1e1: {  	s15 =	simm.s32 $0x6;
	s13 =	smul.u32 $0x60, s12;
	[tilespmem:s21+$0x9000] =	vst.add.f32.msk $0xffff, v0  }
0x1e2: {  	s3 =	sadd.s32 s5, s11;
	s11 =	simm.s32 $0x9000;
	s1 =	sand.u32 $0x1C00, s1;
	[tilespmem:s9+$0x9000] =	vst.add.f32.msk $0xffff, v1  }
0x1e3: {  	[hbm4b:s3+s10] =	stream.linear.scatter [tilespmem:s11], [sflag:$0xC], $0x3000, $0x38;
	[tilespmem:$0x1E000] =	vst v63  }
0x1e4: {  	s16 =	sand.u32 $0x60, s13;
	s1 =	sadd.s32 s18, s1;
	_ =	swait.ge [sflag:s15], $0x3000  }
0x1e5: {  	s17 =	sand.u32 $0x380, s10;
	s20 =	sor.u32 s1, s16;
	[sflag:s15] =	ssyncset.done $0x0  }
0x1e6: {  	s0 =	sor.u32 s17, s20;
	[sflag:s15] =	ssyncadd.s32 $0xFFFFD000  }
0x1e7: {  	v0 =	vld [tilespmem:s0+$0x3000]  }
0x1e8: {  	s21 =	sadd.s32 $0x20, s13;
	v1 =	vld [tilespmem:s0+$0x3010]  }
0x1e9: {  	s31 =	sshll.u32 s21, $0x3  }
0x1ea: {  	s4 =	sand.u32 $0x3C00, s31  }
0x1eb: {  	s1 =	sand.u32 $0x60, s21;
	s4 =	sadd.s32 s18, s4  }
0x1ec: {  	s1 =	sor.u32 s1, s4;
	[tilespmem:s0+$0xF000] =	vst.add.f32.msk $0xffff, v0  }
0x1ed: {  	s12 =	sadd.s32 $0x30, s13;
	[tilespmem:s0+$0xF010] =	vst.add.f32.msk $0xffff, v1;
	s0 =	sor.u32 s17, s1  }
0x1ee: {  	s14 =	sshll.u32 s12, $0x3;
	s9 =	simm.s32 $0x1;
	v0 =	vld [tilespmem:s0+$0x3000]  }
0x1ef: {  	s16 =	sand.u32 $0x3C00, s14;
	s10 =	sand.u32 $0x7, s9  }
0x1f0: {  	s20 =	sadd.s32 s18, s16;
	s16 =	simm.s32 $0x20;
	s11 =	smul.u32 $0x60, s10  }
0x1f1: {  	s9 =	sand.u32 $0x70, s12;
	s15 =	simm.s32 $0x0;
	s1 =	smul.u32 $0x300, s10  }
0x1f2: {  	s21 =	simm.s32 $0x10;
	s9 =	sor.u32 s9, s20;
	s4 =	smul.u32 $0x1800, s15  }
0x1f3: {  	s12 =	sand.u32 $0x380, s21;
	s1 =	sand.u32 $0x1C00, s1;
	[tilespmem:s0+$0xF000] =	vst.add.f32.msk $0xffff, v0;
	s0 =	sor.u32 s17, s9  }
0x1f4: {  	s31 =	sand.u32 $0x60, s11;
	s10 =	sadd.s32 $0x40, s13;
	s1 =	sadd.s32 s4, s1;
	v0 =	vld [tilespmem:s0+$0x3000]  }
0x1f5: {  	s20 =	simm.s32 $0x0;
	s21 =	sshll.u32 s10, $0x3;
	s1 =	sor.u32 s1, s31  }
0x1f6: {  	s15 =	simm.s32 $0x2;
	s14 =	sand.u32 $0x3C00, s21;
	s1 =	sor.u32 s12, s1  }
0x1f7: {  	s14 =	sadd.s32 s18, s14;
	s31 =	sadd.s32 $0x20, s11;
	v1 =	vld [tilespmem:s1+$0x3000];
	s9 =	sand.u32 $0x60, s10  }
0x1f8: {  	s21 =	sadd.s32 $0x50, s13;
	s28 =	sshll.u32 s31, $0x3;
	v2 =	vld [tilespmem:s1+$0x3010];
	s9 =	sor.u32 s9, s14  }
0x1f9: {  	s13 =	smul.u32 $0x1800, s20;
	s14 =	sand.u32 $0x3C00, s28;
	[tilespmem:s0+$0xF000] =	vst.add.f32.msk $0xffff, v0;
	s0 =	sor.u32 s17, s9  }
0x1fa: {  	s31 =	sand.u32 $0x60, s31;
	s10 =	sand.u32 $0x7, s15;
	s14 =	sadd.s32 s4, s14;
	v3 =	vld [tilespmem:s0+$0x3000]  }
0x1fb: {  	s15 =	smul.u32 $0x60, s10;
	s9 =	sor.u32 s31, s14;
	s31 =	sshll.u32 s21, $0x3  }
0x1fc: {  	s10 =	smul.u32 $0x300, s10;
	s28 =	sadd.s32 $0x30, s11;
	[tilespmem:s1+$0xF000] =	vst.add.f32.msk $0xffff, v1;
	s14 =	sand.u32 $0x3C00, s31  }
0x1fd: {  	[tilespmem:s1+$0xF010] =	vst.add.f32.msk $0xffff, v2;
	s21 =	sand.u32 $0x70, s21;
	s20 =	sor.u32 s12, s9;
	s9 =	sadd.s32 s18, s14  }
0x1fe: {  	s1 =	sand.u32 $0x1C00, s10;
	s31 =	sshll.u32 s28, $0x3;
	v0 =	vld [tilespmem:s20+$0x3000];
	s9 =	sor.u32 s21, s9  }
0x1ff: {  	s18 =	simm.s32 $0x3;
	s29 =	sand.u32 $0x3C00, s31;
	s17 =	sor.u32 s17, s9;
	[tilespmem:s0+$0xF000] =	vst.add.f32.msk $0xffff, v3  }
.LBB2_13:
0x200: {  	p0 =	sne.s32 s18, $0x7F;
	s0 =	sand.u32 $0x70, s28;
	s9 =	sadd.s32 s4, s29  }
0x201: {  	v1 =	vld [tilespmem:s17+$0x3000];
	s21 =	smov.u32 s12;
	s10 =	smov.u32 s11;
	s11 =	smov.u32 s15  }
0x202: {  	s1 =	sadd.s32 s13, s1;
	s14 =	sand.u32 $0x60, s11;
	s0 =	sor.u32 s0, s9  }
0x203: {  	s12 =	sand.u32 $0x380, s16;
	s1 =	sor.u32 s1, s14;
	[tilespmem:s20+$0xF000] =	vst.add.f32.msk $0xffff, v0;
	s0 =	sor.u32 s21, s0  }
0x204: {  	s9 =	sadd.s32 $0x40, s10;
	s14 =	smov.u32 s4;
	s1 =	sor.u32 s12, s1;
	v0 =	vld [tilespmem:s0+$0x3000]  }
0x205: {  	s16 =	sadd.s32 $0x10, s16;
	s15 =	sshll.u32 s9, $0x3;
	s4 =	smov.u32 s13;
	v2 =	vld [tilespmem:s1+$0x3000]  }
0x206: {  	s10 =	sadd.s32 $0x50, s10;
	s13 =	sshrl.u32 s18, $0x6;
	s15 =	sand.u32 $0x3C00, s15;
	[tilespmem:s17+$0xF000] =	vst.add.f32.msk $0xffff, v1  }
0x207: {  	s9 =	sand.u32 $0x60, s9;
	s15 =	sadd.s32 s14, s15;
	s17 =	sadd.s32 $0x20, s11;
	v1 =	vld [tilespmem:s1+$0x3010]  }
0x208: {  	s20 =	sand.u32 $0x7, s18;
	s9 =	sor.u32 s9, s15;
	s28 =	sshll.u32 s17, $0x3  }
0x209: {  	s15 =	smul.u32 $0x60, s20;
	s28 =	sand.u32 $0x3C00, s28;
	[tilespmem:s0+$0xF000] =	vst.add.f32.msk $0xffff, v0;
	s0 =	sor.u32 s21, s9  }
0x20a: {  	s13 =	smul.u32 $0x1800, s13;
	s9 =	sand.u32 $0x60, s17;
	s17 =	sadd.s32 s4, s28;
	v3 =	vld [tilespmem:s0+$0x3000]  }
.Ltmp5:
0x20b: {  	s9 =	sor.u32 s9, s17;
	s17 =	sshll.u32 s10, $0x3;
	[tilespmem:s1+$0xF000] =	vst.add.f32.msk $0xffff, v2;
	(pc) =	sbr.rel @p0 .LBB2_13-.Ltmp5, $4  }
0x20c: {  	s29 =	smul.u32 $0x300, s20;
	s20 =	sor.u32 s12, s9;
	[tilespmem:s1+$0xF010] =	vst.add.f32.msk $0xffff, v1;
	s1 =	sand.u32 $0x3C00, s17  }
0x20d: {  	s28 =	sadd.s32 $0x30, s11;
	s9 =	sand.u32 $0x70, s10;
	v0 =	vld [tilespmem:s20+$0x3000];
	s10 =	sadd.s32 s14, s1  }
0x20e: {  	s1 =	sand.u32 $0x1C00, s29;
	s14 =	sshll.u32 s28, $0x3;
	s9 =	sor.u32 s9, s10  }
0x20f: {  	s18 =	sadd.s32 $0x1, s18;
	s29 =	sand.u32 $0x3C00, s14;
	[tilespmem:s0+$0xF000] =	vst.add.f32.msk $0xffff, v3;
	s17 =	sor.u32 s21, s9  }
0x210: {  	s0 =	sand.u32 $0x60, s15;
	s1 =	sadd.s32 s13, s1  }
0x211: {  	s16 =	sand.u32 $0x380, s16;
	s0 =	sor.u32 s1, s0  }
0x212: {  	s0 =	sor.u32 s16, s0  }
0x213: {  	v1 =	vld [tilespmem:s0+$0x3000]  }
0x214: {  	s21 =	sadd.s32 $0x20, s15;
	v2 =	vld [tilespmem:s0+$0x3010]  }
0x215: {  	s9 =	sshll.u32 s21, $0x3  }
0x216: {  	s9 =	sand.u32 $0x3C00, s9  }
0x217: {  	s1 =	sand.u32 $0x60, s21;
	s9 =	sadd.s32 s13, s9  }
0x218: {  	s1 =	sor.u32 s1, s9;
	[tilespmem:s0+$0xF000] =	vst.add.f32.msk $0xffff, v1  }
0x219: {  	[tilespmem:s0+$0xF010] =	vst.add.f32.msk $0xffff, v2;
	s0 =	sor.u32 s16, s1  }
0x21a: {  	s31 =	sadd.s32 $0x30, s15;
	v1 =	vld [tilespmem:s0+$0x3000]  }
0x21b: {  	s18 =	sand.u32 $0x70, s28;
	s10 =	sadd.s32 s4, s29;
	s14 =	sshll.u32 s31, $0x3  }
0x21c: {  	s21 =	sand.u32 $0x3C00, s14;
	s9 =	sor.u32 s18, s10  }
0x21d: {  	[tilespmem:s20+$0xF000] =	vst.add.f32.msk $0xffff, v0;
	s10 =	sadd.s32 s13, s21;
	s9 =	sor.u32 s12, s9;
	s1 =	sand.u32 $0x70, s31  }
0x21e: {  	v0 =	vld [tilespmem:s9+$0x3000];
	s31 =	sadd.s32 $0x40, s11;
	s1 =	sor.u32 s1, s10  }
0x21f: {  	s18 =	sshll.u32 s31, $0x3;
	[tilespmem:s0+$0xF000] =	vst.add.f32.msk $0xffff, v1;
	s0 =	sor.u32 s16, s1  }
0x220: {  	s21 =	sadd.s32 $0x40, s15;
	s20 =	sand.u32 $0x3C00, s18;
	v1 =	vld [tilespmem:s0+$0x3000]  }
0x221: {  	s14 =	sand.u32 $0x60, s31;
	s18 =	sshll.u32 s21, $0x3;
	s1 =	sadd.s32 s4, s20  }
0x222: {  	s31 =	sand.u32 $0x3C00, s18;
	s1 =	sor.u32 s14, s1  }
0x223: {  	[tilespmem:s9+$0xF000] =	vst.add.f32.msk $0xffff, v0;
	s18 =	sand.u32 $0x60, s21;
	s20 =	sadd.s32 s13, s31;
	s1 =	sor.u32 s12, s1  }
0x224: {  	s21 =	sadd.s32 $0x50, s11;
	s9 =	sor.u32 s18, s20;
	v0 =	vld [tilespmem:s1+$0x3000]  }
0x225: {  	s31 =	sshll.u32 s21, $0x3;
	s14 =	sor.u32 s16, s9;
	[tilespmem:s0+$0xF000] =	vst.add.f32.msk $0xffff, v1  }
0x226: {  	s18 =	sand.u32 $0x3C00, s31;
	s20 =	sadd.s32 $0x50, s15;
	v1 =	vld [tilespmem:s14+$0x3000]  }
0x227: {  	s11 =	sand.u32 $0x70, s21;
	s21 =	sadd.s32 s4, s18;
	s31 =	sshll.u32 s20, $0x3  }
0x228: {  	v2 =	vld [tilespmem:s17+$0x3000];
	s4 =	sor.u32 s11, s21;
	s9 =	sand.u32 $0x3C00, s31  }
0x229: {  	s11 =	sor.u32 s12, s4;
	s12 =	sand.u32 $0x70, s20;
	s9 =	sadd.s32 s13, s9;
	[tilespmem:s1+$0xF000] =	vst.add.f32.msk $0xffff, v0  }
0x22a: {  	s4 =	sor.u32 s12, s9;
	v0 =	vld [tilespmem:s11+$0x3000]  }
0x22b: {  	[tilespmem:s14+$0xF000] =	vst.add.f32.msk $0xffff, v1;
	s14 =	sor.u32 s16, s4  }
0x22c: {  	v1 =	vld [tilespmem:s14+$0x3000]  }
0x22d: {  	s16 =	simm.s32 $0x0  }
0x22e: {  	s18 =	sand.u32 $0x7, s16  }
0x22f: {  	[tilespmem:s17+$0xF000] =	vst.add.f32.msk $0xffff, v2;
	s20 =	simm.s32 $0x0;
	s0 =	smul.u32 $0x300, s18  }
0x230: {  	s29 =	simm.s32 $0xF000;
	s15 =	sadd.s32 s5, s8;
	s17 =	smul.u32 $0x1800, s20;
	[tilespmem:s11+$0xF000] =	vst.add.f32.msk $0xffff, v0  }
0x231: {  	s21 =	simm.s32 $0x8;
	s12 =	smul.u32 $0x60, s18;
	s0 =	sand.u32 $0x1C00, s0;
	[tilespmem:s14+$0xF000] =	vst.add.f32.msk $0xffff, v1  }
0x232: {  	[hbm4b:s15+s16] =	stream.linear.scatter [tilespmem:s29], [sflag:$0xE], $0x3000, $0x38;
	[tilespmem:$0x1E000] =	vst v63  }
0x233: {  	s31 =	sand.u32 $0x60, s12;
	s0 =	sadd.s32 s17, s0;
	_ =	swait.ge [sflag:s21], $0x3000  }
0x234: {  	s0 =	sor.u32 s0, s31;
	s16 =	sand.u32 $0x380, s16;
	[sflag:s21] =	ssyncset.done $0x0  }
0x235: {  	s0 =	sor.u32 s16, s0;
	[sflag:s21] =	ssyncadd.s32 $0xFFFFD000  }
0x236: {  	v0 =	vld [tilespmem:s0+$0x3000]  }
0x237: {  	s8 =	sadd.s32 $0x20, s12;
	v1 =	vld [tilespmem:s0+$0x3010]  }
0x238: {  	s9 =	sshll.u32 s8, $0x3  }
0x239: {  	s4 =	sand.u32 $0x3C00, s9  }
0x23a: {  	s1 =	sand.u32 $0x60, s8;
	s4 =	sadd.s32 s17, s4  }
0x23b: {  	s10 =	simm.s32 $0x1;
	s1 =	sor.u32 s1, s4;
	[tilespmem:s0+$0x15000] =	vst.add.f32.msk $0xffff, v0  }
0x23c: {  	s11 =	sand.u32 $0x7, s10;
	[tilespmem:s0+$0x15010] =	vst.add.f32.msk $0xffff, v1;
	s0 =	sor.u32 s16, s1  }
0x23d: {  	s13 =	sadd.s32 $0x30, s12;
	s8 =	smul.u32 $0x60, s11;
	v0 =	vld [tilespmem:s0+$0x3000]  }
0x23e: {  	s10 =	sadd.s32 $0x40, s12;
	s14 =	sshll.u32 s13, $0x3;
	s9 =	sand.u32 $0x70, s13  }
0x23f: {  	s15 =	simm.s32 $0x0;
	s18 =	sand.u32 $0x3C00, s14;
	s31 =	sand.u32 $0x60, s8  }
0x240: {  	s14 =	simm.s32 $0x0;
	s20 =	sadd.s32 s17, s18;
	s1 =	smul.u32 $0x300, s11  }
0x241: {  	s4 =	smul.u32 $0x1800, s15;
	s18 =	simm.s32 $0x2;
	s9 =	sor.u32 s9, s20  }
0x242: {  	s20 =	sshll.u32 s10, $0x3;
	s1 =	sand.u32 $0x1C00, s1;
	[tilespmem:s0+$0x15000] =	vst.add.f32.msk $0xffff, v0;
	s0 =	sor.u32 s16, s9  }
0x243: {  	s21 =	simm.s32 $0x10;
	s13 =	sand.u32 $0x3C00, s20;
	s1 =	sadd.s32 s4, s1;
	v0 =	vld [tilespmem:s0+$0x3000]  }
0x244: {  	s11 =	sand.u32 $0x380, s21;
	s21 =	sadd.s32 $0x20, s8;
	s1 =	sor.u32 s1, s31  }
0x245: {  	s13 =	sadd.s32 s17, s13;
	s31 =	sshll.u32 s21, $0x3;
	s1 =	sor.u32 s11, s1  }
0x246: {  	s20 =	sand.u32 $0x3C00, s31;
	v1 =	vld [tilespmem:s1+$0x3000];
	s9 =	sand.u32 $0x60, s10;
	s10 =	sand.u32 $0x7, s18  }
0x247: {  	v2 =	vld [tilespmem:s1+$0x3010];
	s18 =	sand.u32 $0x60, s21;
	s21 =	sadd.s32 s4, s20;
	s9 =	sor.u32 s9, s13  }
0x248: {  	s20 =	sadd.s32 $0x50, s12;
	s12 =	smul.u32 $0x1800, s14;
	[tilespmem:s0+$0x15000] =	vst.add.f32.msk $0xffff, v0;
	s0 =	sor.u32 s16, s9  }
0x249: {  	s13 =	smul.u32 $0x60, s10;
	v3 =	vld [tilespmem:s0+$0x3000]  }
0x24a: {  	s15 =	simm.s32 $0x20;
	s31 =	sshll.u32 s20, $0x3;
	s10 =	smul.u32 $0x300, s10  }
0x24b: {  	s20 =	sand.u32 $0x70, s20;
	s14 =	sand.u32 $0x3C00, s31;
	[tilespmem:s1+$0x15000] =	vst.add.f32.msk $0xffff, v1;
	s9 =	sor.u32 s18, s21  }
0x24c: {  	[tilespmem:s1+$0x15010] =	vst.add.f32.msk $0xffff, v2;
	s21 =	sadd.s32 $0x30, s8;
	s18 =	sor.u32 s11, s9;
	s9 =	sadd.s32 s17, s14  }
0x24d: {  	s1 =	sand.u32 $0x1C00, s10;
	s31 =	sshll.u32 s21, $0x3;
	v0 =	vld [tilespmem:s18+$0x3000];
	s9 =	sor.u32 s20, s9  }
0x24e: {  	s17 =	simm.s32 $0x3;
	s28 =	sand.u32 $0x3C00, s31;
	s16 =	sor.u32 s16, s9;
	[tilespmem:s0+$0x15000] =	vst.add.f32.msk $0xffff, v3  }
.LBB2_15:
0x24f: {  	p0 =	sne.s32 s17, $0x7F;
	s0 =	sand.u32 $0x70, s21;
	s9 =	sadd.s32 s4, s28  }
0x250: {  	v1 =	vld [tilespmem:s16+$0x3000];
	s20 =	smov.u32 s11;
	s10 =	smov.u32 s8;
	s8 =	smov.u32 s13  }
0x251: {  	s1 =	sadd.s32 s12, s1;
	s13 =	sand.u32 $0x60, s8;
	s0 =	sor.u32 s0, s9  }
0x252: {  	s11 =	sand.u32 $0x380, s15;
	s1 =	sor.u32 s1, s13;
	[tilespmem:s18+$0x15000] =	vst.add.f32.msk $0xffff, v0;
	s0 =	sor.u32 s20, s0  }
0x253: {  	s14 =	smov.u32 s4;
	s9 =	sadd.s32 $0x40, s10;
	s1 =	sor.u32 s11, s1;
	v0 =	vld [tilespmem:s0+$0x3000]  }
0x254: {  	s4 =	smov.u32 s12;
	s12 =	sshrl.u32 s17, $0x6;
	s13 =	sshll.u32 s9, $0x3;
	v2 =	vld [tilespmem:s1+$0x3000]  }
0x255: {  	s15 =	sadd.s32 $0x10, s15;
	s10 =	sadd.s32 $0x50, s10;
	s13 =	sand.u32 $0x3C00, s13;
	[tilespmem:s16+$0x15000] =	vst.add.f32.msk $0xffff, v1  }
0x256: {  	s9 =	sand.u32 $0x60, s9;
	s13 =	sadd.s32 s14, s13;
	s16 =	sadd.s32 $0x20, s8;
	v1 =	vld [tilespmem:s1+$0x3010]  }
0x257: {  	s18 =	sand.u32 $0x7, s17;
	s9 =	sor.u32 s9, s13;
	s21 =	sshll.u32 s16, $0x3  }
0x258: {  	s13 =	smul.u32 $0x60, s18;
	s21 =	sand.u32 $0x3C00, s21;
	[tilespmem:s0+$0x15000] =	vst.add.f32.msk $0xffff, v0;
	s0 =	sor.u32 s20, s9  }
0x259: {  	s12 =	smul.u32 $0x1800, s12;
	s9 =	sand.u32 $0x60, s16;
	s16 =	sadd.s32 s4, s21;
	v3 =	vld [tilespmem:s0+$0x3000]  }
.Ltmp6:
0x25a: {  	s9 =	sor.u32 s9, s16;
	s16 =	sshll.u32 s10, $0x3;
	[tilespmem:s1+$0x15000] =	vst.add.f32.msk $0xffff, v2;
	(pc) =	sbr.rel @p0 .LBB2_15-.Ltmp6, $4  }
0x25b: {  	s28 =	smul.u32 $0x300, s18;
	s18 =	sor.u32 s11, s9;
	[tilespmem:s1+$0x15010] =	vst.add.f32.msk $0xffff, v1;
	s1 =	sand.u32 $0x3C00, s16  }
0x25c: {  	s21 =	sadd.s32 $0x30, s8;
	s9 =	sand.u32 $0x70, s10;
	v0 =	vld [tilespmem:s18+$0x3000];
	s10 =	sadd.s32 s14, s1  }
0x25d: {  	s1 =	sand.u32 $0x1C00, s28;
	s14 =	sshll.u32 s21, $0x3;
	s9 =	sor.u32 s9, s10  }
0x25e: {  	s17 =	sadd.s32 $0x1, s17;
	s28 =	sand.u32 $0x3C00, s14;
	[tilespmem:s0+$0x15000] =	vst.add.f32.msk $0xffff, v3;
	s16 =	sor.u32 s20, s9  }
0x25f: {  	s0 =	sand.u32 $0x60, s13;
	s1 =	sadd.s32 s12, s1  }
0x260: {  	s15 =	sand.u32 $0x380, s15;
	s0 =	sor.u32 s1, s0  }
0x261: {  	s0 =	sor.u32 s15, s0  }
0x262: {  	v1 =	vld [tilespmem:s0+$0x3000]  }
0x263: {  	s17 =	sadd.s32 $0x20, s13;
	v2 =	vld [tilespmem:s0+$0x3010]  }
0x264: {  	s9 =	sshll.u32 s17, $0x3  }
0x265: {  	s9 =	sand.u32 $0x3C00, s9  }
0x266: {  	s1 =	sand.u32 $0x60, s17;
	s9 =	sadd.s32 s12, s9  }
0x267: {  	s1 =	sor.u32 s1, s9;
	[tilespmem:s0+$0x15000] =	vst.add.f32.msk $0xffff, v1  }
0x268: {  	[tilespmem:s0+$0x15010] =	vst.add.f32.msk $0xffff, v2;
	s0 =	sor.u32 s15, s1  }
0x269: {  	s20 =	sadd.s32 $0x30, s13;
	v1 =	vld [tilespmem:s0+$0x3000]  }
0x26a: {  	s31 =	sand.u32 $0x70, s21;
	s10 =	sadd.s32 s4, s28;
	s14 =	sshll.u32 s20, $0x3  }
0x26b: {  	s17 =	sand.u32 $0x3C00, s14;
	s9 =	sor.u32 s31, s10  }
0x26c: {  	[tilespmem:s18+$0x15000] =	vst.add.f32.msk $0xffff, v0;
	s10 =	sadd.s32 s12, s17;
	s9 =	sor.u32 s11, s9;
	s1 =	sand.u32 $0x70, s20  }
0x26d: {  	s18 =	sadd.s32 $0x40, s8;
	v0 =	vld [tilespmem:s9+$0x3000];
	s1 =	sor.u32 s1, s10  }
0x26e: {  	s20 =	sshll.u32 s18, $0x3;
	[tilespmem:s0+$0x15000] =	vst.add.f32.msk $0xffff, v1;
	s0 =	sor.u32 s15, s1  }
0x26f: {  	s28 =	sadd.s32 $0x40, s13;
	s21 =	sand.u32 $0x3C00, s20;
	v1 =	vld [tilespmem:s0+$0x3000]  }
0x270: {  	s14 =	sand.u32 $0x60, s18;
	s17 =	sshll.u32 s28, $0x3;
	s1 =	sadd.s32 s4, s21  }
0x271: {  	s31 =	sand.u32 $0x3C00, s17;
	s1 =	sor.u32 s14, s1  }
0x272: {  	s17 =	sadd.s32 s12, s31;
	s10 =	sand.u32 $0x60, s28;
	[tilespmem:s9+$0x15000] =	vst.add.f32.msk $0xffff, v0;
	s1 =	sor.u32 s11, s1  }
0x273: {  	s18 =	sadd.s32 $0x50, s8;
	s9 =	sor.u32 s10, s17;
	v0 =	vld [tilespmem:s1+$0x3000]  }
0x274: {  	s20 =	sshll.u32 s18, $0x3;
	s21 =	sor.u32 s15, s9;
	[tilespmem:s0+$0x15000] =	vst.add.f32.msk $0xffff, v1  }
0x275: {  	s31 =	sadd.s32 $0x50, s13;
	s28 =	sand.u32 $0x3C00, s20;
	v1 =	vld [tilespmem:s21+$0x3000]  }
0x276: {  	s13 =	sshll.u32 s31, $0x3;
	s8 =	sand.u32 $0x70, s18;
	s9 =	sadd.s32 s4, s28  }
0x277: {  	v2 =	vld [tilespmem:s16+$0x3000];
	s4 =	sor.u32 s8, s9;
	s14 =	sand.u32 $0x3C00, s13  }
0x278: {  	s18 =	sand.u32 $0x70, s31;
	s17 =	sor.u32 s11, s4;
	s8 =	sadd.s32 s12, s14;
	[tilespmem:s1+$0x15000] =	vst.add.f32.msk $0xffff, v0  }
0x279: {  	s4 =	sor.u32 s18, s8;
	v0 =	vld [tilespmem:s17+$0x3000]  }
0x27a: {  	s20 =	sor.u32 s15, s4;
	[tilespmem:s21+$0x15000] =	vst.add.f32.msk $0xffff, v1  }
0x27b: {  	v1 =	vld [tilespmem:s20+$0x3000]  }
0x27c: {  	s28 =	simm.s32 $0x0  }
0x27d: {  	s4 =	sand.u32 $0x7, s28  }
0x27e: {  	[tilespmem:s16+$0x15000] =	vst.add.f32.msk $0xffff, v2;
	s8 =	simm.s32 $0x0;
	s0 =	smul.u32 $0x300, s4  }
0x27f: {  	s31 =	simm.s32 $0x15000;
	s9 =	simm.s32 $0xA;
	s16 =	smul.u32 $0x1800, s8;
	[tilespmem:s17+$0x15000] =	vst.add.f32.msk $0xffff, v0  }
0x280: {  	s11 =	smul.u32 $0x60, s4;
	s0 =	sand.u32 $0x1C00, s0;
	s21 =	sadd.s32 $0x180000, s3;
	[tilespmem:s20+$0x15000] =	vst.add.f32.msk $0xffff, v1  }
0x281: {  	[hbm4b:s21+s28] =	stream.linear.scatter [tilespmem:s31], [sflag:$0x10], $0x3000, $0x38;
	[tilespmem:$0x1E000] =	vst v63  }
0x282: {  	s10 =	sand.u32 $0x60, s11;
	s0 =	sadd.s32 s16, s0;
	_ =	swait.ge [sflag:s9], $0x3000  }
0x283: {  	s15 =	sand.u32 $0x380, s28;
	s0 =	sor.u32 s0, s10;
	[sflag:s9] =	ssyncset.done $0x0  }
0x284: {  	s0 =	sor.u32 s15, s0;
	[sflag:s9] =	ssyncadd.s32 $0xFFFFD000  }
0x285: {  	v0 =	vld [tilespmem:s0+$0x3000]  }
0x286: {  	s12 =	sadd.s32 $0x20, s11;
	v1 =	vld [tilespmem:s0+$0x3010]  }
0x287: {  	s13 =	sshll.u32 s12, $0x3  }
0x288: {  	s3 =	sand.u32 $0x3C00, s13  }
0x289: {  	s1 =	sand.u32 $0x60, s12;
	s3 =	sadd.s32 s16, s3  }
0x28a: {  	s14 =	simm.s32 $0x1;
	s1 =	sor.u32 s1, s3;
	[tilespmem:s0+$0x1B000] =	vst.add.f32.msk $0xffff, v0  }
0x28b: {  	s18 =	sand.u32 $0x7, s14;
	s17 =	sor.u32 s15, s1;
	[tilespmem:s0+$0x1B010] =	vst.add.f32.msk $0xffff, v1  }
0x28c: {  	s4 =	smul.u32 $0x60, s18;
	s20 =	sadd.s32 $0x30, s11;
	v0 =	vld [tilespmem:s17+$0x3000]  }
0x28d: {  	s21 =	sshll.u32 s20, $0x3  }
0x28e: {  	s14 =	sand.u32 $0x60, s4;
	s1 =	smul.u32 $0x300, s18;
	s31 =	sand.u32 $0x3C00, s21  }
0x28f: {  	s28 =	simm.s32 $0x0;
	s8 =	sand.u32 $0x70, s20;
	s12 =	sadd.s32 s16, s31  }
0x290: {  	s13 =	simm.s32 $0x10;
	s3 =	smul.u32 $0x1800, s28;
	s8 =	sor.u32 s8, s12  }
0x291: {  	s1 =	sand.u32 $0x1C00, s1;
	s20 =	sadd.s32 $0x40, s11;
	[tilespmem:s17+$0x1B000] =	vst.add.f32.msk $0xffff, v0;
	s17 =	sor.u32 s15, s8  }
0x292: {  	s21 =	simm.s32 $0x2;
	s28 =	sshll.u32 s20, $0x3;
	s1 =	sadd.s32 s3, s1;
	v0 =	vld [tilespmem:s17+$0x3000]  }
0x293: {  	s31 =	sadd.s32 $0x20, s4;
	s1 =	sor.u32 s1, s14;
	s8 =	sand.u32 $0x380, s13  }
0x294: {  	s10 =	sand.u32 $0x7, s21;
	s12 =	sand.u32 $0x3C00, s28;
	s1 =	sor.u32 s8, s1  }
0x295: {  	s9 =	sand.u32 $0x60, s20;
	s20 =	sshll.u32 s31, $0x3;
	s12 =	sadd.s32 s16, s12;
	v1 =	vld [tilespmem:s1+$0x3000]  }
0x296: {  	s21 =	sand.u32 $0x60, s31;
	s14 =	simm.s32 $0x0;
	s9 =	sor.u32 s9, s12;
	v2 =	vld [tilespmem:s1+$0x3010]  }
0x297: {  	s18 =	sand.u32 $0x3C00, s20;
	s12 =	smul.u32 $0x60, s10;
	s0 =	sor.u32 s15, s9;
	[tilespmem:s17+$0x1B000] =	vst.add.f32.msk $0xffff, v0  }
0x298: {  	s31 =	sadd.s32 $0x50, s11;
	s28 =	sadd.s32 s3, s18;
	s11 =	smul.u32 $0x1800, s14;
	v3 =	vld [tilespmem:s0+$0x3000]  }
0x299: {  	s20 =	sshll.u32 s31, $0x3;
	s10 =	smul.u32 $0x300, s10;
	s9 =	sor.u32 s21, s28  }
0x29a: {  	s21 =	sand.u32 $0x3C00, s20;
	s20 =	sadd.s32 $0x30, s4;
	s28 =	sand.u32 $0x70, s31;
	[tilespmem:s1+$0x1B000] =	vst.add.f32.msk $0xffff, v1  }
0x29b: {  	s31 =	sshll.u32 s20, $0x3;
	s17 =	sor.u32 s8, s9;
	s9 =	sadd.s32 s16, s21;
	[tilespmem:s1+$0x1B010] =	vst.add.f32.msk $0xffff, v2  }
0x29c: {  	s13 =	simm.s32 $0x20;
	s16 =	simm.s32 $0x3;
	s9 =	sor.u32 s28, s9;
	v0 =	vld [tilespmem:s17+$0x3000]  }
0x29d: {  	s21 =	sand.u32 $0x3C00, s31;
	s1 =	sand.u32 $0x1C00, s10;
	s15 =	sor.u32 s15, s9;
	[tilespmem:s0+$0x1B000] =	vst.add.f32.msk $0xffff, v3  }
.LBB2_17:
0x29e: {  	p0 =	sne.s32 s16, $0x7F;
	s0 =	sand.u32 $0x70, s20;
	s9 =	sadd.s32 s3, s21  }
0x29f: {  	v1 =	vld [tilespmem:s15+$0x3000];
	s18 =	smov.u32 s8;
	s10 =	smov.u32 s4;
	s4 =	smov.u32 s12  }
0x2a0: {  	s1 =	sadd.s32 s11, s1;
	s12 =	sand.u32 $0x60, s4;
	s0 =	sor.u32 s0, s9  }
0x2a1: {  	s8 =	sand.u32 $0x380, s13;
	s1 =	sor.u32 s1, s12;
	[tilespmem:s17+$0x1B000] =	vst.add.f32.msk $0xffff, v0;
	s0 =	sor.u32 s18, s0  }
0x2a2: {  	s14 =	smov.u32 s3;
	s9 =	sadd.s32 $0x40, s10;
	s1 =	sor.u32 s8, s1;
	v0 =	vld [tilespmem:s0+$0x3000]  }
0x2a3: {  	s3 =	smov.u32 s11;
	s11 =	sshrl.u32 s16, $0x6;
	s12 =	sshll.u32 s9, $0x3;
	v2 =	vld [tilespmem:s1+$0x3000]  }
0x2a4: {  	s13 =	sadd.s32 $0x10, s13;
	s10 =	sadd.s32 $0x50, s10;
	s12 =	sand.u32 $0x3C00, s12;
	[tilespmem:s15+$0x1B000] =	vst.add.f32.msk $0xffff, v1  }
0x2a5: {  	s9 =	sand.u32 $0x60, s9;
	s12 =	sadd.s32 s14, s12;
	s15 =	sadd.s32 $0x20, s4;
	v1 =	vld [tilespmem:s1+$0x3010]  }
0x2a6: {  	s17 =	sand.u32 $0x7, s16;
	s9 =	sor.u32 s9, s12;
	s20 =	sshll.u32 s15, $0x3  }
0x2a7: {  	s12 =	smul.u32 $0x60, s17;
	s20 =	sand.u32 $0x3C00, s20;
	[tilespmem:s0+$0x1B000] =	vst.add.f32.msk $0xffff, v0;
	s0 =	sor.u32 s18, s9  }
0x2a8: {  	s11 =	smul.u32 $0x1800, s11;
	s9 =	sand.u32 $0x60, s15;
	s15 =	sadd.s32 s3, s20;
	v3 =	vld [tilespmem:s0+$0x3000]  }
.Ltmp7:
0x2a9: {  	s9 =	sor.u32 s9, s15;
	s15 =	sshll.u32 s10, $0x3;
	[tilespmem:s1+$0x1B000] =	vst.add.f32.msk $0xffff, v2;
	(pc) =	sbr.rel @p0 .LBB2_17-.Ltmp7, $4  }
0x2aa: {  	s21 =	smul.u32 $0x300, s17;
	s17 =	sor.u32 s8, s9;
	[tilespmem:s1+$0x1B010] =	vst.add.f32.msk $0xffff, v1;
	s1 =	sand.u32 $0x3C00, s15  }
0x2ab: {  	s20 =	sadd.s32 $0x30, s4;
	s9 =	sand.u32 $0x70, s10;
	v0 =	vld [tilespmem:s17+$0x3000];
	s10 =	sadd.s32 s14, s1  }
0x2ac: {  	s1 =	sand.u32 $0x1C00, s21;
	s14 =	sshll.u32 s20, $0x3;
	s9 =	sor.u32 s9, s10  }
0x2ad: {  	s16 =	sadd.s32 $0x1, s16;
	s21 =	sand.u32 $0x3C00, s14;
	[tilespmem:s0+$0x1B000] =	vst.add.f32.msk $0xffff, v3;
	s15 =	sor.u32 s18, s9  }
0x2ae: {  	s0 =	sand.u32 $0x60, s12;
	s1 =	sadd.s32 s11, s1  }
0x2af: {  	s13 =	sand.u32 $0x380, s13;
	s0 =	sor.u32 s1, s0  }
0x2b0: {  	s0 =	sor.u32 s13, s0  }
0x2b1: {  	v1 =	vld [tilespmem:s0+$0x3000]  }
0x2b2: {  	s18 =	sadd.s32 $0x20, s12;
	v2 =	vld [tilespmem:s0+$0x3010]  }
0x2b3: {  	s9 =	sshll.u32 s18, $0x3  }
0x2b4: {  	s9 =	sand.u32 $0x3C00, s9  }
0x2b5: {  	s1 =	sand.u32 $0x60, s18;
	s9 =	sadd.s32 s11, s9  }
0x2b6: {  	s1 =	sor.u32 s1, s9;
	[tilespmem:s0+$0x1B000] =	vst.add.f32.msk $0xffff, v1  }
0x2b7: {  	s28 =	sor.u32 s13, s1;
	[tilespmem:s0+$0x1B010] =	vst.add.f32.msk $0xffff, v2  }
0x2b8: {  	s31 =	sadd.s32 $0x30, s12;
	v1 =	vld [tilespmem:s28+$0x3000]  }
0x2b9: {  	s16 =	sand.u32 $0x70, s20;
	s10 =	sadd.s32 s3, s21;
	s14 =	sshll.u32 s31, $0x3  }
0x2ba: {  	s18 =	sand.u32 $0x3C00, s14;
	s9 =	sor.u32 s16, s10  }
0x2bb: {  	[tilespmem:s17+$0x1B000] =	vst.add.f32.msk $0xffff, v0;
	s10 =	sadd.s32 s11, s18;
	s9 =	sor.u32 s8, s9;
	s1 =	sand.u32 $0x70, s31  }
0x2bc: {  	s20 =	sadd.s32 $0x40, s4;
	v0 =	vld [tilespmem:s9+$0x3000];
	s1 =	sor.u32 s1, s10  }
0x2bd: {  	s21 =	sshll.u32 s20, $0x3;
	s0 =	sor.u32 s13, s1;
	[tilespmem:s28+$0x1B000] =	vst.add.f32.msk $0xffff, v1  }
0x2be: {  	s31 =	sadd.s32 $0x40, s12;
	s28 =	sand.u32 $0x3C00, s21;
	v1 =	vld [tilespmem:s0+$0x3000]  }
0x2bf: {  	s14 =	sand.u32 $0x60, s20;
	s16 =	sshll.u32 s31, $0x3;
	s1 =	sadd.s32 s3, s28  }
0x2c0: {  	s17 =	sand.u32 $0x3C00, s16;
	s1 =	sor.u32 s14, s1  }
0x2c1: {  	s18 =	sand.u32 $0x60, s31;
	s20 =	sadd.s32 s11, s17;
	[tilespmem:s9+$0x1B000] =	vst.add.f32.msk $0xffff, v0;
	s1 =	sor.u32 s8, s1  }
0x2c2: {  	s9 =	sor.u32 s18, s20;
	s21 =	sadd.s32 $0x50, s4;
	v0 =	vld [tilespmem:s1+$0x3000]  }
0x2c3: {  	s31 =	sor.u32 s13, s9;
	s28 =	sshll.u32 s21, $0x3;
	[tilespmem:s0+$0x1B000] =	vst.add.f32.msk $0xffff, v1  }
0x2c4: {  	s10 =	sand.u32 $0x3C00, s28;
	s14 =	sadd.s32 $0x50, s12;
	v1 =	vld [tilespmem:s31+$0x3000]  }
0x2c5: {  	s4 =	sand.u32 $0x70, s21;
	s16 =	sadd.s32 s3, s10;
	s17 =	sshll.u32 s14, $0x3  }
0x2c6: {  	v63 =	vld [tilespmem:s15+$0x3000];
	s3 =	sor.u32 s4, s16;
	s18 =	sand.u32 $0x3C00, s17  }
0x2c7: {  	s21 =	sand.u32 $0x70, s14;
	s20 =	sor.u32 s8, s3;
	s4 =	sadd.s32 s11, s18;
	[tilespmem:s1+$0x1B000] =	vst.add.f32.msk $0xffff, v0  }
0x2c8: {  	s3 =	sor.u32 s21, s4;
	v0 =	vld [tilespmem:s20+$0x3000]  }
0x2c9: {  	s28 =	sor.u32 s13, s3;
	[tilespmem:s31+$0x1B000] =	vst.add.f32.msk $0xffff, v1  }
0x2ca: {  	s7 =	sadd.s32 $0x1, s7;
	v1 =	vld [tilespmem:s28+$0x3000]  }
0x2cb: {  	p0 =	sne.s32 s7, $0x8  }
.Ltmp8:
0x2cc: {  	_ = 	snop;
	(pc) =	sbr.rel @p0 .LBB2_2-.Ltmp8, $4  }
0x2cd: {  	[tilespmem:s15+$0x1B000] =	vst.add.f32.msk $0xffff, v63  }
0x2ce: {  	[tilespmem:s20+$0x1B000] =	vst.add.f32.msk $0xffff, v0  }
0x2cf: {  	s9 =	simm.s32 $0x1B000;
	s31 =	sadd.s32 s5, s19;
	[tilespmem:s28+$0x1B000] =	vst.add.f32.msk $0xffff, v1  }
0x2d0: {  	[hbm4b:s31+s6] =	stream.linear.scatter [tilespmem:s9], [sflag:$0x12], $0x3000, $0x38;
	[tilespmem:$0x1E000] =	vst v63  }
0x2d1: {  	s0 =	simm.s32 $0x1  }
0x2d2: {  	_ =	swait.ge [sflag:s0], $0x3000  }
0x2d3: {  	[sflag:s0] =	ssyncset.done $0x0  }
0x2d4: {  	s19 =	simm.s32 $0xC;
	[sflag:s0] =	ssyncadd.s32 $0xFFFFD000  }
0x2d5: {  	_ =	swait.ge [sflag:s19], $0x3000  }
0x2d6: {  	[sflag:s19] =	ssyncset.done $0x0  }
0x2d7: {  	[sflag:s19] =	ssyncadd.s32 $0xFFFFD000  }
0x2d8: {  	_ =	swait.ge [sflag:s23], $0x3000  }
0x2d9: {  	[sflag:s23] =	ssyncset.done $0x0  }
0x2da: {  	s20 =	simm.s32 $0xE;
	[sflag:s23] =	ssyncadd.s32 $0xFFFFD000  }
0x2db: {  	_ =	swait.ge [sflag:s20], $0x3000  }
0x2dc: {  	[sflag:s20] =	ssyncset.done $0x0  }
0x2dd: {  	[sflag:s20] =	ssyncadd.s32 $0xFFFFD000  }
0x2de: {  	_ =	swait.ge [sflag:s24], $0x3000  }
0x2df: {  	[sflag:s24] =	ssyncset.done $0x0  }
0x2e0: {  	s21 =	simm.s32 $0x10;
	[sflag:s24] =	ssyncadd.s32 $0xFFFFD000  }
0x2e1: {  	_ =	swait.ge [sflag:s21], $0x3000  }
0x2e2: {  	[sflag:s21] =	ssyncset.done $0x0  }
0x2e3: {  	[sflag:s21] =	ssyncadd.s32 $0xFFFFD000  }
0x2e4: {  	_ =	swait.ge [sflag:s25], $0x3000  }
0x2e5: {  	[sflag:s25] =	ssyncset.done $0x0  }
0x2e6: {  	s28 =	simm.s32 $0x12;
	[sflag:s25] =	ssyncadd.s32 $0xFFFFD000  }
0x2e7: {  	_ =	swait.ge [sflag:s28], $0x3000  }
0x2e8: {  	[sflag:s28] =	ssyncset.done $0x0  }
0x2e9: {  	[sflag:s28] =	ssyncadd.s32 $0xFFFFD000  }
0x2ea: {  	_ =	swait.ge [sflag:s26], $0x3000  }
0x2eb: {  	s1 =	rddreg [dreg:$0xd]  }
0x2ec: {  	s31 =	rddreg [dreg:$0xc];
	s1 =	sadd.s32 $0x1, s1  }
0x2ed: {  	p0 =	sne.s32 s1, s31  }
.Ltmp9:
0x2ee: {  	_ = 	snop;
	(pc) =	sbr.rel @p0 .LBB2_1-.Ltmp9, $3  }
0x2ef: {  	_ =	sdelay $0x1  }
0x2f0: {  	[sflag:s26] =	ssyncset.done $0x0  }
0x2f1: {  	[sflag:s26] =	ssyncadd.s32 $0xFFFFD000  }
0x2f2: {  	_ =	sfence.sel $0x180000  }
0x2f3: {  	[bflag:$0x0] =	sbarrier.arrive $0xFFFF  }
0x2f4: {  	_ =	strace $0x90000047  }
0x2f5: {  	s0 =	stileid.u32;
	[bflag:$0x2] =	sbarrier.arrive $0xFFFF  }
0x2f6: {  	p0 =	sne.s32 s0, $0x0;
	s0 =	rddreg [dreg:$0x3]  }
0x2f7: {  	s0 =	sadd.s32 @!p0 $0x100000, s0  }
0x2f8: {  	[sflag:s0] =	ssyncadd.tile.s32 @!p0 $0x1;
	_ =	shalt  }
.Lfunc_end2:
_tile_overlayer_lowered:
.L_overlay_start_2:
0x2f9: {  	(tag) =	ssettag $0x2  }
0x2fa: {  	s0 =	rddreg [dreg:$0x0];
	s2 =	stileid.u32  }
0x2fb: {  	s1 =	rddreg [dreg:$0x1];
	p0 =	sne.s32 s2, $0x0  }
0x2fc: {  	s3 =	rddreg [dreg:$0x2];
	[bflag:$0x3] =	sbarrier.arrive $0xFFFF;
	s2 =	simm.s32 @!p0 $0x1C13  }
0x2fd: {  	[timem:s3], [sflag:s2] =	dma.local @!p0 [hbm:s0], s1  }
0x2fe: {  	s0 =	simm.s32 @!p0 $0x13  }
0x2ff: {  	_ =	swait.ge @!p0 [sflag:s0], s1  }
0x300: {  	s1 =	ssub.s32 @!p0 $0x0, s1;
	[sflag:s0] =	ssyncset.done @!p0 $0x0  }
0x301: {  	[sflag:s0] =	ssyncadd.s32 @!p0 s1  }
0x302: {  	[bflag:$0x3] =	sbarrier.arrive $0xFFFF  }
0x303: {  	_ =	shalt  }

</sc_bundles>
